<compile_context>
chip_gen: v7x
topology: tpu7x:2x2x1
jax: 0.10.2.dev20260603
libtpu: 0.0.44.dev20260713+nightly
codegen_flags: <defaults>
</compile_context>

<pallas_src>
import functools

import jax
import jax.numpy as jnp
from jax import lax
from jax.experimental import pallas as pl
from jax.experimental.pallas import tpu as pltpu
from jax.experimental.pallas import tpu_sc as plsc

D = 64
LANES = 16
NC, NS = 2, 16
NW = NC * NS
CHUNK = 512
SUB = 128
SUBS = CHUNK // SUB


def _normalize_chunk(rows_v, sbuf, n_groups):
    lane = lax.iota(jnp.int32, LANES)

    def group_body(g, _):
        r0 = g * LANES
        for rl in range(LANES):
            r = r0 + rl
            v0 = rows_v[r, pl.ds(0, LANES)]
            v1 = rows_v[r, pl.ds(LANES, LANES)]
            v2 = rows_v[r, pl.ds(2 * LANES, LANES)]
            v3 = rows_v[r, pl.ds(3 * LANES, LANES)]
            sbuf[rl, :] = (v0 * v0 + v1 * v1) + (v2 * v2 + v3 * v3)
        acc = jnp.zeros((LANES,), jnp.float32)
        for c in range(LANES):
            cv = lax.bitwise_and(lane + c, LANES - 1)
            acc = acc + plsc.load_gather(sbuf, [lane, cv])
        i = lax.bitcast_convert_type(acc, jnp.int32)
        i = 0x5F3759DF - lax.shift_right_logical(i, 1)
        y = lax.bitcast_convert_type(i, jnp.float32)
        xh = acc * 0.5
        for _ in range(3):
            y = y * (1.5 - xh * y * y)
        y = jnp.minimum(y, 1e12)
        for rl in range(LANES):
            r = r0 + rl
            yb = lax.broadcast(y[rl], (LANES,))
            for q in range(4):
                sl = pl.ds(q * LANES, LANES)
                rows_v[r, sl] = rows_v[r, sl] * yb
        return 0

    lax.fori_loop(0, n_groups, group_body, 0)


def _make_sc_kernel(n_rows):
    rows_per_w = n_rows // NW
    n_chunks = rows_per_w // CHUNK
    idx_rows_w = rows_per_w // SUB
    assert n_chunks % 2 == 0
    mesh = plsc.VectorSubcoreMesh(
        core_axis_name="c", subcore_axis_name="s", num_cores=NC, num_subcores=NS
    )

    @functools.partial(
        pl.kernel,
        out_type=jax.ShapeDtypeStruct((n_rows, D), jnp.float32),
        mesh=mesh,
        compiler_params=pltpu.CompilerParams(
            needs_layout_passes=False, use_tc_tiling_on_sc=False
        ),
        scratch_types=[
            pltpu.VMEM((idx_rows_w, SUB), jnp.int32),
            pltpu.VMEM((CHUNK, D), jnp.float32),
            pltpu.VMEM((CHUNK, D), jnp.float32),
            pltpu.VMEM((LANES, LANES), jnp.float32),
            pltpu.SemaphoreType.DMA,
            pltpu.SemaphoreType.DMA,
            pltpu.SemaphoreType.DMA,
            pltpu.SemaphoreType.DMA,
        ],
    )
    def gather_norm(
        table_hbm, idx_hbm, out_hbm,
        idx_v, rows0, rows1, sbuf, gsem0, gsem1, wsem0, wsem1,
    ):
        wid = lax.axis_index("s") * NC + lax.axis_index("c")
        row0 = wid * rows_per_w

        pltpu.sync_copy(idx_hbm.at[pl.ds(wid * idx_rows_w, idx_rows_w)], idx_v)

        bufs = (rows0, rows1)
        gsems = (gsem0, gsem1)
        wsems = (wsem0, wsem1)

        def issue_gather(ci, buf, gsem):
            for j in range(SUBS):
                pltpu.async_copy(
                    table_hbm.at[idx_v.at[ci * SUBS + j]],
                    buf.at[pl.ds(j * SUB, SUB)],
                    gsem,
                )

        def drain_gather(ci, buf, gsem):
            for j in range(SUBS):
                pltpu.make_async_copy(
                    table_hbm.at[idx_v.at[ci * SUBS + j]],
                    buf.at[pl.ds(j * SUB, SUB)],
                    gsem,
                ).wait()

        out_dummy = out_hbm.at[pl.ds(0, CHUNK)]

        issue_gather(0, rows0, gsem0)

        def step(k, _):
            for b in range(2):
                i = 2 * k + b
                buf, gsem, wsem = bufs[b], gsems[b], wsems[b]
                nbuf, ngsem, nwsem = bufs[1 - b], gsems[1 - b], wsems[1 - b]

                @pl.when(i + 1 < n_chunks)
                def _():
                    @pl.when(i >= 1)
                    def _():
                        pltpu.make_async_copy(nbuf, out_dummy, nwsem).wait()

                    issue_gather(i + 1, nbuf, ngsem)

                drain_gather(i, buf, gsem)
                _normalize_chunk(buf, sbuf, CHUNK // LANES)
                pltpu.async_copy(
                    buf, out_hbm.at[pl.ds(row0 + i * CHUNK, CHUNK)], wsem
                )
            return 0

        lax.fori_loop(0, n_chunks // 2, step, 0)
        pltpu.make_async_copy(rows0, out_dummy, wsem0).wait()
        pltpu.make_async_copy(rows1, out_dummy, wsem1).wait()

    return gather_norm


def kernel(inputs, weights):
    b, h = inputs.shape
    n_rows = b * h
    idx = inputs.reshape(n_rows // SUB, SUB).astype(jnp.int32)
    out = _make_sc_kernel(n_rows)(weights, idx)
    return out.reshape(b, h, D)

# --- scband reference (transcript-rebuilt; emitter-appended) ---
"""Pipeline reference for scband-embedding-26388279066726 (READ-ONLY COPY).

The authoritative reference and input builder live on the scoring server;
editing this copy changes nothing except your own understanding.
"""

import jax, jax.numpy as jnp
import numpy as np

VOCAB_DIM = 1000000
EMBED_DIM = 64
BATCH = 16384
HIST = 50

def setup_inputs(seed: int = 0) -> dict:
    key = jax.random.key(seed)
    k_idx, k_w = jax.random.split(key)
    inputs = jax.random.randint(k_idx, (BATCH, HIST), 0, VOCAB_DIM, dtype=jnp.int64 if jax.config.read('jax_enable_x64') else jnp.int32)
    weights = jax.random.uniform(k_w, (VOCAB_DIM, EMBED_DIM), dtype=jnp.float32, minval=-0.01, maxval=0.01)
    return {"inputs": inputs, "weights": weights}

def reference(inputs, weights):
    # gather rows from the embedding table
    gathered = jnp.take(weights, inputs, axis=0)  # [B, L, D]
    # torch.nn.functional.normalize(x, dim=-1): x / max(||x||_2, eps), eps=1e-12
    norm = jnp.linalg.norm(gathered, ord=2, axis=-1, keepdims=True)
    out = gathered / jnp.maximum(norm, 1e-12)
    return out

if __name__ == "__main__":
    import jax
    _d = setup_inputs()
    print(jax.jit(kernel)(*tuple(_d.values())))

</pallas_src>

<mosaic_0001>
#map = affine_map<(d0, d1) -> (0, 0)>
module attributes {stable_mosaic.version = 14 : i64} {
  func.func @gather_norm(%arg0: i32, %arg1: i32, %arg2: memref<1000000x64xf32, #tpu.memory_space<hbm>>, %arg3: memref<6400x128xi32, #tpu.memory_space<hbm>>, %arg4: memref<819200x64xf32, #tpu.memory_space<hbm>>, %arg5: memref<200x128xi32, #tpu.memory_space<vmem>>, %arg6: memref<512x64xf32, #tpu.memory_space<vmem>>, %arg7: memref<512x64xf32, #tpu.memory_space<vmem>>, %arg8: memref<16x16xf32, #tpu.memory_space<vmem>>, %arg9: memref<!tpu.dma_semaphore, #tpu.memory_space<semaphore_mem>>, %arg10: memref<!tpu.dma_semaphore, #tpu.memory_space<semaphore_mem>>, %arg11: memref<!tpu.dma_semaphore, #tpu.memory_space<semaphore_mem>>, %arg12: memref<!tpu.dma_semaphore, #tpu.memory_space<semaphore_mem>>) attributes {dimension_semantics = [#tpu.dimension_semantics<core_parallel>, #tpu.dimension_semantics<subcore_parallel>], iteration_bounds = array<i64: 2, 16>, scalar_prefetch = 0 : i64, scratch_operands = 8 : i64, tpu.core_type = #tpu.core_type<sc_vector_subcore>, window_params = [{transform_indices = #map}, {transform_indices = #map}, {transform_indices = #map}]} {
    %mul3A = arith.constant 2 : i32
    %mul3A_0 = arith.muli %arg1, %mul3A : i32
    %add3A = arith.addi %mul3A_0, %arg0 : i32
    %mul3A_1 = arith.constant 25600 : i32
    %mul3A_2 = arith.muli %add3A, %mul3A_1 : i32
    %mul3A_3 = arith.constant 200 : i32
    %mul3A_4 = arith.muli %add3A, %mul3A_3 : i32
    "tpu.region"() ({
      %run_scoped3A = tpu.sem_alloc : memref<!tpu.dma_semaphore, #tpu.memory_space<semaphore_mem>>
      %dma_start3A_61 = arith.constant 0 : i32
      %dma_start3A_62 = tpu.memref_slice %arg3[%mul3A_4, %dma_start3A_61] : memref<6400x128xi32, #tpu.memory_space<hbm>> -> memref<200x128xi32, #tpu.memory_space<hbm>>
      %dma_start3A_63 = arith.constant 0 : i32
      %dma_start3A_64 = tpu.memref_slice %arg3[%mul3A_4, %dma_start3A_63] : memref<6400x128xi32, #tpu.memory_space<hbm>> -> memref<200x128xi32, #tpu.memory_space<hbm>>
      tpu.enqueue_dma source(%dma_start3A_64 : memref<200x128xi32, #tpu.memory_space<hbm>>) target(%arg5 : memref<200x128xi32, #tpu.memory_space<vmem>>) target_semaphore(%run_scoped3A : memref<!tpu.dma_semaphore, #tpu.memory_space<semaphore_mem>>)
      %dma_wait3A_65 = arith.constant 0 : i32
      %dma_wait3A_66 = tpu.memref_slice %arg3[%mul3A_4, %dma_wait3A_65] : memref<6400x128xi32, #tpu.memory_space<hbm>> -> memref<200x128xi32, #tpu.memory_space<hbm>>
      %dma_wait3A_67 = arith.constant 0 : i32
      %dma_wait3A_68 = tpu.memref_slice %arg3[%mul3A_4, %dma_wait3A_67] : memref<6400x128xi32, #tpu.memory_space<hbm>> -> memref<200x128xi32, #tpu.memory_space<hbm>>
      tpu.wait_dma2 semaphore(%run_scoped3A : memref<!tpu.dma_semaphore, #tpu.memory_space<semaphore_mem>>) src(%dma_wait3A_68 : memref<200x128xi32, #tpu.memory_space<hbm>>) dst(%arg5 : memref<200x128xi32, #tpu.memory_space<vmem>>)
      tpu.yield
    }) : () -> ()
    %dma_start3A = arith.constant 0 : i32
    %dma_start3A_5 = arith.constant 0 : i32
    %dma_start3A_6 = arith.constant 0 : i32
    %dma_start3A_7 = tpu.memref_slice %arg6[%dma_start3A_5, %dma_start3A_6] : memref<512x64xf32, #tpu.memory_space<vmem>> -> memref<128x64xf32, #tpu.memory_space<vmem>>
    %dma_start3A_8 = arith.constant 0 : i32
    %dma_start3A_9 = tpu.memref_slice %arg5[%dma_start3A, %dma_start3A_8] : memref<200x128xi32, #tpu.memory_space<vmem>> -> memref<1x128xi32, #tpu.memory_space<vmem>>
    %dma_start3A_10 = tpu.memref_squeeze %dma_start3A_9 : memref<1x128xi32, #tpu.memory_space<vmem>> -> memref<128xi32, #tpu.memory_space<vmem>>
    %dma_start3A_11 = arith.constant 0 : i32
    %dma_start3A_12 = arith.constant 0 : i32
    %dma_start3A_13 = tpu.memref_slice %arg2[%dma_start3A_11, %dma_start3A_12] : memref<1000000x64xf32, #tpu.memory_space<hbm>> -> memref<1000000x64xf32, #tpu.memory_space<hbm>>
    tpu.enqueue_indirect_dma source(%dma_start3A_13 : memref<1000000x64xf32, #tpu.memory_space<hbm>>) target(%dma_start3A_7 : memref<128x64xf32, #tpu.memory_space<vmem>>) offsets(%dma_start3A_10 : memref<128xi32, #tpu.memory_space<vmem>>) semaphore(%arg9 : memref<!tpu.dma_semaphore, #tpu.memory_space<semaphore_mem>>)
    %dma_start3A_14 = arith.constant 1 : i32
    %dma_start3A_15 = arith.constant 128 : i32
    %dma_start3A_16 = arith.constant 0 : i32
    %dma_start3A_17 = tpu.memref_slice %arg6[%dma_start3A_15, %dma_start3A_16] : memref<512x64xf32, #tpu.memory_space<vmem>> -> memref<128x64xf32, #tpu.memory_space<vmem>>
    %dma_start3A_18 = arith.constant 0 : i32
    %dma_start3A_19 = tpu.memref_slice %arg5[%dma_start3A_14, %dma_start3A_18] : memref<200x128xi32, #tpu.memory_space<vmem>> -> memref<1x128xi32, #tpu.memory_space<vmem>>
    %dma_start3A_20 = tpu.memref_squeeze %dma_start3A_19 : memref<1x128xi32, #tpu.memory_space<vmem>> -> memref<128xi32, #tpu.memory_space<vmem>>
    %dma_start3A_21 = arith.constant 0 : i32
    %dma_start3A_22 = arith.constant 0 : i32
    %dma_start3A_23 = tpu.memref_slice %arg2[%dma_start3A_21, %dma_start3A_22] : memref<1000000x64xf32, #tpu.memory_space<hbm>> -> memref<1000000x64xf32, #tpu.memory_space<hbm>>
    tpu.enqueue_indirect_dma source(%dma_start3A_23 : memref<1000000x64xf32, #tpu.memory_space<hbm>>) target(%dma_start3A_17 : memref<128x64xf32, #tpu.memory_space<vmem>>) offsets(%dma_start3A_20 : memref<128xi32, #tpu.memory_space<vmem>>) semaphore(%arg9 : memref<!tpu.dma_semaphore, #tpu.memory_space<semaphore_mem>>)
    %dma_start3A_24 = arith.constant 2 : i32
    %dma_start3A_25 = arith.constant 256 : i32
    %dma_start3A_26 = arith.constant 0 : i32
    %dma_start3A_27 = tpu.memref_slice %arg6[%dma_start3A_25, %dma_start3A_26] : memref<512x64xf32, #tpu.memory_space<vmem>> -> memref<128x64xf32, #tpu.memory_space<vmem>>
    %dma_start3A_28 = arith.constant 0 : i32
    %dma_start3A_29 = tpu.memref_slice %arg5[%dma_start3A_24, %dma_start3A_28] : memref<200x128xi32, #tpu.memory_space<vmem>> -> memref<1x128xi32, #tpu.memory_space<vmem>>
    %dma_start3A_30 = tpu.memref_squeeze %dma_start3A_29 : memref<1x128xi32, #tpu.memory_space<vmem>> -> memref<128xi32, #tpu.memory_space<vmem>>
    %dma_start3A_31 = arith.constant 0 : i32
    %dma_start3A_32 = arith.constant 0 : i32
    %dma_start3A_33 = tpu.memref_slice %arg2[%dma_start3A_31, %dma_start3A_32] : memref<1000000x64xf32, #tpu.memory_space<hbm>> -> memref<1000000x64xf32, #tpu.memory_space<hbm>>
    tpu.enqueue_indirect_dma source(%dma_start3A_33 : memref<1000000x64xf32, #tpu.memory_space<hbm>>) target(%dma_start3A_27 : memref<128x64xf32, #tpu.memory_space<vmem>>) offsets(%dma_start3A_30 : memref<128xi32, #tpu.memory_space<vmem>>) semaphore(%arg9 : memref<!tpu.dma_semaphore, #tpu.memory_space<semaphore_mem>>)
    %dma_start3A_34 = arith.constant 3 : i32
    %dma_start3A_35 = arith.constant 384 : i32
    %dma_start3A_36 = arith.constant 0 : i32
    %dma_start3A_37 = tpu.memref_slice %arg6[%dma_start3A_35, %dma_start3A_36] : memref<512x64xf32, #tpu.memory_space<vmem>> -> memref<128x64xf32, #tpu.memory_space<vmem>>
    %dma_start3A_38 = arith.constant 0 : i32
    %dma_start3A_39 = tpu.memref_slice %arg5[%dma_start3A_34, %dma_start3A_38] : memref<200x128xi32, #tpu.memory_space<vmem>> -> memref<1x128xi32, #tpu.memory_space<vmem>>
    %dma_start3A_40 = tpu.memref_squeeze %dma_start3A_39 : memref<1x128xi32, #tpu.memory_space<vmem>> -> memref<128xi32, #tpu.memory_space<vmem>>
    %dma_start3A_41 = arith.constant 0 : i32
    %dma_start3A_42 = arith.constant 0 : i32
    %dma_start3A_43 = tpu.memref_slice %arg2[%dma_start3A_41, %dma_start3A_42] : memref<1000000x64xf32, #tpu.memory_space<hbm>> -> memref<1000000x64xf32, #tpu.memory_space<hbm>>
    tpu.enqueue_indirect_dma source(%dma_start3A_43 : memref<1000000x64xf32, #tpu.memory_space<hbm>>) target(%dma_start3A_37 : memref<128x64xf32, #tpu.memory_space<vmem>>) offsets(%dma_start3A_40 : memref<128xi32, #tpu.memory_space<vmem>>) semaphore(%arg9 : memref<!tpu.dma_semaphore, #tpu.memory_space<semaphore_mem>>)
    %scan3A = arith.constant 0 : i32
    %scan3A_44 = arith.constant 0 : i32
    %scan3A_45 = arith.constant 25 : i32
    %scan3A_46 = arith.addi %scan3A_44, %scan3A_45 : i32
    %scan3A_47 = arith.constant 1 : i32
    %scan3A_48 = scf.for %scan3A_61 = %scan3A_44 to %scan3A_46 step %scan3A_47 iter_args(%scan3A_62 = %scan3A) -> (i32)  : i32 {
      %mul3A_63 = arith.constant 2 : i32
      %mul3A_64 = arith.muli %mul3A_63, %scan3A_61 : i32
      %add3A_65 = arith.constant 0 : i32
      %add3A_66 = arith.addi %mul3A_64, %add3A_65 : i32
      %add3A_67 = arith.constant 1 : i32
      %add3A_68 = arith.addi %add3A_66, %add3A_67 : i32
      %lt3A = arith.constant 50 : i32
      %lt3A_69 = arith.cmpi slt, %add3A_68, %lt3A : i32
      %convert_element_type3A = arith.extui %lt3A_69 : i1 to i32
      %cond3A = arith.constant 0 : i32
      %cond3A_70 = arith.cmpi ne, %convert_element_type3A, %cond3A : i32
      scf.if %cond3A_70 {
        %ge3A = arith.constant 1 : i32
        %ge3A_216 = arith.cmpi sge, %add3A_66, %ge3A : i32
        %convert_element_type3A_217 = arith.extui %ge3A_216 : i1 to i32
        %cond3A_218 = arith.constant 0 : i32
        %cond3A_219 = arith.cmpi ne, %convert_element_type3A_217, %cond3A_218 : i32
        scf.if %cond3A_219 {
          %dma_wait3A_274 = arith.constant 0 : i32
          %dma_wait3A_275 = arith.constant 0 : i32
          %dma_wait3A_276 = tpu.memref_slice %arg4[%dma_wait3A_274, %dma_wait3A_275] : memref<819200x64xf32, #tpu.memory_space<hbm>> -> memref<512x64xf32, #tpu.memory_space<hbm>>
          %dma_wait3A_277 = arith.constant 0 : i32
          %dma_wait3A_278 = arith.constant 0 : i32
          %dma_wait3A_279 = tpu.memref_slice %arg4[%dma_wait3A_277, %dma_wait3A_278] : memref<819200x64xf32, #tpu.memory_space<hbm>> -> memref<512x64xf32, #tpu.memory_space<hbm>>
          tpu.wait_dma2 semaphore(%arg12 : memref<!tpu.dma_semaphore, #tpu.memory_space<semaphore_mem>>) src(%arg7 : memref<512x64xf32, #tpu.memory_space<vmem>>) dst(%dma_wait3A_279 : memref<512x64xf32, #tpu.memory_space<hbm>>)
        } else {
        }
        %add3A_220 = arith.constant 1 : i32
        %add3A_221 = arith.addi %add3A_66, %add3A_220 : i32
        %mul3A_222 = arith.constant 4 : i32
        %mul3A_223 = arith.muli %add3A_221, %mul3A_222 : i32
        %add3A_224 = arith.constant 0 : i32
        %add3A_225 = arith.addi %mul3A_223, %add3A_224 : i32
        %dma_start3A_226 = arith.constant 0 : i32
        %dma_start3A_227 = arith.constant 0 : i32
        %dma_start3A_228 = tpu.memref_slice %arg7[%dma_start3A_226, %dma_start3A_227] : memref<512x64xf32, #tpu.memory_space<vmem>> -> memref<128x64xf32, #tpu.memory_space<vmem>>
        %dma_start3A_229 = arith.constant 0 : i32
        %dma_start3A_230 = tpu.memref_slice %arg5[%add3A_225, %dma_start3A_229] : memref<200x128xi32, #tpu.memory_space<vmem>> -> memref<1x128xi32, #tpu.memory_space<vmem>>
        %dma_start3A_231 = tpu.memref_squeeze %dma_start3A_230 : memref<1x128xi32, #tpu.memory_space<vmem>> -> memref<128xi32, #tpu.memory_space<vmem>>
        %dma_start3A_232 = arith.constant 0 : i32
        %dma_start3A_233 = arith.constant 0 : i32
        %dma_start3A_234 = tpu.memref_slice %arg2[%dma_start3A_232, %dma_start3A_233] : memref<1000000x64xf32, #tpu.memory_space<hbm>> -> memref<1000000x64xf32, #tpu.memory_space<hbm>>
        tpu.enqueue_indirect_dma source(%dma_start3A_234 : memref<1000000x64xf32, #tpu.memory_space<hbm>>) target(%dma_start3A_228 : memref<128x64xf32, #tpu.memory_space<vmem>>) offsets(%dma_start3A_231 : memref<128xi32, #tpu.memory_space<vmem>>) semaphore(%arg10 : memref<!tpu.dma_semaphore, #tpu.memory_space<semaphore_mem>>)
        %mul3A_235 = arith.constant 4 : i32
        %mul3A_236 = arith.muli %add3A_221, %mul3A_235 : i32
        %add3A_237 = arith.constant 1 : i32
        %add3A_238 = arith.addi %mul3A_236, %add3A_237 : i32
        %dma_start3A_239 = arith.constant 128 : i32
        %dma_start3A_240 = arith.constant 0 : i32
        %dma_start3A_241 = tpu.memref_slice %arg7[%dma_start3A_239, %dma_start3A_240] : memref<512x64xf32, #tpu.memory_space<vmem>> -> memref<128x64xf32, #tpu.memory_space<vmem>>
        %dma_start3A_242 = arith.constant 0 : i32
        %dma_start3A_243 = tpu.memref_slice %arg5[%add3A_238, %dma_start3A_242] : memref<200x128xi32, #tpu.memory_space<vmem>> -> memref<1x128xi32, #tpu.memory_space<vmem>>
        %dma_start3A_244 = tpu.memref_squeeze %dma_start3A_243 : memref<1x128xi32, #tpu.memory_space<vmem>> -> memref<128xi32, #tpu.memory_space<vmem>>
        %dma_start3A_245 = arith.constant 0 : i32
        %dma_start3A_246 = arith.constant 0 : i32
        %dma_start3A_247 = tpu.memref_slice %arg2[%dma_start3A_245, %dma_start3A_246] : memref<1000000x64xf32, #tpu.memory_space<hbm>> -> memref<1000000x64xf32, #tpu.memory_space<hbm>>
        tpu.enqueue_indirect_dma source(%dma_start3A_247 : memref<1000000x64xf32, #tpu.memory_space<hbm>>) target(%dma_start3A_241 : memref<128x64xf32, #tpu.memory_space<vmem>>) offsets(%dma_start3A_244 : memref<128xi32, #tpu.memory_space<vmem>>) semaphore(%arg10 : memref<!tpu.dma_semaphore, #tpu.memory_space<semaphore_mem>>)
        %mul3A_248 = arith.constant 4 : i32
        %mul3A_249 = arith.muli %add3A_221, %mul3A_248 : i32
        %add3A_250 = arith.constant 2 : i32
        %add3A_251 = arith.addi %mul3A_249, %add3A_250 : i32
        %dma_start3A_252 = arith.constant 256 : i32
        %dma_start3A_253 = arith.constant 0 : i32
        %dma_start3A_254 = tpu.memref_slice %arg7[%dma_start3A_252, %dma_start3A_253] : memref<512x64xf32, #tpu.memory_space<vmem>> -> memref<128x64xf32, #tpu.memory_space<vmem>>
        %dma_start3A_255 = arith.constant 0 : i32
        %dma_start3A_256 = tpu.memref_slice %arg5[%add3A_251, %dma_start3A_255] : memref<200x128xi32, #tpu.memory_space<vmem>> -> memref<1x128xi32, #tpu.memory_space<vmem>>
        %dma_start3A_257 = tpu.memref_squeeze %dma_start3A_256 : memref<1x128xi32, #tpu.memory_space<vmem>> -> memref<128xi32, #tpu.memory_space<vmem>>
        %dma_start3A_258 = arith.constant 0 : i32
        %dma_start3A_259 = arith.constant 0 : i32
        %dma_start3A_260 = tpu.memref_slice %arg2[%dma_start3A_258, %dma_start3A_259] : memref<1000000x64xf32, #tpu.memory_space<hbm>> -> memref<1000000x64xf32, #tpu.memory_space<hbm>>
        tpu.enqueue_indirect_dma source(%dma_start3A_260 : memref<1000000x64xf32, #tpu.memory_space<hbm>>) target(%dma_start3A_254 : memref<128x64xf32, #tpu.memory_space<vmem>>) offsets(%dma_start3A_257 : memref<128xi32, #tpu.memory_space<vmem>>) semaphore(%arg10 : memref<!tpu.dma_semaphore, #tpu.memory_space<semaphore_mem>>)
        %mul3A_261 = arith.constant 4 : i32
        %mul3A_262 = arith.muli %add3A_221, %mul3A_261 : i32
        %add3A_263 = arith.constant 3 : i32
        %add3A_264 = arith.addi %mul3A_262, %add3A_263 : i32
        %dma_start3A_265 = arith.constant 384 : i32
        %dma_start3A_266 = arith.constant 0 : i32
        %dma_start3A_267 = tpu.memref_slice %arg7[%dma_start3A_265, %dma_start3A_266] : memref<512x64xf32, #tpu.memory_space<vmem>> -> memref<128x64xf32, #tpu.memory_space<vmem>>
        %dma_start3A_268 = arith.constant 0 : i32
        %dma_start3A_269 = tpu.memref_slice %arg5[%add3A_264, %dma_start3A_268] : memref<200x128xi32, #tpu.memory_space<vmem>> -> memref<1x128xi32, #tpu.memory_space<vmem>>
        %dma_start3A_270 = tpu.memref_squeeze %dma_start3A_269 : memref<1x128xi32, #tpu.memory_space<vmem>> -> memref<128xi32, #tpu.memory_space<vmem>>
        %dma_start3A_271 = arith.constant 0 : i32
        %dma_start3A_272 = arith.constant 0 : i32
        %dma_start3A_273 = tpu.memref_slice %arg2[%dma_start3A_271, %dma_start3A_272] : memref<1000000x64xf32, #tpu.memory_space<hbm>> -> memref<1000000x64xf32, #tpu.memory_space<hbm>>
        tpu.enqueue_indirect_dma source(%dma_start3A_273 : memref<1000000x64xf32, #tpu.memory_space<hbm>>) target(%dma_start3A_267 : memref<128x64xf32, #tpu.memory_space<vmem>>) offsets(%dma_start3A_270 : memref<128xi32, #tpu.memory_space<vmem>>) semaphore(%arg10 : memref<!tpu.dma_semaphore, #tpu.memory_space<semaphore_mem>>)
      } else {
      }
      %mul3A_71 = arith.constant 4 : i32
      %mul3A_72 = arith.muli %add3A_66, %mul3A_71 : i32
      %add3A_73 = arith.constant 0 : i32
      %add3A_74 = arith.addi %mul3A_72, %add3A_73 : i32
      %dma_wait3A_75 = arith.constant 0 : i32
      %dma_wait3A_76 = arith.constant 0 : i32
      %dma_wait3A_77 = tpu.memref_slice %arg6[%dma_wait3A_75, %dma_wait3A_76] : memref<512x64xf32, #tpu.memory_space<vmem>> -> memref<128x64xf32, #tpu.memory_space<vmem>>
      %dma_wait3A_78 = arith.constant 0 : i32
      %dma_wait3A_79 = tpu.memref_slice %arg5[%add3A_74, %dma_wait3A_78] : memref<200x128xi32, #tpu.memory_space<vmem>> -> memref<1x128xi32, #tpu.memory_space<vmem>>
      %dma_wait3A_80 = tpu.memref_squeeze %dma_wait3A_79 : memref<1x128xi32, #tpu.memory_space<vmem>> -> memref<128xi32, #tpu.memory_space<vmem>>
      %dma_wait3A_81 = arith.constant 0 : i32
      %dma_wait3A_82 = arith.constant 0 : i32
      %dma_wait3A_83 = tpu.memref_slice %arg2[%dma_wait3A_81, %dma_wait3A_82] : memref<1000000x64xf32, #tpu.memory_space<hbm>> -> memref<1000000x64xf32, #tpu.memory_space<hbm>>
      tpu.wait_indirect_dma semaphore(%arg9 : memref<!tpu.dma_semaphore, #tpu.memory_space<semaphore_mem>>) src(%dma_wait3A_83 : memref<1000000x64xf32, #tpu.memory_space<hbm>>) dst(%dma_wait3A_77 : memref<128x64xf32, #tpu.memory_space<vmem>>)
      %mul3A_84 = arith.constant 4 : i32
      %mul3A_85 = arith.muli %add3A_66, %mul3A_84 : i32
      %add3A_86 = arith.constant 1 : i32
      %add3A_87 = arith.addi %mul3A_85, %add3A_86 : i32
      %dma_wait3A_88 = arith.constant 128 : i32
      %dma_wait3A_89 = arith.constant 0 : i32
      %dma_wait3A_90 = tpu.memref_slice %arg6[%dma_wait3A_88, %dma_wait3A_89] : memref<512x64xf32, #tpu.memory_space<vmem>> -> memref<128x64xf32, #tpu.memory_space<vmem>>
      %dma_wait3A_91 = arith.constant 0 : i32
      %dma_wait3A_92 = tpu.memref_slice %arg5[%add3A_87, %dma_wait3A_91] : memref<200x128xi32, #tpu.memory_space<vmem>> -> memref<1x128xi32, #tpu.memory_space<vmem>>
      %dma_wait3A_93 = tpu.memref_squeeze %dma_wait3A_92 : memref<1x128xi32, #tpu.memory_space<vmem>> -> memref<128xi32, #tpu.memory_space<vmem>>
      %dma_wait3A_94 = arith.constant 0 : i32
      %dma_wait3A_95 = arith.constant 0 : i32
      %dma_wait3A_96 = tpu.memref_slice %arg2[%dma_wait3A_94, %dma_wait3A_95] : memref<1000000x64xf32, #tpu.memory_space<hbm>> -> memref<1000000x64xf32, #tpu.memory_space<hbm>>
      tpu.wait_indirect_dma semaphore(%arg9 : memref<!tpu.dma_semaphore, #tpu.memory_space<semaphore_mem>>) src(%dma_wait3A_96 : memref<1000000x64xf32, #tpu.memory_space<hbm>>) dst(%dma_wait3A_90 : memref<128x64xf32, #tpu.memory_space<vmem>>)
      %mul3A_97 = arith.constant 4 : i32
      %mul3A_98 = arith.muli %add3A_66, %mul3A_97 : i32
      %add3A_99 = arith.constant 2 : i32
      %add3A_100 = arith.addi %mul3A_98, %add3A_99 : i32
      %dma_wait3A_101 = arith.constant 256 : i32
      %dma_wait3A_102 = arith.constant 0 : i32
      %dma_wait3A_103 = tpu.memref_slice %arg6[%dma_wait3A_101, %dma_wait3A_102] : memref<512x64xf32, #tpu.memory_space<vmem>> -> memref<128x64xf32, #tpu.memory_space<vmem>>
      %dma_wait3A_104 = arith.constant 0 : i32
      %dma_wait3A_105 = tpu.memref_slice %arg5[%add3A_100, %dma_wait3A_104] : memref<200x128xi32, #tpu.memory_space<vmem>> -> memref<1x128xi32, #tpu.memory_space<vmem>>
      %dma_wait3A_106 = tpu.memref_squeeze %dma_wait3A_105 : memref<1x128xi32, #tpu.memory_space<vmem>> -> memref<128xi32, #tpu.memory_space<vmem>>
      %dma_wait3A_107 = arith.constant 0 : i32
      %dma_wait3A_108 = arith.constant 0 : i32
      %dma_wait3A_109 = tpu.memref_slice %arg2[%dma_wait3A_107, %dma_wait3A_108] : memref<1000000x64xf32, #tpu.memory_space<hbm>> -> memref<1000000x64xf32, #tpu.memory_space<hbm>>
      tpu.wait_indirect_dma semaphore(%arg9 : memref<!tpu.dma_semaphore, #tpu.memory_space<semaphore_mem>>) src(%dma_wait3A_109 : memref<1000000x64xf32, #tpu.memory_space<hbm>>) dst(%dma_wait3A_103 : memref<128x64xf32, #tpu.memory_space<vmem>>)
      %mul3A_110 = arith.constant 4 : i32
      %mul3A_111 = arith.muli %add3A_66, %mul3A_110 : i32
      %add3A_112 = arith.constant 3 : i32
      %add3A_113 = arith.addi %mul3A_111, %add3A_112 : i32
      %dma_wait3A_114 = arith.constant 384 : i32
      %dma_wait3A_115 = arith.constant 0 : i32
      %dma_wait3A_116 = tpu.memref_slice %arg6[%dma_wait3A_114, %dma_wait3A_115] : memref<512x64xf32, #tpu.memory_space<vmem>> -> memref<128x64xf32, #tpu.memory_space<vmem>>
      %dma_wait3A_117 = arith.constant 0 : i32
      %dma_wait3A_118 = tpu.memref_slice %arg5[%add3A_113, %dma_wait3A_117] : memref<200x128xi32, #tpu.memory_space<vmem>> -> memref<1x128xi32, #tpu.memory_space<vmem>>
      %dma_wait3A_119 = tpu.memref_squeeze %dma_wait3A_118 : memref<1x128xi32, #tpu.memory_space<vmem>> -> memref<128xi32, #tpu.memory_space<vmem>>
      %dma_wait3A_120 = arith.constant 0 : i32
      %dma_wait3A_121 = arith.constant 0 : i32
      %dma_wait3A_122 = tpu.memref_slice %arg2[%dma_wait3A_120, %dma_wait3A_121] : memref<1000000x64xf32, #tpu.memory_space<hbm>> -> memref<1000000x64xf32, #tpu.memory_space<hbm>>
      tpu.wait_indirect_dma semaphore(%arg9 : memref<!tpu.dma_semaphore, #tpu.memory_space<semaphore_mem>>) src(%dma_wait3A_122 : memref<1000000x64xf32, #tpu.memory_space<hbm>>) dst(%dma_wait3A_116 : memref<128x64xf32, #tpu.memory_space<vmem>>)
      %iota3A = tpu.iota {dimensions = array<i32: 0>} : vector<16xi32>
      %scan3A_123 = arith.constant 0 : i32
      %scan3A_124 = arith.constant 0 : i32
      %scan3A_125 = arith.constant 32 : i32
      %scan3A_126 = arith.addi %scan3A_124, %scan3A_125 : i32
      %scan3A_127 = arith.constant 1 : i32
      %scan3A_128 = scf.for %scan3A_216 = %scan3A_124 to %scan3A_126 step %scan3A_127 iter_args(%scan3A_217 = %scan3A_123) -> (i32)  : i32 {
        %mul3A_218 = arith.constant 16 : i32
        %mul3A_219 = arith.muli %scan3A_216, %mul3A_218 : i32
        %add3A_220 = arith.constant 0 : i32
        %add3A_221 = arith.addi %mul3A_219, %add3A_220 : i32
        %get3A = arith.index_cast %add3A_221 : i32 to index
        %get3A_222 = arith.constant 0 : index
        %get3A_223 = tpu.vector_load %arg6[%get3A, %get3A_222] {strides = array<i32>} : memref<512x64xf32, #tpu.memory_space<vmem>>, vector<16xf32>,
        %get3A_224 = arith.index_cast %add3A_221 : i32 to index
        %get3A_225 = arith.constant 16 : index
        %get3A_226 = tpu.vector_load %arg6[%get3A_224, %get3A_225] {strides = array<i32>} : memref<512x64xf32, #tpu.memory_space<vmem>>, vector<16xf32>,
        %get3A_227 = arith.index_cast %add3A_221 : i32 to index
        %get3A_228 = arith.constant 32 : index
        %get3A_229 = tpu.vector_load %arg6[%get3A_227, %get3A_228] {strides = array<i32>} : memref<512x64xf32, #tpu.memory_space<vmem>>, vector<16xf32>,
        %get3A_230 = arith.index_cast %add3A_221 : i32 to index
        %get3A_231 = arith.constant 48 : index
        %get3A_232 = tpu.vector_load %arg6[%get3A_230, %get3A_231] {strides = array<i32>} : memref<512x64xf32, #tpu.memory_space<vmem>>, vector<16xf32>,
        %mul3A_233 = arith.mulf %get3A_223, %get3A_223 : vector<16xf32>
        %mul3A_234 = arith.mulf %get3A_226, %get3A_226 : vector<16xf32>
        %add3A_235 = arith.addf %mul3A_233, %mul3A_234 : vector<16xf32>
        %mul3A_236 = arith.mulf %get3A_229, %get3A_229 : vector<16xf32>
        %mul3A_237 = arith.mulf %get3A_232, %get3A_232 : vector<16xf32>
        %add3A_238 = arith.addf %mul3A_236, %mul3A_237 : vector<16xf32>
        %add3A_239 = arith.addf %add3A_235, %add3A_238 : vector<16xf32>
        %swap3A = arith.constant 0 : i32
        %swap3A_240 = arith.index_cast %swap3A : i32 to index
        %swap3A_241 = arith.constant 0 : index
        %swap3A_242 = tpu.vector_load %arg8[%swap3A_240, %swap3A_241] {strides = array<i32>} : memref<16x16xf32, #tpu.memory_space<vmem>>, vector<16xf32>,
        tpu.vector_store %arg8[%swap3A_240, %swap3A_241], %add3A_239 {strides = array<i32>} : memref<16x16xf32, #tpu.memory_space<vmem>>, vector<16xf32>,
        %add3A_243 = arith.constant 1 : i32
        %add3A_244 = arith.addi %mul3A_219, %add3A_243 : i32
        %get3A_245 = arith.index_cast %add3A_244 : i32 to index
        %get3A_246 = arith.constant 0 : index
        %get3A_247 = tpu.vector_load %arg6[%get3A_245, %get3A_246] {strides = array<i32>} : memref<512x64xf32, #tpu.memory_space<vmem>>, vector<16xf32>,
        %get3A_248 = arith.index_cast %add3A_244 : i32 to index
        %get3A_249 = arith.constant 16 : index
        %get3A_250 = tpu.vector_load %arg6[%get3A_248, %get3A_249] {strides = array<i32>} : memref<512x64xf32, #tpu.memory_space<vmem>>, vector<16xf32>,
        %get3A_251 = arith.index_cast %add3A_244 : i32 to index
        %get3A_252 = arith.constant 32 : index
        %get3A_253 = tpu.vector_load %arg6[%get3A_251, %get3A_252] {strides = array<i32>} : memref<512x64xf32, #tpu.memory_space<vmem>>, vector<16xf32>,
        %get3A_254 = arith.index_cast %add3A_244 : i32 to index
        %get3A_255 = arith.constant 48 : index
        %get3A_256 = tpu.vector_load %arg6[%get3A_254, %get3A_255] {strides = array<i32>} : memref<512x64xf32, #tpu.memory_space<vmem>>, vector<16xf32>,
        %mul3A_257 = arith.mulf %get3A_247, %get3A_247 : vector<16xf32>
        %mul3A_258 = arith.mulf %get3A_250, %get3A_250 : vector<16xf32>
        %add3A_259 = arith.addf %mul3A_257, %mul3A_258 : vector<16xf32>
        %mul3A_260 = arith.mulf %get3A_253, %get3A_253 : vector<16xf32>
        %mul3A_261 = arith.mulf %get3A_256, %get3A_256 : vector<16xf32>
        %add3A_262 = arith.addf %mul3A_260, %mul3A_261 : vector<16xf32>
        %add3A_263 = arith.addf %add3A_259, %add3A_262 : vector<16xf32>
        %swap3A_264 = arith.constant 1 : i32
        %swap3A_265 = arith.index_cast %swap3A_264 : i32 to index
        %swap3A_266 = arith.constant 0 : index
        %swap3A_267 = tpu.vector_load %arg8[%swap3A_265, %swap3A_266] {strides = array<i32>} : memref<16x16xf32, #tpu.memory_space<vmem>>, vector<16xf32>,
        tpu.vector_store %arg8[%swap3A_265, %swap3A_266], %add3A_263 {strides = array<i32>} : memref<16x16xf32, #tpu.memory_space<vmem>>, vector<16xf32>,
        %add3A_268 = arith.constant 2 : i32
        %add3A_269 = arith.addi %mul3A_219, %add3A_268 : i32
        %get3A_270 = arith.index_cast %add3A_269 : i32 to index
        %get3A_271 = arith.constant 0 : index
        %get3A_272 = tpu.vector_load %arg6[%get3A_270, %get3A_271] {strides = array<i32>} : memref<512x64xf32, #tpu.memory_space<vmem>>, vector<16xf32>,
        %get3A_273 = arith.index_cast %add3A_269 : i32 to index
        %get3A_274 = arith.constant 16 : index
        %get3A_275 = tpu.vector_load %arg6[%get3A_273, %get3A_274] {strides = array<i32>} : memref<512x64xf32, #tpu.memory_space<vmem>>, vector<16xf32>,
        %get3A_276 = arith.index_cast %add3A_269 : i32 to index
        %get3A_277 = arith.constant 32 : index
        %get3A_278 = tpu.vector_load %arg6[%get3A_276, %get3A_277] {strides = array<i32>} : memref<512x64xf32, #tpu.memory_space<vmem>>, vector<16xf32>,
        %get3A_279 = arith.index_cast %add3A_269 : i32 to index
        %get3A_280 = arith.constant 48 : index
        %get3A_281 = tpu.vector_load %arg6[%get3A_279, %get3A_280] {strides = array<i32>} : memref<512x64xf32, #tpu.memory_space<vmem>>, vector<16xf32>,
        %mul3A_282 = arith.mulf %get3A_272, %get3A_272 : vector<16xf32>
        %mul3A_283 = arith.mulf %get3A_275, %get3A_275 : vector<16xf32>
        %add3A_284 = arith.addf %mul3A_282, %mul3A_283 : vector<16xf32>
        %mul3A_285 = arith.mulf %get3A_278, %get3A_278 : vector<16xf32>
        %mul3A_286 = arith.mulf %get3A_281, %get3A_281 : vector<16xf32>
        %add3A_287 = arith.addf %mul3A_285, %mul3A_286 : vector<16xf32>
        %add3A_288 = arith.addf %add3A_284, %add3A_287 : vector<16xf32>
        %swap3A_289 = arith.constant 2 : i32
        %swap3A_290 = arith.index_cast %swap3A_289 : i32 to index
        %swap3A_291 = arith.constant 0 : index
        %swap3A_292 = tpu.vector_load %arg8[%swap3A_290, %swap3A_291] {strides = array<i32>} : memref<16x16xf32, #tpu.memory_space<vmem>>, vector<16xf32>,
        tpu.vector_store %arg8[%swap3A_290, %swap3A_291], %add3A_288 {strides = array<i32>} : memref<16x16xf32, #tpu.memory_space<vmem>>, vector<16xf32>,
        %add3A_293 = arith.constant 3 : i32
        %add3A_294 = arith.addi %mul3A_219, %add3A_293 : i32
        %get3A_295 = arith.index_cast %add3A_294 : i32 to index
        %get3A_296 = arith.constant 0 : index
        %get3A_297 = tpu.vector_load %arg6[%get3A_295, %get3A_296] {strides = array<i32>} : memref<512x64xf32, #tpu.memory_space<vmem>>, vector<16xf32>,
        %get3A_298 = arith.index_cast %add3A_294 : i32 to index
        %get3A_299 = arith.constant 16 : index
        %get3A_300 = tpu.vector_load %arg6[%get3A_298, %get3A_299] {strides = array<i32>} : memref<512x64xf32, #tpu.memory_space<vmem>>, vector<16xf32>,
        %get3A_301 = arith.index_cast %add3A_294 : i32 to index
        %get3A_302 = arith.constant 32 : index
        %get3A_303 = tpu.vector_load %arg6[%get3A_301, %get3A_302] {strides = array<i32>} : memref<512x64xf32, #tpu.memory_space<vmem>>, vector<16xf32>,
        %get3A_304 = arith.index_cast %add3A_294 : i32 to index
        %get3A_305 = arith.constant 48 : index
        %get3A_306 = tpu.vector_load %arg6[%get3A_304, %get3A_305] {strides = array<i32>} : memref<512x64xf32, #tpu.memory_space<vmem>>, vector<16xf32>,
        %mul3A_307 = arith.mulf %get3A_297, %get3A_297 : vector<16xf32>
        %mul3A_308 = arith.mulf %get3A_300, %get3A_300 : vector<16xf32>
        %add3A_309 = arith.addf %mul3A_307, %mul3A_308 : vector<16xf32>
        %mul3A_310 = arith.mulf %get3A_303, %get3A_303 : vector<16xf32>
        %mul3A_311 = arith.mulf %get3A_306, %get3A_306 : vector<16xf32>
        %add3A_312 = arith.addf %mul3A_310, %mul3A_311 : vector<16xf32>
        %add3A_313 = arith.addf %add3A_309, %add3A_312 : vector<16xf32>
        %swap3A_314 = arith.constant 3 : i32
        %swap3A_315 = arith.index_cast %swap3A_314 : i32 to index
        %swap3A_316 = arith.constant 0 : index
        %swap3A_317 = tpu.vector_load %arg8[%swap3A_315, %swap3A_316] {strides = array<i32>} : memref<16x16xf32, #tpu.memory_space<vmem>>, vector<16xf32>,
        tpu.vector_store %arg8[%swap3A_315, %swap3A_316], %add3A_313 {strides = array<i32>} : memref<16x16xf32, #tpu.memory_space<vmem>>, vector<16xf32>,
        %add3A_318 = arith.constant 4 : i32
        %add3A_319 = arith.addi %mul3A_219, %add3A_318 : i32
        %get3A_320 = arith.index_cast %add3A_319 : i32 to index
        %get3A_321 = arith.constant 0 : index
        %get3A_322 = tpu.vector_load %arg6[%get3A_320, %get3A_321] {strides = array<i32>} : memref<512x64xf32, #tpu.memory_space<vmem>>, vector<16xf32>,
        %get3A_323 = arith.index_cast %add3A_319 : i32 to index
        %get3A_324 = arith.constant 16 : index
        %get3A_325 = tpu.vector_load %arg6[%get3A_323, %get3A_324] {strides = array<i32>} : memref<512x64xf32, #tpu.memory_space<vmem>>, vector<16xf32>,
        %get3A_326 = arith.index_cast %add3A_319 : i32 to index
        %get3A_327 = arith.constant 32 : index
        %get3A_328 = tpu.vector_load %arg6[%get3A_326, %get3A_327] {strides = array<i32>} : memref<512x64xf32, #tpu.memory_space<vmem>>, vector<16xf32>,
        %get3A_329 = arith.index_cast %add3A_319 : i32 to index
        %get3A_330 = arith.constant 48 : index
        %get3A_331 = tpu.vector_load %arg6[%get3A_329, %get3A_330] {strides = array<i32>} : memref<512x64xf32, #tpu.memory_space<vmem>>, vector<16xf32>,
        %mul3A_332 = arith.mulf %get3A_322, %get3A_322 : vector<16xf32>
        %mul3A_333 = arith.mulf %get3A_325, %get3A_325 : vector<16xf32>
        %add3A_334 = arith.addf %mul3A_332, %mul3A_333 : vector<16xf32>
        %mul3A_335 = arith.mulf %get3A_328, %get3A_328 : vector<16xf32>
        %mul3A_336 = arith.mulf %get3A_331, %get3A_331 : vector<16xf32>
        %add3A_337 = arith.addf %mul3A_335, %mul3A_336 : vector<16xf32>
        %add3A_338 = arith.addf %add3A_334, %add3A_337 : vector<16xf32>
        %swap3A_339 = arith.constant 4 : i32
        %swap3A_340 = arith.index_cast %swap3A_339 : i32 to index
        %swap3A_341 = arith.constant 0 : index
        %swap3A_342 = tpu.vector_load %arg8[%swap3A_340, %swap3A_341] {strides = array<i32>} : memref<16x16xf32, #tpu.memory_space<vmem>>, vector<16xf32>,
        tpu.vector_store %arg8[%swap3A_340, %swap3A_341], %add3A_338 {strides = array<i32>} : memref<16x16xf32, #tpu.memory_space<vmem>>, vector<16xf32>,
        %add3A_343 = arith.constant 5 : i32
        %add3A_344 = arith.addi %mul3A_219, %add3A_343 : i32
        %get3A_345 = arith.index_cast %add3A_344 : i32 to index
        %get3A_346 = arith.constant 0 : index
        %get3A_347 = tpu.vector_load %arg6[%get3A_345, %get3A_346] {strides = array<i32>} : memref<512x64xf32, #tpu.memory_space<vmem>>, vector<16xf32>,
        %get3A_348 = arith.index_cast %add3A_344 : i32 to index
        %get3A_349 = arith.constant 16 : index
        %get3A_350 = tpu.vector_load %arg6[%get3A_348, %get3A_349] {strides = array<i32>} : memref<512x64xf32, #tpu.memory_space<vmem>>, vector<16xf32>,
        %get3A_351 = arith.index_cast %add3A_344 : i32 to index
        %get3A_352 = arith.constant 32 : index
        %get3A_353 = tpu.vector_load %arg6[%get3A_351, %get3A_352] {strides = array<i32>} : memref<512x64xf32, #tpu.memory_space<vmem>>, vector<16xf32>,
        %get3A_354 = arith.index_cast %add3A_344 : i32 to index
        %get3A_355 = arith.constant 48 : index
        %get3A_356 = tpu.vector_load %arg6[%get3A_354, %get3A_355] {strides = array<i32>} : memref<512x64xf32, #tpu.memory_space<vmem>>, vector<16xf32>,
        %mul3A_357 = arith.mulf %get3A_347, %get3A_347 : vector<16xf32>
        %mul3A_358 = arith.mulf %get3A_350, %get3A_350 : vector<16xf32>
        %add3A_359 = arith.addf %mul3A_357, %mul3A_358 : vector<16xf32>
        %mul3A_360 = arith.mulf %get3A_353, %get3A_353 : vector<16xf32>
        %mul3A_361 = arith.mulf %get3A_356, %get3A_356 : vector<16xf32>
        %add3A_362 = arith.addf %mul3A_360, %mul3A_361 : vector<16xf32>
        %add3A_363 = arith.addf %add3A_359, %add3A_362 : vector<16xf32>
        %swap3A_364 = arith.constant 5 : i32
        %swap3A_365 = arith.index_cast %swap3A_364 : i32 to index
        %swap3A_366 = arith.constant 0 : index
        %swap3A_367 = tpu.vector_load %arg8[%swap3A_365, %swap3A_366] {strides = array<i32>} : memref<16x16xf32, #tpu.memory_space<vmem>>, vector<16xf32>,
        tpu.vector_store %arg8[%swap3A_365, %swap3A_366], %add3A_363 {strides = array<i32>} : memref<16x16xf32, #tpu.memory_space<vmem>>, vector<16xf32>,
        %add3A_368 = arith.constant 6 : i32
        %add3A_369 = arith.addi %mul3A_219, %add3A_368 : i32
        %get3A_370 = arith.index_cast %add3A_369 : i32 to index
        %get3A_371 = arith.constant 0 : index
        %get3A_372 = tpu.vector_load %arg6[%get3A_370, %get3A_371] {strides = array<i32>} : memref<512x64xf32, #tpu.memory_space<vmem>>, vector<16xf32>,
        %get3A_373 = arith.index_cast %add3A_369 : i32 to index
        %get3A_374 = arith.constant 16 : index
        %get3A_375 = tpu.vector_load %arg6[%get3A_373, %get3A_374] {strides = array<i32>} : memref<512x64xf32, #tpu.memory_space<vmem>>, vector<16xf32>,
        %get3A_376 = arith.index_cast %add3A_369 : i32 to index
        %get3A_377 = arith.constant 32 : index
        %get3A_378 = tpu.vector_load %arg6[%get3A_376, %get3A_377] {strides = array<i32>} : memref<512x64xf32, #tpu.memory_space<vmem>>, vector<16xf32>,
        %get3A_379 = arith.index_cast %add3A_369 : i32 to index
        %get3A_380 = arith.constant 48 : index
        %get3A_381 = tpu.vector_load %arg6[%get3A_379, %get3A_380] {strides = array<i32>} : memref<512x64xf32, #tpu.memory_space<vmem>>, vector<16xf32>,
        %mul3A_382 = arith.mulf %get3A_372, %get3A_372 : vector<16xf32>
        %mul3A_383 = arith.mulf %get3A_375, %get3A_375 : vector<16xf32>
        %add3A_384 = arith.addf %mul3A_382, %mul3A_383 : vector<16xf32>
        %mul3A_385 = arith.mulf %get3A_378, %get3A_378 : vector<16xf32>
        %mul3A_386 = arith.mulf %get3A_381, %get3A_381 : vector<16xf32>
        %add3A_387 = arith.addf %mul3A_385, %mul3A_386 : vector<16xf32>
        %add3A_388 = arith.addf %add3A_384, %add3A_387 : vector<16xf32>
        %swap3A_389 = arith.constant 6 : i32
        %swap3A_390 = arith.index_cast %swap3A_389 : i32 to index
        %swap3A_391 = arith.constant 0 : index
        %swap3A_392 = tpu.vector_load %arg8[%swap3A_390, %swap3A_391] {strides = array<i32>} : memref<16x16xf32, #tpu.memory_space<vmem>>, vector<16xf32>,
        tpu.vector_store %arg8[%swap3A_390, %swap3A_391], %add3A_388 {strides = array<i32>} : memref<16x16xf32, #tpu.memory_space<vmem>>, vector<16xf32>,
        %add3A_393 = arith.constant 7 : i32
        %add3A_394 = arith.addi %mul3A_219, %add3A_393 : i32
        %get3A_395 = arith.index_cast %add3A_394 : i32 to index
        %get3A_396 = arith.constant 0 : index
        %get3A_397 = tpu.vector_load %arg6[%get3A_395, %get3A_396] {strides = array<i32>} : memref<512x64xf32, #tpu.memory_space<vmem>>, vector<16xf32>,
        %get3A_398 = arith.index_cast %add3A_394 : i32 to index
        %get3A_399 = arith.constant 16 : index
        %get3A_400 = tpu.vector_load %arg6[%get3A_398, %get3A_399] {strides = array<i32>} : memref<512x64xf32, #tpu.memory_space<vmem>>, vector<16xf32>,
        %get3A_401 = arith.index_cast %add3A_394 : i32 to index
        %get3A_402 = arith.constant 32 : index
        %get3A_403 = tpu.vector_load %arg6[%get3A_401, %get3A_402] {strides = array<i32>} : memref<512x64xf32, #tpu.memory_space<vmem>>, vector<16xf32>,
        %get3A_404 = arith.index_cast %add3A_394 : i32 to index
        %get3A_405 = arith.constant 48 : index
        %get3A_406 = tpu.vector_load %arg6[%get3A_404, %get3A_405] {strides = array<i32>} : memref<512x64xf32, #tpu.memory_space<vmem>>, vector<16xf32>,
        %mul3A_407 = arith.mulf %get3A_397, %get3A_397 : vector<16xf32>
        %mul3A_408 = arith.mulf %get3A_400, %get3A_400 : vector<16xf32>
        %add3A_409 = arith.addf %mul3A_407, %mul3A_408 : vector<16xf32>
        %mul3A_410 = arith.mulf %get3A_403, %get3A_403 : vector<16xf32>
        %mul3A_411 = arith.mulf %get3A_406, %get3A_406 : vector<16xf32>
        %add3A_412 = arith.addf %mul3A_410, %mul3A_411 : vector<16xf32>
        %add3A_413 = arith.addf %add3A_409, %add3A_412 : vector<16xf32>
        %swap3A_414 = arith.constant 7 : i32
        %swap3A_415 = arith.index_cast %swap3A_414 : i32 to index
        %swap3A_416 = arith.constant 0 : index
        %swap3A_417 = tpu.vector_load %arg8[%swap3A_415, %swap3A_416] {strides = array<i32>} : memref<16x16xf32, #tpu.memory_space<vmem>>, vector<16xf32>,
        tpu.vector_store %arg8[%swap3A_415, %swap3A_416], %add3A_413 {strides = array<i32>} : memref<16x16xf32, #tpu.memory_space<vmem>>, vector<16xf32>,
        %add3A_418 = arith.constant 8 : i32
        %add3A_419 = arith.addi %mul3A_219, %add3A_418 : i32
        %get3A_420 = arith.index_cast %add3A_419 : i32 to index
        %get3A_421 = arith.constant 0 : index
        %get3A_422 = tpu.vector_load %arg6[%get3A_420, %get3A_421] {strides = array<i32>} : memref<512x64xf32, #tpu.memory_space<vmem>>, vector<16xf32>,
        %get3A_423 = arith.index_cast %add3A_419 : i32 to index
        %get3A_424 = arith.constant 16 : index
        %get3A_425 = tpu.vector_load %arg6[%get3A_423, %get3A_424] {strides = array<i32>} : memref<512x64xf32, #tpu.memory_space<vmem>>, vector<16xf32>,
        %get3A_426 = arith.index_cast %add3A_419 : i32 to index
        %get3A_427 = arith.constant 32 : index
        %get3A_428 = tpu.vector_load %arg6[%get3A_426, %get3A_427] {strides = array<i32>} : memref<512x64xf32, #tpu.memory_space<vmem>>, vector<16xf32>,
        %get3A_429 = arith.index_cast %add3A_419 : i32 to index
        %get3A_430 = arith.constant 48 : index
        %get3A_431 = tpu.vector_load %arg6[%get3A_429, %get3A_430] {strides = array<i32>} : memref<512x64xf32, #tpu.memory_space<vmem>>, vector<16xf32>,
        %mul3A_432 = arith.mulf %get3A_422, %get3A_422 : vector<16xf32>
        %mul3A_433 = arith.mulf %get3A_425, %get3A_425 : vector<16xf32>
        %add3A_434 = arith.addf %mul3A_432, %mul3A_433 : vector<16xf32>
        %mul3A_435 = arith.mulf %get3A_428, %get3A_428 : vector<16xf32>
        %mul3A_436 = arith.mulf %get3A_431, %get3A_431 : vector<16xf32>
        %add3A_437 = arith.addf %mul3A_435, %mul3A_436 : vector<16xf32>
        %add3A_438 = arith.addf %add3A_434, %add3A_437 : vector<16xf32>
        %swap3A_439 = arith.constant 8 : i32
        %swap3A_440 = arith.index_cast %swap3A_439 : i32 to index
        %swap3A_441 = arith.constant 0 : index
        %swap3A_442 = tpu.vector_load %arg8[%swap3A_440, %swap3A_441] {strides = array<i32>} : memref<16x16xf32, #tpu.memory_space<vmem>>, vector<16xf32>,
        tpu.vector_store %arg8[%swap3A_440, %swap3A_441], %add3A_438 {strides = array<i32>} : memref<16x16xf32, #tpu.memory_space<vmem>>, vector<16xf32>,
        %add3A_443 = arith.constant 9 : i32
        %add3A_444 = arith.addi %mul3A_219, %add3A_443 : i32
        %get3A_445 = arith.index_cast %add3A_444 : i32 to index
        %get3A_446 = arith.constant 0 : index
        %get3A_447 = tpu.vector_load %arg6[%get3A_445, %get3A_446] {strides = array<i32>} : memref<512x64xf32, #tpu.memory_space<vmem>>, vector<16xf32>,
        %get3A_448 = arith.index_cast %add3A_444 : i32 to index
        %get3A_449 = arith.constant 16 : index
        %get3A_450 = tpu.vector_load %arg6[%get3A_448, %get3A_449] {strides = array<i32>} : memref<512x64xf32, #tpu.memory_space<vmem>>, vector<16xf32>,
        %get3A_451 = arith.index_cast %add3A_444 : i32 to index
        %get3A_452 = arith.constant 32 : index
        %get3A_453 = tpu.vector_load %arg6[%get3A_451, %get3A_452] {strides = array<i32>} : memref<512x64xf32, #tpu.memory_space<vmem>>, vector<16xf32>,
        %get3A_454 = arith.index_cast %add3A_444 : i32 to index
        %get3A_455 = arith.constant 48 : index
        %get3A_456 = tpu.vector_load %arg6[%get3A_454, %get3A_455] {strides = array<i32>} : memref<512x64xf32, #tpu.memory_space<vmem>>, vector<16xf32>,
        %mul3A_457 = arith.mulf %get3A_447, %get3A_447 : vector<16xf32>
        %mul3A_458 = arith.mulf %get3A_450, %get3A_450 : vector<16xf32>
        %add3A_459 = arith.addf %mul3A_457, %mul3A_458 : vector<16xf32>
        %mul3A_460 = arith.mulf %get3A_453, %get3A_453 : vector<16xf32>
        %mul3A_461 = arith.mulf %get3A_456, %get3A_456 : vector<16xf32>
        %add3A_462 = arith.addf %mul3A_460, %mul3A_461 : vector<16xf32>
        %add3A_463 = arith.addf %add3A_459, %add3A_462 : vector<16xf32>
        %swap3A_464 = arith.constant 9 : i32
        %swap3A_465 = arith.index_cast %swap3A_464 : i32 to index
        %swap3A_466 = arith.constant 0 : index
        %swap3A_467 = tpu.vector_load %arg8[%swap3A_465, %swap3A_466] {strides = array<i32>} : memref<16x16xf32, #tpu.memory_space<vmem>>, vector<16xf32>,
        tpu.vector_store %arg8[%swap3A_465, %swap3A_466], %add3A_463 {strides = array<i32>} : memref<16x16xf32, #tpu.memory_space<vmem>>, vector<16xf32>,
        %add3A_468 = arith.constant 10 : i32
        %add3A_469 = arith.addi %mul3A_219, %add3A_468 : i32
        %get3A_470 = arith.index_cast %add3A_469 : i32 to index
        %get3A_471 = arith.constant 0 : index
        %get3A_472 = tpu.vector_load %arg6[%get3A_470, %get3A_471] {strides = array<i32>} : memref<512x64xf32, #tpu.memory_space<vmem>>, vector<16xf32>,
        %get3A_473 = arith.index_cast %add3A_469 : i32 to index
        %get3A_474 = arith.constant 16 : index
        %get3A_475 = tpu.vector_load %arg6[%get3A_473, %get3A_474] {strides = array<i32>} : memref<512x64xf32, #tpu.memory_space<vmem>>, vector<16xf32>,
        %get3A_476 = arith.index_cast %add3A_469 : i32 to index
        %get3A_477 = arith.constant 32 : index
        %get3A_478 = tpu.vector_load %arg6[%get3A_476, %get3A_477] {strides = array<i32>} : memref<512x64xf32, #tpu.memory_space<vmem>>, vector<16xf32>,
        %get3A_479 = arith.index_cast %add3A_469 : i32 to index
        %get3A_480 = arith.constant 48 : index
        %get3A_481 = tpu.vector_load %arg6[%get3A_479, %get3A_480] {strides = array<i32>} : memref<512x64xf32, #tpu.memory_space<vmem>>, vector<16xf32>,
        %mul3A_482 = arith.mulf %get3A_472, %get3A_472 : vector<16xf32>
        %mul3A_483 = arith.mulf %get3A_475, %get3A_475 : vector<16xf32>
        %add3A_484 = arith.addf %mul3A_482, %mul3A_483 : vector<16xf32>
        %mul3A_485 = arith.mulf %get3A_478, %get3A_478 : vector<16xf32>
        %mul3A_486 = arith.mulf %get3A_481, %get3A_481 : vector<16xf32>
        %add3A_487 = arith.addf %mul3A_485, %mul3A_486 : vector<16xf32>
        %add3A_488 = arith.addf %add3A_484, %add3A_487 : vector<16xf32>
        %swap3A_489 = arith.constant 10 : i32
        %swap3A_490 = arith.index_cast %swap3A_489 : i32 to index
        %swap3A_491 = arith.constant 0 : index
        %swap3A_492 = tpu.vector_load %arg8[%swap3A_490, %swap3A_491] {strides = array<i32>} : memref<16x16xf32, #tpu.memory_space<vmem>>, vector<16xf32>,
        tpu.vector_store %arg8[%swap3A_490, %swap3A_491], %add3A_488 {strides = array<i32>} : memref<16x16xf32, #tpu.memory_space<vmem>>, vector<16xf32>,
        %add3A_493 = arith.constant 11 : i32
        %add3A_494 = arith.addi %mul3A_219, %add3A_493 : i32
        %get3A_495 = arith.index_cast %add3A_494 : i32 to index
        %get3A_496 = arith.constant 0 : index
        %get3A_497 = tpu.vector_load %arg6[%get3A_495, %get3A_496] {strides = array<i32>} : memref<512x64xf32, #tpu.memory_space<vmem>>, vector<16xf32>,
        %get3A_498 = arith.index_cast %add3A_494 : i32 to index
        %get3A_499 = arith.constant 16 : index
        %get3A_500 = tpu.vector_load %arg6[%get3A_498, %get3A_499] {strides = array<i32>} : memref<512x64xf32, #tpu.memory_space<vmem>>, vector<16xf32>,
        %get3A_501 = arith.index_cast %add3A_494 : i32 to index
        %get3A_502 = arith.constant 32 : index
        %get3A_503 = tpu.vector_load %arg6[%get3A_501, %get3A_502] {strides = array<i32>} : memref<512x64xf32, #tpu.memory_space<vmem>>, vector<16xf32>,
        %get3A_504 = arith.index_cast %add3A_494 : i32 to index
        %get3A_505 = arith.constant 48 : index
        %get3A_506 = tpu.vector_load %arg6[%get3A_504, %get3A_505] {strides = array<i32>} : memref<512x64xf32, #tpu.memory_space<vmem>>, vector<16xf32>,
        %mul3A_507 = arith.mulf %get3A_497, %get3A_497 : vector<16xf32>
        %mul3A_508 = arith.mulf %get3A_500, %get3A_500 : vector<16xf32>
        %add3A_509 = arith.addf %mul3A_507, %mul3A_508 : vector<16xf32>
        %mul3A_510 = arith.mulf %get3A_503, %get3A_503 : vector<16xf32>
        %mul3A_511 = arith.mulf %get3A_506, %get3A_506 : vector<16xf32>
        %add3A_512 = arith.addf %mul3A_510, %mul3A_511 : vector<16xf32>
        %add3A_513 = arith.addf %add3A_509, %add3A_512 : vector<16xf32>
        %swap3A_514 = arith.constant 11 : i32
        %swap3A_515 = arith.index_cast %swap3A_514 : i32 to index
        %swap3A_516 = arith.constant 0 : index
        %swap3A_517 = tpu.vector_load %arg8[%swap3A_515, %swap3A_516] {strides = array<i32>} : memref<16x16xf32, #tpu.memory_space<vmem>>, vector<16xf32>,
        tpu.vector_store %arg8[%swap3A_515, %swap3A_516], %add3A_513 {strides = array<i32>} : memref<16x16xf32, #tpu.memory_space<vmem>>, vector<16xf32>,
        %add3A_518 = arith.constant 12 : i32
        %add3A_519 = arith.addi %mul3A_219, %add3A_518 : i32
        %get3A_520 = arith.index_cast %add3A_519 : i32 to index
        %get3A_521 = arith.constant 0 : index
        %get3A_522 = tpu.vector_load %arg6[%get3A_520, %get3A_521] {strides = array<i32>} : memref<512x64xf32, #tpu.memory_space<vmem>>, vector<16xf32>,
        %get3A_523 = arith.index_cast %add3A_519 : i32 to index
        %get3A_524 = arith.constant 16 : index
        %get3A_525 = tpu.vector_load %arg6[%get3A_523, %get3A_524] {strides = array<i32>} : memref<512x64xf32, #tpu.memory_space<vmem>>, vector<16xf32>,
        %get3A_526 = arith.index_cast %add3A_519 : i32 to index
        %get3A_527 = arith.constant 32 : index
        %get3A_528 = tpu.vector_load %arg6[%get3A_526, %get3A_527] {strides = array<i32>} : memref<512x64xf32, #tpu.memory_space<vmem>>, vector<16xf32>,
        %get3A_529 = arith.index_cast %add3A_519 : i32 to index
        %get3A_530 = arith.constant 48 : index
        %get3A_531 = tpu.vector_load %arg6[%get3A_529, %get3A_530] {strides = array<i32>} : memref<512x64xf32, #tpu.memory_space<vmem>>, vector<16xf32>,
        %mul3A_532 = arith.mulf %get3A_522, %get3A_522 : vector<16xf32>
        %mul3A_533 = arith.mulf %get3A_525, %get3A_525 : vector<16xf32>
        %add3A_534 = arith.addf %mul3A_532, %mul3A_533 : vector<16xf32>
        %mul3A_535 = arith.mulf %get3A_528, %get3A_528 : vector<16xf32>
        %mul3A_536 = arith.mulf %get3A_531, %get3A_531 : vector<16xf32>
        %add3A_537 = arith.addf %mul3A_535, %mul3A_536 : vector<16xf32>
        %add3A_538 = arith.addf %add3A_534, %add3A_537 : vector<16xf32>
        %swap3A_539 = arith.constant 12 : i32
        %swap3A_540 = arith.index_cast %swap3A_539 : i32 to index
        %swap3A_541 = arith.constant 0 : index
        %swap3A_542 = tpu.vector_load %arg8[%swap3A_540, %swap3A_541] {strides = array<i32>} : memref<16x16xf32, #tpu.memory_space<vmem>>, vector<16xf32>,
        tpu.vector_store %arg8[%swap3A_540, %swap3A_541], %add3A_538 {strides = array<i32>} : memref<16x16xf32, #tpu.memory_space<vmem>>, vector<16xf32>,
        %add3A_543 = arith.constant 13 : i32
        %add3A_544 = arith.addi %mul3A_219, %add3A_543 : i32
        %get3A_545 = arith.index_cast %add3A_544 : i32 to index
        %get3A_546 = arith.constant 0 : index
        %get3A_547 = tpu.vector_load %arg6[%get3A_545, %get3A_546] {strides = array<i32>} : memref<512x64xf32, #tpu.memory_space<vmem>>, vector<16xf32>,
        %get3A_548 = arith.index_cast %add3A_544 : i32 to index
        %get3A_549 = arith.constant 16 : index
        %get3A_550 = tpu.vector_load %arg6[%get3A_548, %get3A_549] {strides = array<i32>} : memref<512x64xf32, #tpu.memory_space<vmem>>, vector<16xf32>,
        %get3A_551 = arith.index_cast %add3A_544 : i32 to index
        %get3A_552 = arith.constant 32 : index
        %get3A_553 = tpu.vector_load %arg6[%get3A_551, %get3A_552] {strides = array<i32>} : memref<512x64xf32, #tpu.memory_space<vmem>>, vector<16xf32>,
        %get3A_554 = arith.index_cast %add3A_544 : i32 to index
        %get3A_555 = arith.constant 48 : index
        %get3A_556 = tpu.vector_load %arg6[%get3A_554, %get3A_555] {strides = array<i32>} : memref<512x64xf32, #tpu.memory_space<vmem>>, vector<16xf32>,
        %mul3A_557 = arith.mulf %get3A_547, %get3A_547 : vector<16xf32>
        %mul3A_558 = arith.mulf %get3A_550, %get3A_550 : vector<16xf32>
        %add3A_559 = arith.addf %mul3A_557, %mul3A_558 : vector<16xf32>
        %mul3A_560 = arith.mulf %get3A_553, %get3A_553 : vector<16xf32>
        %mul3A_561 = arith.mulf %get3A_556, %get3A_556 : vector<16xf32>
        %add3A_562 = arith.addf %mul3A_560, %mul3A_561 : vector<16xf32>
        %add3A_563 = arith.addf %add3A_559, %add3A_562 : vector<16xf32>
        %swap3A_564 = arith.constant 13 : i32
        %swap3A_565 = arith.index_cast %swap3A_564 : i32 to index
        %swap3A_566 = arith.constant 0 : index
        %swap3A_567 = tpu.vector_load %arg8[%swap3A_565, %swap3A_566] {strides = array<i32>} : memref<16x16xf32, #tpu.memory_space<vmem>>, vector<16xf32>,
        tpu.vector_store %arg8[%swap3A_565, %swap3A_566], %add3A_563 {strides = array<i32>} : memref<16x16xf32, #tpu.memory_space<vmem>>, vector<16xf32>,
        %add3A_568 = arith.constant 14 : i32
        %add3A_569 = arith.addi %mul3A_219, %add3A_568 : i32
        %get3A_570 = arith.index_cast %add3A_569 : i32 to index
        %get3A_571 = arith.constant 0 : index
        %get3A_572 = tpu.vector_load %arg6[%get3A_570, %get3A_571] {strides = array<i32>} : memref<512x64xf32, #tpu.memory_space<vmem>>, vector<16xf32>,
        %get3A_573 = arith.index_cast %add3A_569 : i32 to index
        %get3A_574 = arith.constant 16 : index
        %get3A_575 = tpu.vector_load %arg6[%get3A_573, %get3A_574] {strides = array<i32>} : memref<512x64xf32, #tpu.memory_space<vmem>>, vector<16xf32>,
        %get3A_576 = arith.index_cast %add3A_569 : i32 to index
        %get3A_577 = arith.constant 32 : index
        %get3A_578 = tpu.vector_load %arg6[%get3A_576, %get3A_577] {strides = array<i32>} : memref<512x64xf32, #tpu.memory_space<vmem>>, vector<16xf32>,
        %get3A_579 = arith.index_cast %add3A_569 : i32 to index
        %get3A_580 = arith.constant 48 : index
        %get3A_581 = tpu.vector_load %arg6[%get3A_579, %get3A_580] {strides = array<i32>} : memref<512x64xf32, #tpu.memory_space<vmem>>, vector<16xf32>,
        %mul3A_582 = arith.mulf %get3A_572, %get3A_572 : vector<16xf32>
        %mul3A_583 = arith.mulf %get3A_575, %get3A_575 : vector<16xf32>
        %add3A_584 = arith.addf %mul3A_582, %mul3A_583 : vector<16xf32>
        %mul3A_585 = arith.mulf %get3A_578, %get3A_578 : vector<16xf32>
        %mul3A_586 = arith.mulf %get3A_581, %get3A_581 : vector<16xf32>
        %add3A_587 = arith.addf %mul3A_585, %mul3A_586 : vector<16xf32>
        %add3A_588 = arith.addf %add3A_584, %add3A_587 : vector<16xf32>
        %swap3A_589 = arith.constant 14 : i32
        %swap3A_590 = arith.index_cast %swap3A_589 : i32 to index
        %swap3A_591 = arith.constant 0 : index
        %swap3A_592 = tpu.vector_load %arg8[%swap3A_590, %swap3A_591] {strides = array<i32>} : memref<16x16xf32, #tpu.memory_space<vmem>>, vector<16xf32>,
        tpu.vector_store %arg8[%swap3A_590, %swap3A_591], %add3A_588 {strides = array<i32>} : memref<16x16xf32, #tpu.memory_space<vmem>>, vector<16xf32>,
        %add3A_593 = arith.constant 15 : i32
        %add3A_594 = arith.addi %mul3A_219, %add3A_593 : i32
        %get3A_595 = arith.index_cast %add3A_594 : i32 to index
        %get3A_596 = arith.constant 0 : index
        %get3A_597 = tpu.vector_load %arg6[%get3A_595, %get3A_596] {strides = array<i32>} : memref<512x64xf32, #tpu.memory_space<vmem>>, vector<16xf32>,
        %get3A_598 = arith.index_cast %add3A_594 : i32 to index
        %get3A_599 = arith.constant 16 : index
        %get3A_600 = tpu.vector_load %arg6[%get3A_598, %get3A_599] {strides = array<i32>} : memref<512x64xf32, #tpu.memory_space<vmem>>, vector<16xf32>,
        %get3A_601 = arith.index_cast %add3A_594 : i32 to index
        %get3A_602 = arith.constant 32 : index
        %get3A_603 = tpu.vector_load %arg6[%get3A_601, %get3A_602] {strides = array<i32>} : memref<512x64xf32, #tpu.memory_space<vmem>>, vector<16xf32>,
        %get3A_604 = arith.index_cast %add3A_594 : i32 to index
        %get3A_605 = arith.constant 48 : index
        %get3A_606 = tpu.vector_load %arg6[%get3A_604, %get3A_605] {strides = array<i32>} : memref<512x64xf32, #tpu.memory_space<vmem>>, vector<16xf32>,
        %mul3A_607 = arith.mulf %get3A_597, %get3A_597 : vector<16xf32>
        %mul3A_608 = arith.mulf %get3A_600, %get3A_600 : vector<16xf32>
        %add3A_609 = arith.addf %mul3A_607, %mul3A_608 : vector<16xf32>
        %mul3A_610 = arith.mulf %get3A_603, %get3A_603 : vector<16xf32>
        %mul3A_611 = arith.mulf %get3A_606, %get3A_606 : vector<16xf32>
        %add3A_612 = arith.addf %mul3A_610, %mul3A_611 : vector<16xf32>
        %add3A_613 = arith.addf %add3A_609, %add3A_612 : vector<16xf32>
        %swap3A_614 = arith.constant 15 : i32
        %swap3A_615 = arith.index_cast %swap3A_614 : i32 to index
        %swap3A_616 = arith.constant 0 : index
        %swap3A_617 = tpu.vector_load %arg8[%swap3A_615, %swap3A_616] {strides = array<i32>} : memref<16x16xf32, #tpu.memory_space<vmem>>, vector<16xf32>,
        tpu.vector_store %arg8[%swap3A_615, %swap3A_616], %add3A_613 {strides = array<i32>} : memref<16x16xf32, #tpu.memory_space<vmem>>, vector<16xf32>,
        %broadcast_in_dim3A = arith.constant 0.000000e+00 : f32
        %broadcast_in_dim3A_618 = vector.broadcast %broadcast_in_dim3A : f32 to vector<16xf32>
        %add3A_619 = arith.constant 0 : i32
        %add3A_620 = vector.broadcast %add3A_619 : i32 to vector<16xi32>
        %add3A_621 = arith.addi %iota3A, %add3A_620 : vector<16xi32>
        %and3A = arith.constant 15 : i32
        %and3A_622 = vector.broadcast %and3A : i32 to vector<16xi32>
        %and3A_623 = arith.andi %add3A_621, %and3A_622 : vector<16xi32>
        %gather3A = tpu.vector_load_idx %arg8[%iota3A, %and3A_623] : memref<16x16xf32, #tpu.memory_space<vmem>>[vector<16xi32>, vector<16xi32>], vector<16xf32>,
        %add3A_624 = arith.addf %broadcast_in_dim3A_618, %gather3A : vector<16xf32>
        %add3A_625 = arith.constant 1 : i32
        %add3A_626 = vector.broadcast %add3A_625 : i32 to vector<16xi32>
        %add3A_627 = arith.addi %iota3A, %add3A_626 : vector<16xi32>
        %and3A_628 = arith.constant 15 : i32
        %and3A_629 = vector.broadcast %and3A_628 : i32 to vector<16xi32>
        %and3A_630 = arith.andi %add3A_627, %and3A_629 : vector<16xi32>
        %gather3A_631 = tpu.vector_load_idx %arg8[%iota3A, %and3A_630] : memref<16x16xf32, #tpu.memory_space<vmem>>[vector<16xi32>, vector<16xi32>], vector<16xf32>,
        %add3A_632 = arith.addf %add3A_624, %gather3A_631 : vector<16xf32>
        %add3A_633 = arith.constant 2 : i32
        %add3A_634 = vector.broadcast %add3A_633 : i32 to vector<16xi32>
        %add3A_635 = arith.addi %iota3A, %add3A_634 : vector<16xi32>
        %and3A_636 = arith.constant 15 : i32
        %and3A_637 = vector.broadcast %and3A_636 : i32 to vector<16xi32>
        %and3A_638 = arith.andi %add3A_635, %and3A_637 : vector<16xi32>
        %gather3A_639 = tpu.vector_load_idx %arg8[%iota3A, %and3A_638] : memref<16x16xf32, #tpu.memory_space<vmem>>[vector<16xi32>, vector<16xi32>], vector<16xf32>,
        %add3A_640 = arith.addf %add3A_632, %gather3A_639 : vector<16xf32>
        %add3A_641 = arith.constant 3 : i32
        %add3A_642 = vector.broadcast %add3A_641 : i32 to vector<16xi32>
        %add3A_643 = arith.addi %iota3A, %add3A_642 : vector<16xi32>
        %and3A_644 = arith.constant 15 : i32
        %and3A_645 = vector.broadcast %and3A_644 : i32 to vector<16xi32>
        %and3A_646 = arith.andi %add3A_643, %and3A_645 : vector<16xi32>
        %gather3A_647 = tpu.vector_load_idx %arg8[%iota3A, %and3A_646] : memref<16x16xf32, #tpu.memory_space<vmem>>[vector<16xi32>, vector<16xi32>], vector<16xf32>,
        %add3A_648 = arith.addf %add3A_640, %gather3A_647 : vector<16xf32>
        %add3A_649 = arith.constant 4 : i32
        %add3A_650 = vector.broadcast %add3A_649 : i32 to vector<16xi32>
        %add3A_651 = arith.addi %iota3A, %add3A_650 : vector<16xi32>
        %and3A_652 = arith.constant 15 : i32
        %and3A_653 = vector.broadcast %and3A_652 : i32 to vector<16xi32>
        %and3A_654 = arith.andi %add3A_651, %and3A_653 : vector<16xi32>
        %gather3A_655 = tpu.vector_load_idx %arg8[%iota3A, %and3A_654] : memref<16x16xf32, #tpu.memory_space<vmem>>[vector<16xi32>, vector<16xi32>], vector<16xf32>,
        %add3A_656 = arith.addf %add3A_648, %gather3A_655 : vector<16xf32>
        %add3A_657 = arith.constant 5 : i32
        %add3A_658 = vector.broadcast %add3A_657 : i32 to vector<16xi32>
        %add3A_659 = arith.addi %iota3A, %add3A_658 : vector<16xi32>
        %and3A_660 = arith.constant 15 : i32
        %and3A_661 = vector.broadcast %and3A_660 : i32 to vector<16xi32>
        %and3A_662 = arith.andi %add3A_659, %and3A_661 : vector<16xi32>
        %gather3A_663 = tpu.vector_load_idx %arg8[%iota3A, %and3A_662] : memref<16x16xf32, #tpu.memory_space<vmem>>[vector<16xi32>, vector<16xi32>], vector<16xf32>,
        %add3A_664 = arith.addf %add3A_656, %gather3A_663 : vector<16xf32>
        %add3A_665 = arith.constant 6 : i32
        %add3A_666 = vector.broadcast %add3A_665 : i32 to vector<16xi32>
        %add3A_667 = arith.addi %iota3A, %add3A_666 : vector<16xi32>
        %and3A_668 = arith.constant 15 : i32
        %and3A_669 = vector.broadcast %and3A_668 : i32 to vector<16xi32>
        %and3A_670 = arith.andi %add3A_667, %and3A_669 : vector<16xi32>
        %gather3A_671 = tpu.vector_load_idx %arg8[%iota3A, %and3A_670] : memref<16x16xf32, #tpu.memory_space<vmem>>[vector<16xi32>, vector<16xi32>], vector<16xf32>,
        %add3A_672 = arith.addf %add3A_664, %gather3A_671 : vector<16xf32>
        %add3A_673 = arith.constant 7 : i32
        %add3A_674 = vector.broadcast %add3A_673 : i32 to vector<16xi32>
        %add3A_675 = arith.addi %iota3A, %add3A_674 : vector<16xi32>
        %and3A_676 = arith.constant 15 : i32
        %and3A_677 = vector.broadcast %and3A_676 : i32 to vector<16xi32>
        %and3A_678 = arith.andi %add3A_675, %and3A_677 : vector<16xi32>
        %gather3A_679 = tpu.vector_load_idx %arg8[%iota3A, %and3A_678] : memref<16x16xf32, #tpu.memory_space<vmem>>[vector<16xi32>, vector<16xi32>], vector<16xf32>,
        %add3A_680 = arith.addf %add3A_672, %gather3A_679 : vector<16xf32>
        %add3A_681 = arith.constant 8 : i32
        %add3A_682 = vector.broadcast %add3A_681 : i32 to vector<16xi32>
        %add3A_683 = arith.addi %iota3A, %add3A_682 : vector<16xi32>
        %and3A_684 = arith.constant 15 : i32
        %and3A_685 = vector.broadcast %and3A_684 : i32 to vector<16xi32>
        %and3A_686 = arith.andi %add3A_683, %and3A_685 : vector<16xi32>
        %gather3A_687 = tpu.vector_load_idx %arg8[%iota3A, %and3A_686] : memref<16x16xf32, #tpu.memory_space<vmem>>[vector<16xi32>, vector<16xi32>], vector<16xf32>,
        %add3A_688 = arith.addf %add3A_680, %gather3A_687 : vector<16xf32>
        %add3A_689 = arith.constant 9 : i32
        %add3A_690 = vector.broadcast %add3A_689 : i32 to vector<16xi32>
        %add3A_691 = arith.addi %iota3A, %add3A_690 : vector<16xi32>
        %and3A_692 = arith.constant 15 : i32
        %and3A_693 = vector.broadcast %and3A_692 : i32 to vector<16xi32>
        %and3A_694 = arith.andi %add3A_691, %and3A_693 : vector<16xi32>
        %gather3A_695 = tpu.vector_load_idx %arg8[%iota3A, %and3A_694] : memref<16x16xf32, #tpu.memory_space<vmem>>[vector<16xi32>, vector<16xi32>], vector<16xf32>,
        %add3A_696 = arith.addf %add3A_688, %gather3A_695 : vector<16xf32>
        %add3A_697 = arith.constant 10 : i32
        %add3A_698 = vector.broadcast %add3A_697 : i32 to vector<16xi32>
        %add3A_699 = arith.addi %iota3A, %add3A_698 : vector<16xi32>
        %and3A_700 = arith.constant 15 : i32
        %and3A_701 = vector.broadcast %and3A_700 : i32 to vector<16xi32>
        %and3A_702 = arith.andi %add3A_699, %and3A_701 : vector<16xi32>
        %gather3A_703 = tpu.vector_load_idx %arg8[%iota3A, %and3A_702] : memref<16x16xf32, #tpu.memory_space<vmem>>[vector<16xi32>, vector<16xi32>], vector<16xf32>,
        %add3A_704 = arith.addf %add3A_696, %gather3A_703 : vector<16xf32>
        %add3A_705 = arith.constant 11 : i32
        %add3A_706 = vector.broadcast %add3A_705 : i32 to vector<16xi32>
        %add3A_707 = arith.addi %iota3A, %add3A_706 : vector<16xi32>
        %and3A_708 = arith.constant 15 : i32
        %and3A_709 = vector.broadcast %and3A_708 : i32 to vector<16xi32>
        %and3A_710 = arith.andi %add3A_707, %and3A_709 : vector<16xi32>
        %gather3A_711 = tpu.vector_load_idx %arg8[%iota3A, %and3A_710] : memref<16x16xf32, #tpu.memory_space<vmem>>[vector<16xi32>, vector<16xi32>], vector<16xf32>,
        %add3A_712 = arith.addf %add3A_704, %gather3A_711 : vector<16xf32>
        %add3A_713 = arith.constant 12 : i32
        %add3A_714 = vector.broadcast %add3A_713 : i32 to vector<16xi32>
        %add3A_715 = arith.addi %iota3A, %add3A_714 : vector<16xi32>
        %and3A_716 = arith.constant 15 : i32
        %and3A_717 = vector.broadcast %and3A_716 : i32 to vector<16xi32>
        %and3A_718 = arith.andi %add3A_715, %and3A_717 : vector<16xi32>
        %gather3A_719 = tpu.vector_load_idx %arg8[%iota3A, %and3A_718] : memref<16x16xf32, #tpu.memory_space<vmem>>[vector<16xi32>, vector<16xi32>], vector<16xf32>,
        %add3A_720 = arith.addf %add3A_712, %gather3A_719 : vector<16xf32>
        %add3A_721 = arith.constant 13 : i32
        %add3A_722 = vector.broadcast %add3A_721 : i32 to vector<16xi32>
        %add3A_723 = arith.addi %iota3A, %add3A_722 : vector<16xi32>
        %and3A_724 = arith.constant 15 : i32
        %and3A_725 = vector.broadcast %and3A_724 : i32 to vector<16xi32>
        %and3A_726 = arith.andi %add3A_723, %and3A_725 : vector<16xi32>
        %gather3A_727 = tpu.vector_load_idx %arg8[%iota3A, %and3A_726] : memref<16x16xf32, #tpu.memory_space<vmem>>[vector<16xi32>, vector<16xi32>], vector<16xf32>,
        %add3A_728 = arith.addf %add3A_720, %gather3A_727 : vector<16xf32>
        %add3A_729 = arith.constant 14 : i32
        %add3A_730 = vector.broadcast %add3A_729 : i32 to vector<16xi32>
        %add3A_731 = arith.addi %iota3A, %add3A_730 : vector<16xi32>
        %and3A_732 = arith.constant 15 : i32
        %and3A_733 = vector.broadcast %and3A_732 : i32 to vector<16xi32>
        %and3A_734 = arith.andi %add3A_731, %and3A_733 : vector<16xi32>
        %gather3A_735 = tpu.vector_load_idx %arg8[%iota3A, %and3A_734] : memref<16x16xf32, #tpu.memory_space<vmem>>[vector<16xi32>, vector<16xi32>], vector<16xf32>,
        %add3A_736 = arith.addf %add3A_728, %gather3A_735 : vector<16xf32>
        %add3A_737 = arith.constant 15 : i32
        %add3A_738 = vector.broadcast %add3A_737 : i32 to vector<16xi32>
        %add3A_739 = arith.addi %iota3A, %add3A_738 : vector<16xi32>
        %and3A_740 = arith.constant 15 : i32
        %and3A_741 = vector.broadcast %and3A_740 : i32 to vector<16xi32>
        %and3A_742 = arith.andi %add3A_739, %and3A_741 : vector<16xi32>
        %gather3A_743 = tpu.vector_load_idx %arg8[%iota3A, %and3A_742] : memref<16x16xf32, #tpu.memory_space<vmem>>[vector<16xi32>, vector<16xi32>], vector<16xf32>,
        %add3A_744 = arith.addf %add3A_736, %gather3A_743 : vector<16xf32>
        %bitcast_convert_type3A = tpu.bitcast %add3A_744 : vector<16xf32> -> vector<16xi32>
        %shift_right_logical3A = arith.constant 1 : i32
        %shift_right_logical3A_745 = vector.broadcast %shift_right_logical3A : i32 to vector<16xi32>
        %shift_right_logical3A_746 = arith.shrui %bitcast_convert_type3A, %shift_right_logical3A_745 : vector<16xi32>
        %sub3A = arith.constant 1597463007 : i32
        %sub3A_747 = vector.broadcast %sub3A : i32 to vector<16xi32>
        %sub3A_748 = arith.subi %sub3A_747, %shift_right_logical3A_746 : vector<16xi32>
        %bitcast_convert_type3A_749 = tpu.bitcast %sub3A_748 : vector<16xi32> -> vector<16xf32>
        %mul3A_750 = arith.constant 5.000000e-01 : f32
        %mul3A_751 = vector.broadcast %mul3A_750 : f32 to vector<16xf32>
        %mul3A_752 = arith.mulf %add3A_744, %mul3A_751 : vector<16xf32>
        %mul3A_753 = arith.mulf %mul3A_752, %bitcast_convert_type3A_749 : vector<16xf32>
        %mul3A_754 = arith.mulf %mul3A_753, %bitcast_convert_type3A_749 : vector<16xf32>
        %sub3A_755 = arith.constant 1.500000e+00 : f32
        %sub3A_756 = vector.broadcast %sub3A_755 : f32 to vector<16xf32>
        %sub3A_757 = arith.subf %sub3A_756, %mul3A_754 : vector<16xf32>
        %mul3A_758 = arith.mulf %bitcast_convert_type3A_749, %sub3A_757 : vector<16xf32>
        %mul3A_759 = arith.mulf %mul3A_752, %mul3A_758 : vector<16xf32>
        %mul3A_760 = arith.mulf %mul3A_759, %mul3A_758 : vector<16xf32>
        %sub3A_761 = arith.constant 1.500000e+00 : f32
        %sub3A_762 = vector.broadcast %sub3A_761 : f32 to vector<16xf32>
        %sub3A_763 = arith.subf %sub3A_762, %mul3A_760 : vector<16xf32>
        %mul3A_764 = arith.mulf %mul3A_758, %sub3A_763 : vector<16xf32>
        %mul3A_765 = arith.mulf %mul3A_752, %mul3A_764 : vector<16xf32>
        %mul3A_766 = arith.mulf %mul3A_765, %mul3A_764 : vector<16xf32>
        %sub3A_767 = arith.constant 1.500000e+00 : f32
        %sub3A_768 = vector.broadcast %sub3A_767 : f32 to vector<16xf32>
        %sub3A_769 = arith.subf %sub3A_768, %mul3A_766 : vector<16xf32>
        %mul3A_770 = arith.mulf %mul3A_764, %sub3A_769 : vector<16xf32>
        %min3A = arith.constant 9.99999995E+11 : f32
        %min3A_771 = vector.broadcast %min3A : f32 to vector<16xf32>
        %min3A_772 = arith.minimumf %mul3A_770, %min3A_771 : vector<16xf32>
        %add3A_773 = arith.constant 0 : i32
        %add3A_774 = arith.addi %mul3A_219, %add3A_773 : i32
        %slice3A = vector.extract_strided_slice %min3A_772 {offsets = [0], sizes = [1], strides = [1]} : vector<16xf32> to vector<1xf32>
        %squeeze3A = vector.extract %slice3A[0] : f32 from vector<1xf32>
        %broadcast_in_dim3A_775 = vector.broadcast %squeeze3A : f32 to vector<16xf32>
        %get3A_776 = arith.index_cast %add3A_774 : i32 to index
        %get3A_777 = arith.constant 0 : index
        %get3A_778 = tpu.vector_load %arg6[%get3A_776, %get3A_777] {strides = array<i32>} : memref<512x64xf32, #tpu.memory_space<vmem>>, vector<16xf32>,
        %mul3A_779 = arith.mulf %get3A_778, %broadcast_in_dim3A_775 : vector<16xf32>
        %swap3A_780 = arith.index_cast %add3A_774 : i32 to index
        %swap3A_781 = arith.constant 0 : index
        %swap3A_782 = tpu.vector_load %arg6[%swap3A_780, %swap3A_781] {strides = array<i32>} : memref<512x64xf32, #tpu.memory_space<vmem>>, vector<16xf32>,
        tpu.vector_store %arg6[%swap3A_780, %swap3A_781], %mul3A_779 {strides = array<i32>} : memref<512x64xf32, #tpu.memory_space<vmem>>, vector<16xf32>,
        %get3A_783 = arith.index_cast %add3A_774 : i32 to index
        %get3A_784 = arith.constant 16 : index
        %get3A_785 = tpu.vector_load %arg6[%get3A_783, %get3A_784] {strides = array<i32>} : memref<512x64xf32, #tpu.memory_space<vmem>>, vector<16xf32>,
        %mul3A_786 = arith.mulf %get3A_785, %broadcast_in_dim3A_775 : vector<16xf32>
        %swap3A_787 = arith.index_cast %add3A_774 : i32 to index
        %swap3A_788 = arith.constant 16 : index
        %swap3A_789 = tpu.vector_load %arg6[%swap3A_787, %swap3A_788] {strides = array<i32>} : memref<512x64xf32, #tpu.memory_space<vmem>>, vector<16xf32>,
        tpu.vector_store %arg6[%swap3A_787, %swap3A_788], %mul3A_786 {strides = array<i32>} : memref<512x64xf32, #tpu.memory_space<vmem>>, vector<16xf32>,
        %get3A_790 = arith.index_cast %add3A_774 : i32 to index
        %get3A_791 = arith.constant 32 : index
        %get3A_792 = tpu.vector_load %arg6[%get3A_790, %get3A_791] {strides = array<i32>} : memref<512x64xf32, #tpu.memory_space<vmem>>, vector<16xf32>,
        %mul3A_793 = arith.mulf %get3A_792, %broadcast_in_dim3A_775 : vector<16xf32>
        %swap3A_794 = arith.index_cast %add3A_774 : i32 to index
        %swap3A_795 = arith.constant 32 : index
        %swap3A_796 = tpu.vector_load %arg6[%swap3A_794, %swap3A_795] {strides = array<i32>} : memref<512x64xf32, #tpu.memory_space<vmem>>, vector<16xf32>,
        tpu.vector_store %arg6[%swap3A_794, %swap3A_795], %mul3A_793 {strides = array<i32>} : memref<512x64xf32, #tpu.memory_space<vmem>>, vector<16xf32>,
        %get3A_797 = arith.index_cast %add3A_774 : i32 to index
        %get3A_798 = arith.constant 48 : index
        %get3A_799 = tpu.vector_load %arg6[%get3A_797, %get3A_798] {strides = array<i32>} : memref<512x64xf32, #tpu.memory_space<vmem>>, vector<16xf32>,
        %mul3A_800 = arith.mulf %get3A_799, %broadcast_in_dim3A_775 : vector<16xf32>
        %swap3A_801 = arith.index_cast %add3A_774 : i32 to index
        %swap3A_802 = arith.constant 48 : index
        %swap3A_803 = tpu.vector_load %arg6[%swap3A_801, %swap3A_802] {strides = array<i32>} : memref<512x64xf32, #tpu.memory_space<vmem>>, vector<16xf32>,
        tpu.vector_store %arg6[%swap3A_801, %swap3A_802], %mul3A_800 {strides = array<i32>} : memref<512x64xf32, #tpu.memory_space<vmem>>, vector<16xf32>,
        %add3A_804 = arith.constant 1 : i32
        %add3A_805 = arith.addi %mul3A_219, %add3A_804 : i32
        %slice3A_806 = vector.extract_strided_slice %min3A_772 {offsets = [1], sizes = [1], strides = [1]} : vector<16xf32> to vector<1xf32>
        %squeeze3A_807 = vector.extract %slice3A_806[0] : f32 from vector<1xf32>
        %broadcast_in_dim3A_808 = vector.broadcast %squeeze3A_807 : f32 to vector<16xf32>
        %get3A_809 = arith.index_cast %add3A_805 : i32 to index
        %get3A_810 = arith.constant 0 : index
        %get3A_811 = tpu.vector_load %arg6[%get3A_809, %get3A_810] {strides = array<i32>} : memref<512x64xf32, #tpu.memory_space<vmem>>, vector<16xf32>,
        %mul3A_812 = arith.mulf %get3A_811, %broadcast_in_dim3A_808 : vector<16xf32>
        %swap3A_813 = arith.index_cast %add3A_805 : i32 to index
        %swap3A_814 = arith.constant 0 : index
        %swap3A_815 = tpu.vector_load %arg6[%swap3A_813, %swap3A_814] {strides = array<i32>} : memref<512x64xf32, #tpu.memory_space<vmem>>, vector<16xf32>,
        tpu.vector_store %arg6[%swap3A_813, %swap3A_814], %mul3A_812 {strides = array<i32>} : memref<512x64xf32, #tpu.memory_space<vmem>>, vector<16xf32>,
        %get3A_816 = arith.index_cast %add3A_805 : i32 to index
        %get3A_817 = arith.constant 16 : index
        %get3A_818 = tpu.vector_load %arg6[%get3A_816, %get3A_817] {strides = array<i32>} : memref<512x64xf32, #tpu.memory_space<vmem>>, vector<16xf32>,
        %mul3A_819 = arith.mulf %get3A_818, %broadcast_in_dim3A_808 : vector<16xf32>
        %swap3A_820 = arith.index_cast %add3A_805 : i32 to index
        %swap3A_821 = arith.constant 16 : index
        %swap3A_822 = tpu.vector_load %arg6[%swap3A_820, %swap3A_821] {strides = array<i32>} : memref<512x64xf32, #tpu.memory_space<vmem>>, vector<16xf32>,
        tpu.vector_store %arg6[%swap3A_820, %swap3A_821], %mul3A_819 {strides = array<i32>} : memref<512x64xf32, #tpu.memory_space<vmem>>, vector<16xf32>,
        %get3A_823 = arith.index_cast %add3A_805 : i32 to index
        %get3A_824 = arith.constant 32 : index
        %get3A_825 = tpu.vector_load %arg6[%get3A_823, %get3A_824] {strides = array<i32>} : memref<512x64xf32, #tpu.memory_space<vmem>>, vector<16xf32>,
        %mul3A_826 = arith.mulf %get3A_825, %broadcast_in_dim3A_808 : vector<16xf32>
        %swap3A_827 = arith.index_cast %add3A_805 : i32 to index
        %swap3A_828 = arith.constant 32 : index
        %swap3A_829 = tpu.vector_load %arg6[%swap3A_827, %swap3A_828] {strides = array<i32>} : memref<512x64xf32, #tpu.memory_space<vmem>>, vector<16xf32>,
        tpu.vector_store %arg6[%swap3A_827, %swap3A_828], %mul3A_826 {strides = array<i32>} : memref<512x64xf32, #tpu.memory_space<vmem>>, vector<16xf32>,
        %get3A_830 = arith.index_cast %add3A_805 : i32 to index
        %get3A_831 = arith.constant 48 : index
        %get3A_832 = tpu.vector_load %arg6[%get3A_830, %get3A_831] {strides = array<i32>} : memref<512x64xf32, #tpu.memory_space<vmem>>, vector<16xf32>,
        %mul3A_833 = arith.mulf %get3A_832, %broadcast_in_dim3A_808 : vector<16xf32>
        %swap3A_834 = arith.index_cast %add3A_805 : i32 to index
        %swap3A_835 = arith.constant 48 : index
        %swap3A_836 = tpu.vector_load %arg6[%swap3A_834, %swap3A_835] {strides = array<i32>} : memref<512x64xf32, #tpu.memory_space<vmem>>, vector<16xf32>,
        tpu.vector_store %arg6[%swap3A_834, %swap3A_835], %mul3A_833 {strides = array<i32>} : memref<512x64xf32, #tpu.memory_space<vmem>>, vector<16xf32>,
        %add3A_837 = arith.constant 2 : i32
        %add3A_838 = arith.addi %mul3A_219, %add3A_837 : i32
        %slice3A_839 = vector.extract_strided_slice %min3A_772 {offsets = [2], sizes = [1], strides = [1]} : vector<16xf32> to vector<1xf32>
        %squeeze3A_840 = vector.extract %slice3A_839[0] : f32 from vector<1xf32>
        %broadcast_in_dim3A_841 = vector.broadcast %squeeze3A_840 : f32 to vector<16xf32>
        %get3A_842 = arith.index_cast %add3A_838 : i32 to index
        %get3A_843 = arith.constant 0 : index
        %get3A_844 = tpu.vector_load %arg6[%get3A_842, %get3A_843] {strides = array<i32>} : memref<512x64xf32, #tpu.memory_space<vmem>>, vector<16xf32>,
        %mul3A_845 = arith.mulf %get3A_844, %broadcast_in_dim3A_841 : vector<16xf32>
        %swap3A_846 = arith.index_cast %add3A_838 : i32 to index
        %swap3A_847 = arith.constant 0 : index
        %swap3A_848 = tpu.vector_load %arg6[%swap3A_846, %swap3A_847] {strides = array<i32>} : memref<512x64xf32, #tpu.memory_space<vmem>>, vector<16xf32>,
        tpu.vector_store %arg6[%swap3A_846, %swap3A_847], %mul3A_845 {strides = array<i32>} : memref<512x64xf32, #tpu.memory_space<vmem>>, vector<16xf32>,
        %get3A_849 = arith.index_cast %add3A_838 : i32 to index
        %get3A_850 = arith.constant 16 : index
        %get3A_851 = tpu.vector_load %arg6[%get3A_849, %get3A_850] {strides = array<i32>} : memref<512x64xf32, #tpu.memory_space<vmem>>, vector<16xf32>,
        %mul3A_852 = arith.mulf %get3A_851, %broadcast_in_dim3A_841 : vector<16xf32>
        %swap3A_853 = arith.index_cast %add3A_838 : i32 to index
        %swap3A_854 = arith.constant 16 : index
        %swap3A_855 = tpu.vector_load %arg6[%swap3A_853, %swap3A_854] {strides = array<i32>} : memref<512x64xf32, #tpu.memory_space<vmem>>, vector<16xf32>,
        tpu.vector_store %arg6[%swap3A_853, %swap3A_854], %mul3A_852 {strides = array<i32>} : memref<512x64xf32, #tpu.memory_space<vmem>>, vector<16xf32>,
        %get3A_856 = arith.index_cast %add3A_838 : i32 to index
        %get3A_857 = arith.constant 32 : index
        %get3A_858 = tpu.vector_load %arg6[%get3A_856, %get3A_857] {strides = array<i32>} : memref<512x64xf32, #tpu.memory_space<vmem>>, vector<16xf32>,
        %mul3A_859 = arith.mulf %get3A_858, %broadcast_in_dim3A_841 : vector<16xf32>
        %swap3A_860 = arith.index_cast %add3A_838 : i32 to index
        %swap3A_861 = arith.constant 32 : index
        %swap3A_862 = tpu.vector_load %arg6[%swap3A_860, %swap3A_861] {strides = array<i32>} : memref<512x64xf32, #tpu.memory_space<vmem>>, vector<16xf32>,
        tpu.vector_store %arg6[%swap3A_860, %swap3A_861], %mul3A_859 {strides = array<i32>} : memref<512x64xf32, #tpu.memory_space<vmem>>, vector<16xf32>,
        %get3A_863 = arith.index_cast %add3A_838 : i32 to index
        %get3A_864 = arith.constant 48 : index
        %get3A_865 = tpu.vector_load %arg6[%get3A_863, %get3A_864] {strides = array<i32>} : memref<512x64xf32, #tpu.memory_space<vmem>>, vector<16xf32>,
        %mul3A_866 = arith.mulf %get3A_865, %broadcast_in_dim3A_841 : vector<16xf32>
        %swap3A_867 = arith.index_cast %add3A_838 : i32 to index
        %swap3A_868 = arith.constant 48 : index
        %swap3A_869 = tpu.vector_load %arg6[%swap3A_867, %swap3A_868] {strides = array<i32>} : memref<512x64xf32, #tpu.memory_space<vmem>>, vector<16xf32>,
        tpu.vector_store %arg6[%swap3A_867, %swap3A_868], %mul3A_866 {strides = array<i32>} : memref<512x64xf32, #tpu.memory_space<vmem>>, vector<16xf32>,
        %add3A_870 = arith.constant 3 : i32
        %add3A_871 = arith.addi %mul3A_219, %add3A_870 : i32
        %slice3A_872 = vector.extract_strided_slice %min3A_772 {offsets = [3], sizes = [1], strides = [1]} : vector<16xf32> to vector<1xf32>
        %squeeze3A_873 = vector.extract %slice3A_872[0] : f32 from vector<1xf32>
        %broadcast_in_dim3A_874 = vector.broadcast %squeeze3A_873 : f32 to vector<16xf32>
        %get3A_875 = arith.index_cast %add3A_871 : i32 to index
        %get3A_876 = arith.constant 0 : index
        %get3A_877 = tpu.vector_load %arg6[%get3A_875, %get3A_876] {strides = array<i32>} : memref<512x64xf32, #tpu.memory_space<vmem>>, vector<16xf32>,
        %mul3A_878 = arith.mulf %get3A_877, %broadcast_in_dim3A_874 : vector<16xf32>
        %swap3A_879 = arith.index_cast %add3A_871 : i32 to index
        %swap3A_880 = arith.constant 0 : index
        %swap3A_881 = tpu.vector_load %arg6[%swap3A_879, %swap3A_880] {strides = array<i32>} : memref<512x64xf32, #tpu.memory_space<vmem>>, vector<16xf32>,
        tpu.vector_store %arg6[%swap3A_879, %swap3A_880], %mul3A_878 {strides = array<i32>} : memref<512x64xf32, #tpu.memory_space<vmem>>, vector<16xf32>,
        %get3A_882 = arith.index_cast %add3A_871 : i32 to index
        %get3A_883 = arith.constant 16 : index
        %get3A_884 = tpu.vector_load %arg6[%get3A_882, %get3A_883] {strides = array<i32>} : memref<512x64xf32, #tpu.memory_space<vmem>>, vector<16xf32>,
        %mul3A_885 = arith.mulf %get3A_884, %broadcast_in_dim3A_874 : vector<16xf32>
        %swap3A_886 = arith.index_cast %add3A_871 : i32 to index
        %swap3A_887 = arith.constant 16 : index
        %swap3A_888 = tpu.vector_load %arg6[%swap3A_886, %swap3A_887] {strides = array<i32>} : memref<512x64xf32, #tpu.memory_space<vmem>>, vector<16xf32>,
        tpu.vector_store %arg6[%swap3A_886, %swap3A_887], %mul3A_885 {strides = array<i32>} : memref<512x64xf32, #tpu.memory_space<vmem>>, vector<16xf32>,
        %get3A_889 = arith.index_cast %add3A_871 : i32 to index
        %get3A_890 = arith.constant 32 : index
        %get3A_891 = tpu.vector_load %arg6[%get3A_889, %get3A_890] {strides = array<i32>} : memref<512x64xf32, #tpu.memory_space<vmem>>, vector<16xf32>,
        %mul3A_892 = arith.mulf %get3A_891, %broadcast_in_dim3A_874 : vector<16xf32>
        %swap3A_893 = arith.index_cast %add3A_871 : i32 to index
        %swap3A_894 = arith.constant 32 : index
        %swap3A_895 = tpu.vector_load %arg6[%swap3A_893, %swap3A_894] {strides = array<i32>} : memref<512x64xf32, #tpu.memory_space<vmem>>, vector<16xf32>,
        tpu.vector_store %arg6[%swap3A_893, %swap3A_894], %mul3A_892 {strides = array<i32>} : memref<512x64xf32, #tpu.memory_space<vmem>>, vector<16xf32>,
        %get3A_896 = arith.index_cast %add3A_871 : i32 to index
        %get3A_897 = arith.constant 48 : index
        %get3A_898 = tpu.vector_load %arg6[%get3A_896, %get3A_897] {strides = array<i32>} : memref<512x64xf32, #tpu.memory_space<vmem>>, vector<16xf32>,
        %mul3A_899 = arith.mulf %get3A_898, %broadcast_in_dim3A_874 : vector<16xf32>
        %swap3A_900 = arith.index_cast %add3A_871 : i32 to index
        %swap3A_901 = arith.constant 48 : index
        %swap3A_902 = tpu.vector_load %arg6[%swap3A_900, %swap3A_901] {strides = array<i32>} : memref<512x64xf32, #tpu.memory_space<vmem>>, vector<16xf32>,
        tpu.vector_store %arg6[%swap3A_900, %swap3A_901], %mul3A_899 {strides = array<i32>} : memref<512x64xf32, #tpu.memory_space<vmem>>, vector<16xf32>,
        %add3A_903 = arith.constant 4 : i32
        %add3A_904 = arith.addi %mul3A_219, %add3A_903 : i32
        %slice3A_905 = vector.extract_strided_slice %min3A_772 {offsets = [4], sizes = [1], strides = [1]} : vector<16xf32> to vector<1xf32>
        %squeeze3A_906 = vector.extract %slice3A_905[0] : f32 from vector<1xf32>
        %broadcast_in_dim3A_907 = vector.broadcast %squeeze3A_906 : f32 to vector<16xf32>
        %get3A_908 = arith.index_cast %add3A_904 : i32 to index
        %get3A_909 = arith.constant 0 : index
        %get3A_910 = tpu.vector_load %arg6[%get3A_908, %get3A_909] {strides = array<i32>} : memref<512x64xf32, #tpu.memory_space<vmem>>, vector<16xf32>,
        %mul3A_911 = arith.mulf %get3A_910, %broadcast_in_dim3A_907 : vector<16xf32>
        %swap3A_912 = arith.index_cast %add3A_904 : i32 to index
        %swap3A_913 = arith.constant 0 : index
        %swap3A_914 = tpu.vector_load %arg6[%swap3A_912, %swap3A_913] {strides = array<i32>} : memref<512x64xf32, #tpu.memory_space<vmem>>, vector<16xf32>,
        tpu.vector_store %arg6[%swap3A_912, %swap3A_913], %mul3A_911 {strides = array<i32>} : memref<512x64xf32, #tpu.memory_space<vmem>>, vector<16xf32>,
        %get3A_915 = arith.index_cast %add3A_904 : i32 to index
        %get3A_916 = arith.constant 16 : index
        %get3A_917 = tpu.vector_load %arg6[%get3A_915, %get3A_916] {strides = array<i32>} : memref<512x64xf32, #tpu.memory_space<vmem>>, vector<16xf32>,
        %mul3A_918 = arith.mulf %get3A_917, %broadcast_in_dim3A_907 : vector<16xf32>
        %swap3A_919 = arith.index_cast %add3A_904 : i32 to index
        %swap3A_920 = arith.constant 16 : index
        %swap3A_921 = tpu.vector_load %arg6[%swap3A_919, %swap3A_920] {strides = array<i32>} : memref<512x64xf32, #tpu.memory_space<vmem>>, vector<16xf32>,
        tpu.vector_store %arg6[%swap3A_919, %swap3A_920], %mul3A_918 {strides = array<i32>} : memref<512x64xf32, #tpu.memory_space<vmem>>, vector<16xf32>,
        %get3A_922 = arith.index_cast %add3A_904 : i32 to index
        %get3A_923 = arith.constant 32 : index
        %get3A_924 = tpu.vector_load %arg6[%get3A_922, %get3A_923] {strides = array<i32>} : memref<512x64xf32, #tpu.memory_space<vmem>>, vector<16xf32>,
        %mul3A_925 = arith.mulf %get3A_924, %broadcast_in_dim3A_907 : vector<16xf32>
        %swap3A_926 = arith.index_cast %add3A_904 : i32 to index
        %swap3A_927 = arith.constant 32 : index
        %swap3A_928 = tpu.vector_load %arg6[%swap3A_926, %swap3A_927] {strides = array<i32>} : memref<512x64xf32, #tpu.memory_space<vmem>>, vector<16xf32>,
        tpu.vector_store %arg6[%swap3A_926, %swap3A_927], %mul3A_925 {strides = array<i32>} : memref<512x64xf32, #tpu.memory_space<vmem>>, vector<16xf32>,
        %get3A_929 = arith.index_cast %add3A_904 : i32 to index
        %get3A_930 = arith.constant 48 : index
        %get3A_931 = tpu.vector_load %arg6[%get3A_929, %get3A_930] {strides = array<i32>} : memref<512x64xf32, #tpu.memory_space<vmem>>, vector<16xf32>,
        %mul3A_932 = arith.mulf %get3A_931, %broadcast_in_dim3A_907 : vector<16xf32>
        %swap3A_933 = arith.index_cast %add3A_904 : i32 to index
        %swap3A_934 = arith.constant 48 : index
        %swap3A_935 = tpu.vector_load %arg6[%swap3A_933, %swap3A_934] {strides = array<i32>} : memref<512x64xf32, #tpu.memory_space<vmem>>, vector<16xf32>,
        tpu.vector_store %arg6[%swap3A_933, %swap3A_934], %mul3A_932 {strides = array<i32>} : memref<512x64xf32, #tpu.memory_space<vmem>>, vector<16xf32>,
        %add3A_936 = arith.constant 5 : i32
        %add3A_937 = arith.addi %mul3A_219, %add3A_936 : i32
        %slice3A_938 = vector.extract_strided_slice %min3A_772 {offsets = [5], sizes = [1], strides = [1]} : vector<16xf32> to vector<1xf32>
        %squeeze3A_939 = vector.extract %slice3A_938[0] : f32 from vector<1xf32>
        %broadcast_in_dim3A_940 = vector.broadcast %squeeze3A_939 : f32 to vector<16xf32>
        %get3A_941 = arith.index_cast %add3A_937 : i32 to index
        %get3A_942 = arith.constant 0 : index
        %get3A_943 = tpu.vector_load %arg6[%get3A_941, %get3A_942] {strides = array<i32>} : memref<512x64xf32, #tpu.memory_space<vmem>>, vector<16xf32>,
        %mul3A_944 = arith.mulf %get3A_943, %broadcast_in_dim3A_940 : vector<16xf32>
        %swap3A_945 = arith.index_cast %add3A_937 : i32 to index
        %swap3A_946 = arith.constant 0 : index
        %swap3A_947 = tpu.vector_load %arg6[%swap3A_945, %swap3A_946] {strides = array<i32>} : memref<512x64xf32, #tpu.memory_space<vmem>>, vector<16xf32>,
        tpu.vector_store %arg6[%swap3A_945, %swap3A_946], %mul3A_944 {strides = array<i32>} : memref<512x64xf32, #tpu.memory_space<vmem>>, vector<16xf32>,
        %get3A_948 = arith.index_cast %add3A_937 : i32 to index
        %get3A_949 = arith.constant 16 : index
        %get3A_950 = tpu.vector_load %arg6[%get3A_948, %get3A_949] {strides = array<i32>} : memref<512x64xf32, #tpu.memory_space<vmem>>, vector<16xf32>,
        %mul3A_951 = arith.mulf %get3A_950, %broadcast_in_dim3A_940 : vector<16xf32>
        %swap3A_952 = arith.index_cast %add3A_937 : i32 to index
        %swap3A_953 = arith.constant 16 : index
        %swap3A_954 = tpu.vector_load %arg6[%swap3A_952, %swap3A_953] {strides = array<i32>} : memref<512x64xf32, #tpu.memory_space<vmem>>, vector<16xf32>,
        tpu.vector_store %arg6[%swap3A_952, %swap3A_953], %mul3A_951 {strides = array<i32>} : memref<512x64xf32, #tpu.memory_space<vmem>>, vector<16xf32>,
        %get3A_955 = arith.index_cast %add3A_937 : i32 to index
        %get3A_956 = arith.constant 32 : index
        %get3A_957 = tpu.vector_load %arg6[%get3A_955, %get3A_956] {strides = array<i32>} : memref<512x64xf32, #tpu.memory_space<vmem>>, vector<16xf32>,
        %mul3A_958 = arith.mulf %get3A_957, %broadcast_in_dim3A_940 : vector<16xf32>
        %swap3A_959 = arith.index_cast %add3A_937 : i32 to index
        %swap3A_960 = arith.constant 32 : index
        %swap3A_961 = tpu.vector_load %arg6[%swap3A_959, %swap3A_960] {strides = array<i32>} : memref<512x64xf32, #tpu.memory_space<vmem>>, vector<16xf32>,
        tpu.vector_store %arg6[%swap3A_959, %swap3A_960], %mul3A_958 {strides = array<i32>} : memref<512x64xf32, #tpu.memory_space<vmem>>, vector<16xf32>,
        %get3A_962 = arith.index_cast %add3A_937 : i32 to index
        %get3A_963 = arith.constant 48 : index
        %get3A_964 = tpu.vector_load %arg6[%get3A_962, %get3A_963] {strides = array<i32>} : memref<512x64xf32, #tpu.memory_space<vmem>>, vector<16xf32>,
        %mul3A_965 = arith.mulf %get3A_964, %broadcast_in_dim3A_940 : vector<16xf32>
        %swap3A_966 = arith.index_cast %add3A_937 : i32 to index
        %swap3A_967 = arith.constant 48 : index
        %swap3A_968 = tpu.vector_load %arg6[%swap3A_966, %swap3A_967] {strides = array<i32>} : memref<512x64xf32, #tpu.memory_space<vmem>>, vector<16xf32>,
        tpu.vector_store %arg6[%swap3A_966, %swap3A_967], %mul3A_965 {strides = array<i32>} : memref<512x64xf32, #tpu.memory_space<vmem>>, vector<16xf32>,
        %add3A_969 = arith.constant 6 : i32
        %add3A_970 = arith.addi %mul3A_219, %add3A_969 : i32
        %slice3A_971 = vector.extract_strided_slice %min3A_772 {offsets = [6], sizes = [1], strides = [1]} : vector<16xf32> to vector<1xf32>
        %squeeze3A_972 = vector.extract %slice3A_971[0] : f32 from vector<1xf32>
        %broadcast_in_dim3A_973 = vector.broadcast %squeeze3A_972 : f32 to vector<16xf32>
        %get3A_974 = arith.index_cast %add3A_970 : i32 to index
        %get3A_975 = arith.constant 0 : index
        %get3A_976 = tpu.vector_load %arg6[%get3A_974, %get3A_975] {strides = array<i32>} : memref<512x64xf32, #tpu.memory_space<vmem>>, vector<16xf32>,
        %mul3A_977 = arith.mulf %get3A_976, %broadcast_in_dim3A_973 : vector<16xf32>
        %swap3A_978 = arith.index_cast %add3A_970 : i32 to index
        %swap3A_979 = arith.constant 0 : index
        %swap3A_980 = tpu.vector_load %arg6[%swap3A_978, %swap3A_979] {strides = array<i32>} : memref<512x64xf32, #tpu.memory_space<vmem>>, vector<16xf32>,
        tpu.vector_store %arg6[%swap3A_978, %swap3A_979], %mul3A_977 {strides = array<i32>} : memref<512x64xf32, #tpu.memory_space<vmem>>, vector<16xf32>,
        %get3A_981 = arith.index_cast %add3A_970 : i32 to index
        %get3A_982 = arith.constant 16 : index
        %get3A_983 = tpu.vector_load %arg6[%get3A_981, %get3A_982] {strides = array<i32>} : memref<512x64xf32, #tpu.memory_space<vmem>>, vector<16xf32>,
        %mul3A_984 = arith.mulf %get3A_983, %broadcast_in_dim3A_973 : vector<16xf32>
        %swap3A_985 = arith.index_cast %add3A_970 : i32 to index
        %swap3A_986 = arith.constant 16 : index
        %swap3A_987 = tpu.vector_load %arg6[%swap3A_985, %swap3A_986] {strides = array<i32>} : memref<512x64xf32, #tpu.memory_space<vmem>>, vector<16xf32>,
        tpu.vector_store %arg6[%swap3A_985, %swap3A_986], %mul3A_984 {strides = array<i32>} : memref<512x64xf32, #tpu.memory_space<vmem>>, vector<16xf32>,
        %get3A_988 = arith.index_cast %add3A_970 : i32 to index
        %get3A_989 = arith.constant 32 : index
        %get3A_990 = tpu.vector_load %arg6[%get3A_988, %get3A_989] {strides = array<i32>} : memref<512x64xf32, #tpu.memory_space<vmem>>, vector<16xf32>,
        %mul3A_991 = arith.mulf %get3A_990, %broadcast_in_dim3A_973 : vector<16xf32>
        %swap3A_992 = arith.index_cast %add3A_970 : i32 to index
        %swap3A_993 = arith.constant 32 : index
        %swap3A_994 = tpu.vector_load %arg6[%swap3A_992, %swap3A_993] {strides = array<i32>} : memref<512x64xf32, #tpu.memory_space<vmem>>, vector<16xf32>,
        tpu.vector_store %arg6[%swap3A_992, %swap3A_993], %mul3A_991 {strides = array<i32>} : memref<512x64xf32, #tpu.memory_space<vmem>>, vector<16xf32>,
        %get3A_995 = arith.index_cast %add3A_970 : i32 to index
        %get3A_996 = arith.constant 48 : index
        %get3A_997 = tpu.vector_load %arg6[%get3A_995, %get3A_996] {strides = array<i32>} : memref<512x64xf32, #tpu.memory_space<vmem>>, vector<16xf32>,
        %mul3A_998 = arith.mulf %get3A_997, %broadcast_in_dim3A_973 : vector<16xf32>
        %swap3A_999 = arith.index_cast %add3A_970 : i32 to index
        %swap3A_1000 = arith.constant 48 : index
        %swap3A_1001 = tpu.vector_load %arg6[%swap3A_999, %swap3A_1000] {strides = array<i32>} : memref<512x64xf32, #tpu.memory_space<vmem>>, vector<16xf32>,
        tpu.vector_store %arg6[%swap3A_999, %swap3A_1000], %mul3A_998 {strides = array<i32>} : memref<512x64xf32, #tpu.memory_space<vmem>>, vector<16xf32>,
        %add3A_1002 = arith.constant 7 : i32
        %add3A_1003 = arith.addi %mul3A_219, %add3A_1002 : i32
        %slice3A_1004 = vector.extract_strided_slice %min3A_772 {offsets = [7], sizes = [1], strides = [1]} : vector<16xf32> to vector<1xf32>
        %squeeze3A_1005 = vector.extract %slice3A_1004[0] : f32 from vector<1xf32>
        %broadcast_in_dim3A_1006 = vector.broadcast %squeeze3A_1005 : f32 to vector<16xf32>
        %get3A_1007 = arith.index_cast %add3A_1003 : i32 to index
        %get3A_1008 = arith.constant 0 : index
        %get3A_1009 = tpu.vector_load %arg6[%get3A_1007, %get3A_1008] {strides = array<i32>} : memref<512x64xf32, #tpu.memory_space<vmem>>, vector<16xf32>,
        %mul3A_1010 = arith.mulf %get3A_1009, %broadcast_in_dim3A_1006 : vector<16xf32>
        %swap3A_1011 = arith.index_cast %add3A_1003 : i32 to index
        %swap3A_1012 = arith.constant 0 : index
        %swap3A_1013 = tpu.vector_load %arg6[%swap3A_1011, %swap3A_1012] {strides = array<i32>} : memref<512x64xf32, #tpu.memory_space<vmem>>, vector<16xf32>,
        tpu.vector_store %arg6[%swap3A_1011, %swap3A_1012], %mul3A_1010 {strides = array<i32>} : memref<512x64xf32, #tpu.memory_space<vmem>>, vector<16xf32>,
        %get3A_1014 = arith.index_cast %add3A_1003 : i32 to index
        %get3A_1015 = arith.constant 16 : index
        %get3A_1016 = tpu.vector_load %arg6[%get3A_1014, %get3A_1015] {strides = array<i32>} : memref<512x64xf32, #tpu.memory_space<vmem>>, vector<16xf32>,
        %mul3A_1017 = arith.mulf %get3A_1016, %broadcast_in_dim3A_1006 : vector<16xf32>
        %swap3A_1018 = arith.index_cast %add3A_1003 : i32 to index
        %swap3A_1019 = arith.constant 16 : index
        %swap3A_1020 = tpu.vector_load %arg6[%swap3A_1018, %swap3A_1019] {strides = array<i32>} : memref<512x64xf32, #tpu.memory_space<vmem>>, vector<16xf32>,
        tpu.vector_store %arg6[%swap3A_1018, %swap3A_1019], %mul3A_1017 {strides = array<i32>} : memref<512x64xf32, #tpu.memory_space<vmem>>, vector<16xf32>,
        %get3A_1021 = arith.index_cast %add3A_1003 : i32 to index
        %get3A_1022 = arith.constant 32 : index
        %get3A_1023 = tpu.vector_load %arg6[%get3A_1021, %get3A_1022] {strides = array<i32>} : memref<512x64xf32, #tpu.memory_space<vmem>>, vector<16xf32>,
        %mul3A_1024 = arith.mulf %get3A_1023, %broadcast_in_dim3A_1006 : vector<16xf32>
        %swap3A_1025 = arith.index_cast %add3A_1003 : i32 to index
        %swap3A_1026 = arith.constant 32 : index
        %swap3A_1027 = tpu.vector_load %arg6[%swap3A_1025, %swap3A_1026] {strides = array<i32>} : memref<512x64xf32, #tpu.memory_space<vmem>>, vector<16xf32>,
        tpu.vector_store %arg6[%swap3A_1025, %swap3A_1026], %mul3A_1024 {strides = array<i32>} : memref<512x64xf32, #tpu.memory_space<vmem>>, vector<16xf32>,
        %get3A_1028 = arith.index_cast %add3A_1003 : i32 to index
        %get3A_1029 = arith.constant 48 : index
        %get3A_1030 = tpu.vector_load %arg6[%get3A_1028, %get3A_1029] {strides = array<i32>} : memref<512x64xf32, #tpu.memory_space<vmem>>, vector<16xf32>,
        %mul3A_1031 = arith.mulf %get3A_1030, %broadcast_in_dim3A_1006 : vector<16xf32>
        %swap3A_1032 = arith.index_cast %add3A_1003 : i32 to index
        %swap3A_1033 = arith.constant 48 : index
        %swap3A_1034 = tpu.vector_load %arg6[%swap3A_1032, %swap3A_1033] {strides = array<i32>} : memref<512x64xf32, #tpu.memory_space<vmem>>, vector<16xf32>,
        tpu.vector_store %arg6[%swap3A_1032, %swap3A_1033], %mul3A_1031 {strides = array<i32>} : memref<512x64xf32, #tpu.memory_space<vmem>>, vector<16xf32>,
        %add3A_1035 = arith.constant 8 : i32
        %add3A_1036 = arith.addi %mul3A_219, %add3A_1035 : i32
        %slice3A_1037 = vector.extract_strided_slice %min3A_772 {offsets = [8], sizes = [1], strides = [1]} : vector<16xf32> to vector<1xf32>
        %squeeze3A_1038 = vector.extract %slice3A_1037[0] : f32 from vector<1xf32>
        %broadcast_in_dim3A_1039 = vector.broadcast %squeeze3A_1038 : f32 to vector<16xf32>
        %get3A_1040 = arith.index_cast %add3A_1036 : i32 to index
        %get3A_1041 = arith.constant 0 : index
        %get3A_1042 = tpu.vector_load %arg6[%get3A_1040, %get3A_1041] {strides = array<i32>} : memref<512x64xf32, #tpu.memory_space<vmem>>, vector<16xf32>,
        %mul3A_1043 = arith.mulf %get3A_1042, %broadcast_in_dim3A_1039 : vector<16xf32>
        %swap3A_1044 = arith.index_cast %add3A_1036 : i32 to index
        %swap3A_1045 = arith.constant 0 : index
        %swap3A_1046 = tpu.vector_load %arg6[%swap3A_1044, %swap3A_1045] {strides = array<i32>} : memref<512x64xf32, #tpu.memory_space<vmem>>, vector<16xf32>,
        tpu.vector_store %arg6[%swap3A_1044, %swap3A_1045], %mul3A_1043 {strides = array<i32>} : memref<512x64xf32, #tpu.memory_space<vmem>>, vector<16xf32>,
        %get3A_1047 = arith.index_cast %add3A_1036 : i32 to index
        %get3A_1048 = arith.constant 16 : index
        %get3A_1049 = tpu.vector_load %arg6[%get3A_1047, %get3A_1048] {strides = array<i32>} : memref<512x64xf32, #tpu.memory_space<vmem>>, vector<16xf32>,
        %mul3A_1050 = arith.mulf %get3A_1049, %broadcast_in_dim3A_1039 : vector<16xf32>
        %swap3A_1051 = arith.index_cast %add3A_1036 : i32 to index
        %swap3A_1052 = arith.constant 16 : index
        %swap3A_1053 = tpu.vector_load %arg6[%swap3A_1051, %swap3A_1052] {strides = array<i32>} : memref<512x64xf32, #tpu.memory_space<vmem>>, vector<16xf32>,
        tpu.vector_store %arg6[%swap3A_1051, %swap3A_1052], %mul3A_1050 {strides = array<i32>} : memref<512x64xf32, #tpu.memory_space<vmem>>, vector<16xf32>,
        %get3A_1054 = arith.index_cast %add3A_1036 : i32 to index
        %get3A_1055 = arith.constant 32 : index
        %get3A_1056 = tpu.vector_load %arg6[%get3A_1054, %get3A_1055] {strides = array<i32>} : memref<512x64xf32, #tpu.memory_space<vmem>>, vector<16xf32>,
        %mul3A_1057 = arith.mulf %get3A_1056, %broadcast_in_dim3A_1039 : vector<16xf32>
        %swap3A_1058 = arith.index_cast %add3A_1036 : i32 to index
        %swap3A_1059 = arith.constant 32 : index
        %swap3A_1060 = tpu.vector_load %arg6[%swap3A_1058, %swap3A_1059] {strides = array<i32>} : memref<512x64xf32, #tpu.memory_space<vmem>>, vector<16xf32>,
        tpu.vector_store %arg6[%swap3A_1058, %swap3A_1059], %mul3A_1057 {strides = array<i32>} : memref<512x64xf32, #tpu.memory_space<vmem>>, vector<16xf32>,
        %get3A_1061 = arith.index_cast %add3A_1036 : i32 to index
        %get3A_1062 = arith.constant 48 : index
        %get3A_1063 = tpu.vector_load %arg6[%get3A_1061, %get3A_1062] {strides = array<i32>} : memref<512x64xf32, #tpu.memory_space<vmem>>, vector<16xf32>,
        %mul3A_1064 = arith.mulf %get3A_1063, %broadcast_in_dim3A_1039 : vector<16xf32>
        %swap3A_1065 = arith.index_cast %add3A_1036 : i32 to index
        %swap3A_1066 = arith.constant 48 : index
        %swap3A_1067 = tpu.vector_load %arg6[%swap3A_1065, %swap3A_1066] {strides = array<i32>} : memref<512x64xf32, #tpu.memory_space<vmem>>, vector<16xf32>,
        tpu.vector_store %arg6[%swap3A_1065, %swap3A_1066], %mul3A_1064 {strides = array<i32>} : memref<512x64xf32, #tpu.memory_space<vmem>>, vector<16xf32>,
        %add3A_1068 = arith.constant 9 : i32
        %add3A_1069 = arith.addi %mul3A_219, %add3A_1068 : i32
        %slice3A_1070 = vector.extract_strided_slice %min3A_772 {offsets = [9], sizes = [1], strides = [1]} : vector<16xf32> to vector<1xf32>
        %squeeze3A_1071 = vector.extract %slice3A_1070[0] : f32 from vector<1xf32>
        %broadcast_in_dim3A_1072 = vector.broadcast %squeeze3A_1071 : f32 to vector<16xf32>
        %get3A_1073 = arith.index_cast %add3A_1069 : i32 to index
        %get3A_1074 = arith.constant 0 : index
        %get3A_1075 = tpu.vector_load %arg6[%get3A_1073, %get3A_1074] {strides = array<i32>} : memref<512x64xf32, #tpu.memory_space<vmem>>, vector<16xf32>,
        %mul3A_1076 = arith.mulf %get3A_1075, %broadcast_in_dim3A_1072 : vector<16xf32>
        %swap3A_1077 = arith.index_cast %add3A_1069 : i32 to index
        %swap3A_1078 = arith.constant 0 : index
        %swap3A_1079 = tpu.vector_load %arg6[%swap3A_1077, %swap3A_1078] {strides = array<i32>} : memref<512x64xf32, #tpu.memory_space<vmem>>, vector<16xf32>,
        tpu.vector_store %arg6[%swap3A_1077, %swap3A_1078], %mul3A_1076 {strides = array<i32>} : memref<512x64xf32, #tpu.memory_space<vmem>>, vector<16xf32>,
        %get3A_1080 = arith.index_cast %add3A_1069 : i32 to index
        %get3A_1081 = arith.constant 16 : index
        %get3A_1082 = tpu.vector_load %arg6[%get3A_1080, %get3A_1081] {strides = array<i32>} : memref<512x64xf32, #tpu.memory_space<vmem>>, vector<16xf32>,
        %mul3A_1083 = arith.mulf %get3A_1082, %broadcast_in_dim3A_1072 : vector<16xf32>
        %swap3A_1084 = arith.index_cast %add3A_1069 : i32 to index
        %swap3A_1085 = arith.constant 16 : index
        %swap3A_1086 = tpu.vector_load %arg6[%swap3A_1084, %swap3A_1085] {strides = array<i32>} : memref<512x64xf32, #tpu.memory_space<vmem>>, vector<16xf32>,
        tpu.vector_store %arg6[%swap3A_1084, %swap3A_1085], %mul3A_1083 {strides = array<i32>} : memref<512x64xf32, #tpu.memory_space<vmem>>, vector<16xf32>,
        %get3A_1087 = arith.index_cast %add3A_1069 : i32 to index
        %get3A_1088 = arith.constant 32 : index
        %get3A_1089 = tpu.vector_load %arg6[%get3A_1087, %get3A_1088] {strides = array<i32>} : memref<512x64xf32, #tpu.memory_space<vmem>>, vector<16xf32>,
        %mul3A_1090 = arith.mulf %get3A_1089, %broadcast_in_dim3A_1072 : vector<16xf32>
        %swap3A_1091 = arith.index_cast %add3A_1069 : i32 to index
        %swap3A_1092 = arith.constant 32 : index
        %swap3A_1093 = tpu.vector_load %arg6[%swap3A_1091, %swap3A_1092] {strides = array<i32>} : memref<512x64xf32, #tpu.memory_space<vmem>>, vector<16xf32>,
        tpu.vector_store %arg6[%swap3A_1091, %swap3A_1092], %mul3A_1090 {strides = array<i32>} : memref<512x64xf32, #tpu.memory_space<vmem>>, vector<16xf32>,
        %get3A_1094 = arith.index_cast %add3A_1069 : i32 to index
        %get3A_1095 = arith.constant 48 : index
        %get3A_1096 = tpu.vector_load %arg6[%get3A_1094, %get3A_1095] {strides = array<i32>} : memref<512x64xf32, #tpu.memory_space<vmem>>, vector<16xf32>,
        %mul3A_1097 = arith.mulf %get3A_1096, %broadcast_in_dim3A_1072 : vector<16xf32>
        %swap3A_1098 = arith.index_cast %add3A_1069 : i32 to index
        %swap3A_1099 = arith.constant 48 : index
        %swap3A_1100 = tpu.vector_load %arg6[%swap3A_1098, %swap3A_1099] {strides = array<i32>} : memref<512x64xf32, #tpu.memory_space<vmem>>, vector<16xf32>,
        tpu.vector_store %arg6[%swap3A_1098, %swap3A_1099], %mul3A_1097 {strides = array<i32>} : memref<512x64xf32, #tpu.memory_space<vmem>>, vector<16xf32>,
        %add3A_1101 = arith.constant 10 : i32
        %add3A_1102 = arith.addi %mul3A_219, %add3A_1101 : i32
        %slice3A_1103 = vector.extract_strided_slice %min3A_772 {offsets = [10], sizes = [1], strides = [1]} : vector<16xf32> to vector<1xf32>
        %squeeze3A_1104 = vector.extract %slice3A_1103[0] : f32 from vector<1xf32>
        %broadcast_in_dim3A_1105 = vector.broadcast %squeeze3A_1104 : f32 to vector<16xf32>
        %get3A_1106 = arith.index_cast %add3A_1102 : i32 to index
        %get3A_1107 = arith.constant 0 : index
        %get3A_1108 = tpu.vector_load %arg6[%get3A_1106, %get3A_1107] {strides = array<i32>} : memref<512x64xf32, #tpu.memory_space<vmem>>, vector<16xf32>,
        %mul3A_1109 = arith.mulf %get3A_1108, %broadcast_in_dim3A_1105 : vector<16xf32>
        %swap3A_1110 = arith.index_cast %add3A_1102 : i32 to index
        %swap3A_1111 = arith.constant 0 : index
        %swap3A_1112 = tpu.vector_load %arg6[%swap3A_1110, %swap3A_1111] {strides = array<i32>} : memref<512x64xf32, #tpu.memory_space<vmem>>, vector<16xf32>,
        tpu.vector_store %arg6[%swap3A_1110, %swap3A_1111], %mul3A_1109 {strides = array<i32>} : memref<512x64xf32, #tpu.memory_space<vmem>>, vector<16xf32>,
        %get3A_1113 = arith.index_cast %add3A_1102 : i32 to index
        %get3A_1114 = arith.constant 16 : index
        %get3A_1115 = tpu.vector_load %arg6[%get3A_1113, %get3A_1114] {strides = array<i32>} : memref<512x64xf32, #tpu.memory_space<vmem>>, vector<16xf32>,
        %mul3A_1116 = arith.mulf %get3A_1115, %broadcast_in_dim3A_1105 : vector<16xf32>
        %swap3A_1117 = arith.index_cast %add3A_1102 : i32 to index
        %swap3A_1118 = arith.constant 16 : index
        %swap3A_1119 = tpu.vector_load %arg6[%swap3A_1117, %swap3A_1118] {strides = array<i32>} : memref<512x64xf32, #tpu.memory_space<vmem>>, vector<16xf32>,
        tpu.vector_store %arg6[%swap3A_1117, %swap3A_1118], %mul3A_1116 {strides = array<i32>} : memref<512x64xf32, #tpu.memory_space<vmem>>, vector<16xf32>,
        %get3A_1120 = arith.index_cast %add3A_1102 : i32 to index
        %get3A_1121 = arith.constant 32 : index
        %get3A_1122 = tpu.vector_load %arg6[%get3A_1120, %get3A_1121] {strides = array<i32>} : memref<512x64xf32, #tpu.memory_space<vmem>>, vector<16xf32>,
        %mul3A_1123 = arith.mulf %get3A_1122, %broadcast_in_dim3A_1105 : vector<16xf32>
        %swap3A_1124 = arith.index_cast %add3A_1102 : i32 to index
        %swap3A_1125 = arith.constant 32 : index
        %swap3A_1126 = tpu.vector_load %arg6[%swap3A_1124, %swap3A_1125] {strides = array<i32>} : memref<512x64xf32, #tpu.memory_space<vmem>>, vector<16xf32>,
        tpu.vector_store %arg6[%swap3A_1124, %swap3A_1125], %mul3A_1123 {strides = array<i32>} : memref<512x64xf32, #tpu.memory_space<vmem>>, vector<16xf32>,
        %get3A_1127 = arith.index_cast %add3A_1102 : i32 to index
        %get3A_1128 = arith.constant 48 : index
        %get3A_1129 = tpu.vector_load %arg6[%get3A_1127, %get3A_1128] {strides = array<i32>} : memref<512x64xf32, #tpu.memory_space<vmem>>, vector<16xf32>,
        %mul3A_1130 = arith.mulf %get3A_1129, %broadcast_in_dim3A_1105 : vector<16xf32>
        %swap3A_1131 = arith.index_cast %add3A_1102 : i32 to index
        %swap3A_1132 = arith.constant 48 : index
        %swap3A_1133 = tpu.vector_load %arg6[%swap3A_1131, %swap3A_1132] {strides = array<i32>} : memref<512x64xf32, #tpu.memory_space<vmem>>, vector<16xf32>,
        tpu.vector_store %arg6[%swap3A_1131, %swap3A_1132], %mul3A_1130 {strides = array<i32>} : memref<512x64xf32, #tpu.memory_space<vmem>>, vector<16xf32>,
        %add3A_1134 = arith.constant 11 : i32
        %add3A_1135 = arith.addi %mul3A_219, %add3A_1134 : i32
        %slice3A_1136 = vector.extract_strided_slice %min3A_772 {offsets = [11], sizes = [1], strides = [1]} : vector<16xf32> to vector<1xf32>
        %squeeze3A_1137 = vector.extract %slice3A_1136[0] : f32 from vector<1xf32>
        %broadcast_in_dim3A_1138 = vector.broadcast %squeeze3A_1137 : f32 to vector<16xf32>
        %get3A_1139 = arith.index_cast %add3A_1135 : i32 to index
        %get3A_1140 = arith.constant 0 : index
        %get3A_1141 = tpu.vector_load %arg6[%get3A_1139, %get3A_1140] {strides = array<i32>} : memref<512x64xf32, #tpu.memory_space<vmem>>, vector<16xf32>,
        %mul3A_1142 = arith.mulf %get3A_1141, %broadcast_in_dim3A_1138 : vector<16xf32>
        %swap3A_1143 = arith.index_cast %add3A_1135 : i32 to index
        %swap3A_1144 = arith.constant 0 : index
        %swap3A_1145 = tpu.vector_load %arg6[%swap3A_1143, %swap3A_1144] {strides = array<i32>} : memref<512x64xf32, #tpu.memory_space<vmem>>, vector<16xf32>,
        tpu.vector_store %arg6[%swap3A_1143, %swap3A_1144], %mul3A_1142 {strides = array<i32>} : memref<512x64xf32, #tpu.memory_space<vmem>>, vector<16xf32>,
        %get3A_1146 = arith.index_cast %add3A_1135 : i32 to index
        %get3A_1147 = arith.constant 16 : index
        %get3A_1148 = tpu.vector_load %arg6[%get3A_1146, %get3A_1147] {strides = array<i32>} : memref<512x64xf32, #tpu.memory_space<vmem>>, vector<16xf32>,
        %mul3A_1149 = arith.mulf %get3A_1148, %broadcast_in_dim3A_1138 : vector<16xf32>
        %swap3A_1150 = arith.index_cast %add3A_1135 : i32 to index
        %swap3A_1151 = arith.constant 16 : index
        %swap3A_1152 = tpu.vector_load %arg6[%swap3A_1150, %swap3A_1151] {strides = array<i32>} : memref<512x64xf32, #tpu.memory_space<vmem>>, vector<16xf32>,
        tpu.vector_store %arg6[%swap3A_1150, %swap3A_1151], %mul3A_1149 {strides = array<i32>} : memref<512x64xf32, #tpu.memory_space<vmem>>, vector<16xf32>,
        %get3A_1153 = arith.index_cast %add3A_1135 : i32 to index
        %get3A_1154 = arith.constant 32 : index
        %get3A_1155 = tpu.vector_load %arg6[%get3A_1153, %get3A_1154] {strides = array<i32>} : memref<512x64xf32, #tpu.memory_space<vmem>>, vector<16xf32>,
        %mul3A_1156 = arith.mulf %get3A_1155, %broadcast_in_dim3A_1138 : vector<16xf32>
        %swap3A_1157 = arith.index_cast %add3A_1135 : i32 to index
        %swap3A_1158 = arith.constant 32 : index
        %swap3A_1159 = tpu.vector_load %arg6[%swap3A_1157, %swap3A_1158] {strides = array<i32>} : memref<512x64xf32, #tpu.memory_space<vmem>>, vector<16xf32>,
        tpu.vector_store %arg6[%swap3A_1157, %swap3A_1158], %mul3A_1156 {strides = array<i32>} : memref<512x64xf32, #tpu.memory_space<vmem>>, vector<16xf32>,
        %get3A_1160 = arith.index_cast %add3A_1135 : i32 to index
        %get3A_1161 = arith.constant 48 : index
        %get3A_1162 = tpu.vector_load %arg6[%get3A_1160, %get3A_1161] {strides = array<i32>} : memref<512x64xf32, #tpu.memory_space<vmem>>, vector<16xf32>,
        %mul3A_1163 = arith.mulf %get3A_1162, %broadcast_in_dim3A_1138 : vector<16xf32>
        %swap3A_1164 = arith.index_cast %add3A_1135 : i32 to index
        %swap3A_1165 = arith.constant 48 : index
        %swap3A_1166 = tpu.vector_load %arg6[%swap3A_1164, %swap3A_1165] {strides = array<i32>} : memref<512x64xf32, #tpu.memory_space<vmem>>, vector<16xf32>,
        tpu.vector_store %arg6[%swap3A_1164, %swap3A_1165], %mul3A_1163 {strides = array<i32>} : memref<512x64xf32, #tpu.memory_space<vmem>>, vector<16xf32>,
        %add3A_1167 = arith.constant 12 : i32
        %add3A_1168 = arith.addi %mul3A_219, %add3A_1167 : i32
        %slice3A_1169 = vector.extract_strided_slice %min3A_772 {offsets = [12], sizes = [1], strides = [1]} : vector<16xf32> to vector<1xf32>
        %squeeze3A_1170 = vector.extract %slice3A_1169[0] : f32 from vector<1xf32>
        %broadcast_in_dim3A_1171 = vector.broadcast %squeeze3A_1170 : f32 to vector<16xf32>
        %get3A_1172 = arith.index_cast %add3A_1168 : i32 to index
        %get3A_1173 = arith.constant 0 : index
        %get3A_1174 = tpu.vector_load %arg6[%get3A_1172, %get3A_1173] {strides = array<i32>} : memref<512x64xf32, #tpu.memory_space<vmem>>, vector<16xf32>,
        %mul3A_1175 = arith.mulf %get3A_1174, %broadcast_in_dim3A_1171 : vector<16xf32>
        %swap3A_1176 = arith.index_cast %add3A_1168 : i32 to index
        %swap3A_1177 = arith.constant 0 : index
        %swap3A_1178 = tpu.vector_load %arg6[%swap3A_1176, %swap3A_1177] {strides = array<i32>} : memref<512x64xf32, #tpu.memory_space<vmem>>, vector<16xf32>,
        tpu.vector_store %arg6[%swap3A_1176, %swap3A_1177], %mul3A_1175 {strides = array<i32>} : memref<512x64xf32, #tpu.memory_space<vmem>>, vector<16xf32>,
        %get3A_1179 = arith.index_cast %add3A_1168 : i32 to index
        %get3A_1180 = arith.constant 16 : index
        %get3A_1181 = tpu.vector_load %arg6[%get3A_1179, %get3A_1180] {strides = array<i32>} : memref<512x64xf32, #tpu.memory_space<vmem>>, vector<16xf32>,
        %mul3A_1182 = arith.mulf %get3A_1181, %broadcast_in_dim3A_1171 : vector<16xf32>
        %swap3A_1183 = arith.index_cast %add3A_1168 : i32 to index
        %swap3A_1184 = arith.constant 16 : index
        %swap3A_1185 = tpu.vector_load %arg6[%swap3A_1183, %swap3A_1184] {strides = array<i32>} : memref<512x64xf32, #tpu.memory_space<vmem>>, vector<16xf32>,
        tpu.vector_store %arg6[%swap3A_1183, %swap3A_1184], %mul3A_1182 {strides = array<i32>} : memref<512x64xf32, #tpu.memory_space<vmem>>, vector<16xf32>,
        %get3A_1186 = arith.index_cast %add3A_1168 : i32 to index
        %get3A_1187 = arith.constant 32 : index
        %get3A_1188 = tpu.vector_load %arg6[%get3A_1186, %get3A_1187] {strides = array<i32>} : memref<512x64xf32, #tpu.memory_space<vmem>>, vector<16xf32>,
        %mul3A_1189 = arith.mulf %get3A_1188, %broadcast_in_dim3A_1171 : vector<16xf32>
        %swap3A_1190 = arith.index_cast %add3A_1168 : i32 to index
        %swap3A_1191 = arith.constant 32 : index
        %swap3A_1192 = tpu.vector_load %arg6[%swap3A_1190, %swap3A_1191] {strides = array<i32>} : memref<512x64xf32, #tpu.memory_space<vmem>>, vector<16xf32>,
        tpu.vector_store %arg6[%swap3A_1190, %swap3A_1191], %mul3A_1189 {strides = array<i32>} : memref<512x64xf32, #tpu.memory_space<vmem>>, vector<16xf32>,
        %get3A_1193 = arith.index_cast %add3A_1168 : i32 to index
        %get3A_1194 = arith.constant 48 : index
        %get3A_1195 = tpu.vector_load %arg6[%get3A_1193, %get3A_1194] {strides = array<i32>} : memref<512x64xf32, #tpu.memory_space<vmem>>, vector<16xf32>,
        %mul3A_1196 = arith.mulf %get3A_1195, %broadcast_in_dim3A_1171 : vector<16xf32>
        %swap3A_1197 = arith.index_cast %add3A_1168 : i32 to index
        %swap3A_1198 = arith.constant 48 : index
        %swap3A_1199 = tpu.vector_load %arg6[%swap3A_1197, %swap3A_1198] {strides = array<i32>} : memref<512x64xf32, #tpu.memory_space<vmem>>, vector<16xf32>,
        tpu.vector_store %arg6[%swap3A_1197, %swap3A_1198], %mul3A_1196 {strides = array<i32>} : memref<512x64xf32, #tpu.memory_space<vmem>>, vector<16xf32>,
        %add3A_1200 = arith.constant 13 : i32
        %add3A_1201 = arith.addi %mul3A_219, %add3A_1200 : i32
        %slice3A_1202 = vector.extract_strided_slice %min3A_772 {offsets = [13], sizes = [1], strides = [1]} : vector<16xf32> to vector<1xf32>
        %squeeze3A_1203 = vector.extract %slice3A_1202[0] : f32 from vector<1xf32>
        %broadcast_in_dim3A_1204 = vector.broadcast %squeeze3A_1203 : f32 to vector<16xf32>
        %get3A_1205 = arith.index_cast %add3A_1201 : i32 to index
        %get3A_1206 = arith.constant 0 : index
        %get3A_1207 = tpu.vector_load %arg6[%get3A_1205, %get3A_1206] {strides = array<i32>} : memref<512x64xf32, #tpu.memory_space<vmem>>, vector<16xf32>,
        %mul3A_1208 = arith.mulf %get3A_1207, %broadcast_in_dim3A_1204 : vector<16xf32>
        %swap3A_1209 = arith.index_cast %add3A_1201 : i32 to index
        %swap3A_1210 = arith.constant 0 : index
        %swap3A_1211 = tpu.vector_load %arg6[%swap3A_1209, %swap3A_1210] {strides = array<i32>} : memref<512x64xf32, #tpu.memory_space<vmem>>, vector<16xf32>,
        tpu.vector_store %arg6[%swap3A_1209, %swap3A_1210], %mul3A_1208 {strides = array<i32>} : memref<512x64xf32, #tpu.memory_space<vmem>>, vector<16xf32>,
        %get3A_1212 = arith.index_cast %add3A_1201 : i32 to index
        %get3A_1213 = arith.constant 16 : index
        %get3A_1214 = tpu.vector_load %arg6[%get3A_1212, %get3A_1213] {strides = array<i32>} : memref<512x64xf32, #tpu.memory_space<vmem>>, vector<16xf32>,
        %mul3A_1215 = arith.mulf %get3A_1214, %broadcast_in_dim3A_1204 : vector<16xf32>
        %swap3A_1216 = arith.index_cast %add3A_1201 : i32 to index
        %swap3A_1217 = arith.constant 16 : index
        %swap3A_1218 = tpu.vector_load %arg6[%swap3A_1216, %swap3A_1217] {strides = array<i32>} : memref<512x64xf32, #tpu.memory_space<vmem>>, vector<16xf32>,
        tpu.vector_store %arg6[%swap3A_1216, %swap3A_1217], %mul3A_1215 {strides = array<i32>} : memref<512x64xf32, #tpu.memory_space<vmem>>, vector<16xf32>,
        %get3A_1219 = arith.index_cast %add3A_1201 : i32 to index
        %get3A_1220 = arith.constant 32 : index
        %get3A_1221 = tpu.vector_load %arg6[%get3A_1219, %get3A_1220] {strides = array<i32>} : memref<512x64xf32, #tpu.memory_space<vmem>>, vector<16xf32>,
        %mul3A_1222 = arith.mulf %get3A_1221, %broadcast_in_dim3A_1204 : vector<16xf32>
        %swap3A_1223 = arith.index_cast %add3A_1201 : i32 to index
        %swap3A_1224 = arith.constant 32 : index
        %swap3A_1225 = tpu.vector_load %arg6[%swap3A_1223, %swap3A_1224] {strides = array<i32>} : memref<512x64xf32, #tpu.memory_space<vmem>>, vector<16xf32>,
        tpu.vector_store %arg6[%swap3A_1223, %swap3A_1224], %mul3A_1222 {strides = array<i32>} : memref<512x64xf32, #tpu.memory_space<vmem>>, vector<16xf32>,
        %get3A_1226 = arith.index_cast %add3A_1201 : i32 to index
        %get3A_1227 = arith.constant 48 : index
        %get3A_1228 = tpu.vector_load %arg6[%get3A_1226, %get3A_1227] {strides = array<i32>} : memref<512x64xf32, #tpu.memory_space<vmem>>, vector<16xf32>,
        %mul3A_1229 = arith.mulf %get3A_1228, %broadcast_in_dim3A_1204 : vector<16xf32>
        %swap3A_1230 = arith.index_cast %add3A_1201 : i32 to index
        %swap3A_1231 = arith.constant 48 : index
        %swap3A_1232 = tpu.vector_load %arg6[%swap3A_1230, %swap3A_1231] {strides = array<i32>} : memref<512x64xf32, #tpu.memory_space<vmem>>, vector<16xf32>,
        tpu.vector_store %arg6[%swap3A_1230, %swap3A_1231], %mul3A_1229 {strides = array<i32>} : memref<512x64xf32, #tpu.memory_space<vmem>>, vector<16xf32>,
        %add3A_1233 = arith.constant 14 : i32
        %add3A_1234 = arith.addi %mul3A_219, %add3A_1233 : i32
        %slice3A_1235 = vector.extract_strided_slice %min3A_772 {offsets = [14], sizes = [1], strides = [1]} : vector<16xf32> to vector<1xf32>
        %squeeze3A_1236 = vector.extract %slice3A_1235[0] : f32 from vector<1xf32>
        %broadcast_in_dim3A_1237 = vector.broadcast %squeeze3A_1236 : f32 to vector<16xf32>
        %get3A_1238 = arith.index_cast %add3A_1234 : i32 to index
        %get3A_1239 = arith.constant 0 : index
        %get3A_1240 = tpu.vector_load %arg6[%get3A_1238, %get3A_1239] {strides = array<i32>} : memref<512x64xf32, #tpu.memory_space<vmem>>, vector<16xf32>,
        %mul3A_1241 = arith.mulf %get3A_1240, %broadcast_in_dim3A_1237 : vector<16xf32>
        %swap3A_1242 = arith.index_cast %add3A_1234 : i32 to index
        %swap3A_1243 = arith.constant 0 : index
        %swap3A_1244 = tpu.vector_load %arg6[%swap3A_1242, %swap3A_1243] {strides = array<i32>} : memref<512x64xf32, #tpu.memory_space<vmem>>, vector<16xf32>,
        tpu.vector_store %arg6[%swap3A_1242, %swap3A_1243], %mul3A_1241 {strides = array<i32>} : memref<512x64xf32, #tpu.memory_space<vmem>>, vector<16xf32>,
        %get3A_1245 = arith.index_cast %add3A_1234 : i32 to index
        %get3A_1246 = arith.constant 16 : index
        %get3A_1247 = tpu.vector_load %arg6[%get3A_1245, %get3A_1246] {strides = array<i32>} : memref<512x64xf32, #tpu.memory_space<vmem>>, vector<16xf32>,
        %mul3A_1248 = arith.mulf %get3A_1247, %broadcast_in_dim3A_1237 : vector<16xf32>
        %swap3A_1249 = arith.index_cast %add3A_1234 : i32 to index
        %swap3A_1250 = arith.constant 16 : index
        %swap3A_1251 = tpu.vector_load %arg6[%swap3A_1249, %swap3A_1250] {strides = array<i32>} : memref<512x64xf32, #tpu.memory_space<vmem>>, vector<16xf32>,
        tpu.vector_store %arg6[%swap3A_1249, %swap3A_1250], %mul3A_1248 {strides = array<i32>} : memref<512x64xf32, #tpu.memory_space<vmem>>, vector<16xf32>,
        %get3A_1252 = arith.index_cast %add3A_1234 : i32 to index
        %get3A_1253 = arith.constant 32 : index
        %get3A_1254 = tpu.vector_load %arg6[%get3A_1252, %get3A_1253] {strides = array<i32>} : memref<512x64xf32, #tpu.memory_space<vmem>>, vector<16xf32>,
        %mul3A_1255 = arith.mulf %get3A_1254, %broadcast_in_dim3A_1237 : vector<16xf32>
        %swap3A_1256 = arith.index_cast %add3A_1234 : i32 to index
        %swap3A_1257 = arith.constant 32 : index
        %swap3A_1258 = tpu.vector_load %arg6[%swap3A_1256, %swap3A_1257] {strides = array<i32>} : memref<512x64xf32, #tpu.memory_space<vmem>>, vector<16xf32>,
        tpu.vector_store %arg6[%swap3A_1256, %swap3A_1257], %mul3A_1255 {strides = array<i32>} : memref<512x64xf32, #tpu.memory_space<vmem>>, vector<16xf32>,
        %get3A_1259 = arith.index_cast %add3A_1234 : i32 to index
        %get3A_1260 = arith.constant 48 : index
        %get3A_1261 = tpu.vector_load %arg6[%get3A_1259, %get3A_1260] {strides = array<i32>} : memref<512x64xf32, #tpu.memory_space<vmem>>, vector<16xf32>,
        %mul3A_1262 = arith.mulf %get3A_1261, %broadcast_in_dim3A_1237 : vector<16xf32>
        %swap3A_1263 = arith.index_cast %add3A_1234 : i32 to index
        %swap3A_1264 = arith.constant 48 : index
        %swap3A_1265 = tpu.vector_load %arg6[%swap3A_1263, %swap3A_1264] {strides = array<i32>} : memref<512x64xf32, #tpu.memory_space<vmem>>, vector<16xf32>,
        tpu.vector_store %arg6[%swap3A_1263, %swap3A_1264], %mul3A_1262 {strides = array<i32>} : memref<512x64xf32, #tpu.memory_space<vmem>>, vector<16xf32>,
        %add3A_1266 = arith.constant 15 : i32
        %add3A_1267 = arith.addi %mul3A_219, %add3A_1266 : i32
        %slice3A_1268 = vector.extract_strided_slice %min3A_772 {offsets = [15], sizes = [1], strides = [1]} : vector<16xf32> to vector<1xf32>
        %squeeze3A_1269 = vector.extract %slice3A_1268[0] : f32 from vector<1xf32>
        %broadcast_in_dim3A_1270 = vector.broadcast %squeeze3A_1269 : f32 to vector<16xf32>
        %get3A_1271 = arith.index_cast %add3A_1267 : i32 to index
        %get3A_1272 = arith.constant 0 : index
        %get3A_1273 = tpu.vector_load %arg6[%get3A_1271, %get3A_1272] {strides = array<i32>} : memref<512x64xf32, #tpu.memory_space<vmem>>, vector<16xf32>,
        %mul3A_1274 = arith.mulf %get3A_1273, %broadcast_in_dim3A_1270 : vector<16xf32>
        %swap3A_1275 = arith.index_cast %add3A_1267 : i32 to index
        %swap3A_1276 = arith.constant 0 : index
        %swap3A_1277 = tpu.vector_load %arg6[%swap3A_1275, %swap3A_1276] {strides = array<i32>} : memref<512x64xf32, #tpu.memory_space<vmem>>, vector<16xf32>,
        tpu.vector_store %arg6[%swap3A_1275, %swap3A_1276], %mul3A_1274 {strides = array<i32>} : memref<512x64xf32, #tpu.memory_space<vmem>>, vector<16xf32>,
        %get3A_1278 = arith.index_cast %add3A_1267 : i32 to index
        %get3A_1279 = arith.constant 16 : index
        %get3A_1280 = tpu.vector_load %arg6[%get3A_1278, %get3A_1279] {strides = array<i32>} : memref<512x64xf32, #tpu.memory_space<vmem>>, vector<16xf32>,
        %mul3A_1281 = arith.mulf %get3A_1280, %broadcast_in_dim3A_1270 : vector<16xf32>
        %swap3A_1282 = arith.index_cast %add3A_1267 : i32 to index
        %swap3A_1283 = arith.constant 16 : index
        %swap3A_1284 = tpu.vector_load %arg6[%swap3A_1282, %swap3A_1283] {strides = array<i32>} : memref<512x64xf32, #tpu.memory_space<vmem>>, vector<16xf32>,
        tpu.vector_store %arg6[%swap3A_1282, %swap3A_1283], %mul3A_1281 {strides = array<i32>} : memref<512x64xf32, #tpu.memory_space<vmem>>, vector<16xf32>,
        %get3A_1285 = arith.index_cast %add3A_1267 : i32 to index
        %get3A_1286 = arith.constant 32 : index
        %get3A_1287 = tpu.vector_load %arg6[%get3A_1285, %get3A_1286] {strides = array<i32>} : memref<512x64xf32, #tpu.memory_space<vmem>>, vector<16xf32>,
        %mul3A_1288 = arith.mulf %get3A_1287, %broadcast_in_dim3A_1270 : vector<16xf32>
        %swap3A_1289 = arith.index_cast %add3A_1267 : i32 to index
        %swap3A_1290 = arith.constant 32 : index
        %swap3A_1291 = tpu.vector_load %arg6[%swap3A_1289, %swap3A_1290] {strides = array<i32>} : memref<512x64xf32, #tpu.memory_space<vmem>>, vector<16xf32>,
        tpu.vector_store %arg6[%swap3A_1289, %swap3A_1290], %mul3A_1288 {strides = array<i32>} : memref<512x64xf32, #tpu.memory_space<vmem>>, vector<16xf32>,
        %get3A_1292 = arith.index_cast %add3A_1267 : i32 to index
        %get3A_1293 = arith.constant 48 : index
        %get3A_1294 = tpu.vector_load %arg6[%get3A_1292, %get3A_1293] {strides = array<i32>} : memref<512x64xf32, #tpu.memory_space<vmem>>, vector<16xf32>,
        %mul3A_1295 = arith.mulf %get3A_1294, %broadcast_in_dim3A_1270 : vector<16xf32>
        %swap3A_1296 = arith.index_cast %add3A_1267 : i32 to index
        %swap3A_1297 = arith.constant 48 : index
        %swap3A_1298 = tpu.vector_load %arg6[%swap3A_1296, %swap3A_1297] {strides = array<i32>} : memref<512x64xf32, #tpu.memory_space<vmem>>, vector<16xf32>,
        tpu.vector_store %arg6[%swap3A_1296, %swap3A_1297], %mul3A_1295 {strides = array<i32>} : memref<512x64xf32, #tpu.memory_space<vmem>>, vector<16xf32>,
        %scan3A_1299 = arith.constant 0 : i32
        scf.yield %scan3A_1299 : i32
      }
      %scan3A_129 = arith.constant 32 : i32
      %mul3A_130 = arith.constant 512 : i32
      %mul3A_131 = arith.muli %add3A_66, %mul3A_130 : i32
      %add3A_132 = arith.addi %mul3A_2, %mul3A_131 : i32
      %dma_start3A_133 = arith.constant 0 : i32
      %dma_start3A_134 = tpu.memref_slice %arg4[%add3A_132, %dma_start3A_133] : memref<819200x64xf32, #tpu.memory_space<hbm>> -> memref<512x64xf32, #tpu.memory_space<hbm>>
      %dma_start3A_135 = arith.constant 0 : i32
      %dma_start3A_136 = tpu.memref_slice %arg4[%add3A_132, %dma_start3A_135] : memref<819200x64xf32, #tpu.memory_space<hbm>> -> memref<512x64xf32, #tpu.memory_space<hbm>>
      tpu.enqueue_dma source(%arg6 : memref<512x64xf32, #tpu.memory_space<vmem>>) target(%dma_start3A_136 : memref<512x64xf32, #tpu.memory_space<hbm>>) target_semaphore(%arg11 : memref<!tpu.dma_semaphore, #tpu.memory_space<semaphore_mem>>)
      %mul3A_137 = arith.constant 2 : i32
      %mul3A_138 = arith.muli %mul3A_137, %scan3A_61 : i32
      %add3A_139 = arith.constant 1 : i32
      %add3A_140 = arith.addi %mul3A_138, %add3A_139 : i32
      %add3A_141 = arith.constant 1 : i32
      %add3A_142 = arith.addi %add3A_140, %add3A_141 : i32
      %lt3A_143 = arith.constant 50 : i32
      %lt3A_144 = arith.cmpi slt, %add3A_142, %lt3A_143 : i32
      %convert_element_type3A_145 = arith.extui %lt3A_144 : i1 to i32
      %cond3A_146 = arith.constant 0 : i32
      %cond3A_147 = arith.cmpi ne, %convert_element_type3A_145, %cond3A_146 : i32
      scf.if %cond3A_147 {
        %ge3A = arith.constant 1 : i32
        %ge3A_216 = arith.cmpi sge, %add3A_140, %ge3A : i32
        %convert_element_type3A_217 = arith.extui %ge3A_216 : i1 to i32
        %cond3A_218 = arith.constant 0 : i32
        %cond3A_219 = arith.cmpi ne, %convert_element_type3A_217, %cond3A_218 : i32
        scf.if %cond3A_219 {
          %dma_wait3A_274 = arith.constant 0 : i32
          %dma_wait3A_275 = arith.constant 0 : i32
          %dma_wait3A_276 = tpu.memref_slice %arg4[%dma_wait3A_274, %dma_wait3A_275] : memref<819200x64xf32, #tpu.memory_space<hbm>> -> memref<512x64xf32, #tpu.memory_space<hbm>>
          %dma_wait3A_277 = arith.constant 0 : i32
          %dma_wait3A_278 = arith.constant 0 : i32
          %dma_wait3A_279 = tpu.memref_slice %arg4[%dma_wait3A_277, %dma_wait3A_278] : memref<819200x64xf32, #tpu.memory_space<hbm>> -> memref<512x64xf32, #tpu.memory_space<hbm>>
          tpu.wait_dma2 semaphore(%arg11 : memref<!tpu.dma_semaphore, #tpu.memory_space<semaphore_mem>>) src(%arg6 : memref<512x64xf32, #tpu.memory_space<vmem>>) dst(%dma_wait3A_279 : memref<512x64xf32, #tpu.memory_space<hbm>>)
        } else {
        }
        %add3A_220 = arith.constant 1 : i32
        %add3A_221 = arith.addi %add3A_140, %add3A_220 : i32
        %mul3A_222 = arith.constant 4 : i32
        %mul3A_223 = arith.muli %add3A_221, %mul3A_222 : i32
        %add3A_224 = arith.constant 0 : i32
        %add3A_225 = arith.addi %mul3A_223, %add3A_224 : i32
        %dma_start3A_226 = arith.constant 0 : i32
        %dma_start3A_227 = arith.constant 0 : i32
        %dma_start3A_228 = tpu.memref_slice %arg6[%dma_start3A_226, %dma_start3A_227] : memref<512x64xf32, #tpu.memory_space<vmem>> -> memref<128x64xf32, #tpu.memory_space<vmem>>
        %dma_start3A_229 = arith.constant 0 : i32
        %dma_start3A_230 = tpu.memref_slice %arg5[%add3A_225, %dma_start3A_229] : memref<200x128xi32, #tpu.memory_space<vmem>> -> memref<1x128xi32, #tpu.memory_space<vmem>>
        %dma_start3A_231 = tpu.memref_squeeze %dma_start3A_230 : memref<1x128xi32, #tpu.memory_space<vmem>> -> memref<128xi32, #tpu.memory_space<vmem>>
        %dma_start3A_232 = arith.constant 0 : i32
        %dma_start3A_233 = arith.constant 0 : i32
        %dma_start3A_234 = tpu.memref_slice %arg2[%dma_start3A_232, %dma_start3A_233] : memref<1000000x64xf32, #tpu.memory_space<hbm>> -> memref<1000000x64xf32, #tpu.memory_space<hbm>>
        tpu.enqueue_indirect_dma source(%dma_start3A_234 : memref<1000000x64xf32, #tpu.memory_space<hbm>>) target(%dma_start3A_228 : memref<128x64xf32, #tpu.memory_space<vmem>>) offsets(%dma_start3A_231 : memref<128xi32, #tpu.memory_space<vmem>>) semaphore(%arg9 : memref<!tpu.dma_semaphore, #tpu.memory_space<semaphore_mem>>)
        %mul3A_235 = arith.constant 4 : i32
        %mul3A_236 = arith.muli %add3A_221, %mul3A_235 : i32
        %add3A_237 = arith.constant 1 : i32
        %add3A_238 = arith.addi %mul3A_236, %add3A_237 : i32
        %dma_start3A_239 = arith.constant 128 : i32
        %dma_start3A_240 = arith.constant 0 : i32
        %dma_start3A_241 = tpu.memref_slice %arg6[%dma_start3A_239, %dma_start3A_240] : memref<512x64xf32, #tpu.memory_space<vmem>> -> memref<128x64xf32, #tpu.memory_space<vmem>>
        %dma_start3A_242 = arith.constant 0 : i32
        %dma_start3A_243 = tpu.memref_slice %arg5[%add3A_238, %dma_start3A_242] : memref<200x128xi32, #tpu.memory_space<vmem>> -> memref<1x128xi32, #tpu.memory_space<vmem>>
        %dma_start3A_244 = tpu.memref_squeeze %dma_start3A_243 : memref<1x128xi32, #tpu.memory_space<vmem>> -> memref<128xi32, #tpu.memory_space<vmem>>
        %dma_start3A_245 = arith.constant 0 : i32
        %dma_start3A_246 = arith.constant 0 : i32
        %dma_start3A_247 = tpu.memref_slice %arg2[%dma_start3A_245, %dma_start3A_246] : memref<1000000x64xf32, #tpu.memory_space<hbm>> -> memref<1000000x64xf32, #tpu.memory_space<hbm>>
        tpu.enqueue_indirect_dma source(%dma_start3A_247 : memref<1000000x64xf32, #tpu.memory_space<hbm>>) target(%dma_start3A_241 : memref<128x64xf32, #tpu.memory_space<vmem>>) offsets(%dma_start3A_244 : memref<128xi32, #tpu.memory_space<vmem>>) semaphore(%arg9 : memref<!tpu.dma_semaphore, #tpu.memory_space<semaphore_mem>>)
        %mul3A_248 = arith.constant 4 : i32
        %mul3A_249 = arith.muli %add3A_221, %mul3A_248 : i32
        %add3A_250 = arith.constant 2 : i32
        %add3A_251 = arith.addi %mul3A_249, %add3A_250 : i32
        %dma_start3A_252 = arith.constant 256 : i32
        %dma_start3A_253 = arith.constant 0 : i32
        %dma_start3A_254 = tpu.memref_slice %arg6[%dma_start3A_252, %dma_start3A_253] : memref<512x64xf32, #tpu.memory_space<vmem>> -> memref<128x64xf32, #tpu.memory_space<vmem>>
        %dma_start3A_255 = arith.constant 0 : i32
        %dma_start3A_256 = tpu.memref_slice %arg5[%add3A_251, %dma_start3A_255] : memref<200x128xi32, #tpu.memory_space<vmem>> -> memref<1x128xi32, #tpu.memory_space<vmem>>
        %dma_start3A_257 = tpu.memref_squeeze %dma_start3A_256 : memref<1x128xi32, #tpu.memory_space<vmem>> -> memref<128xi32, #tpu.memory_space<vmem>>
        %dma_start3A_258 = arith.constant 0 : i32
        %dma_start3A_259 = arith.constant 0 : i32
        %dma_start3A_260 = tpu.memref_slice %arg2[%dma_start3A_258, %dma_start3A_259] : memref<1000000x64xf32, #tpu.memory_space<hbm>> -> memref<1000000x64xf32, #tpu.memory_space<hbm>>
        tpu.enqueue_indirect_dma source(%dma_start3A_260 : memref<1000000x64xf32, #tpu.memory_space<hbm>>) target(%dma_start3A_254 : memref<128x64xf32, #tpu.memory_space<vmem>>) offsets(%dma_start3A_257 : memref<128xi32, #tpu.memory_space<vmem>>) semaphore(%arg9 : memref<!tpu.dma_semaphore, #tpu.memory_space<semaphore_mem>>)
        %mul3A_261 = arith.constant 4 : i32
        %mul3A_262 = arith.muli %add3A_221, %mul3A_261 : i32
        %add3A_263 = arith.constant 3 : i32
        %add3A_264 = arith.addi %mul3A_262, %add3A_263 : i32
        %dma_start3A_265 = arith.constant 384 : i32
        %dma_start3A_266 = arith.constant 0 : i32
        %dma_start3A_267 = tpu.memref_slice %arg6[%dma_start3A_265, %dma_start3A_266] : memref<512x64xf32, #tpu.memory_space<vmem>> -> memref<128x64xf32, #tpu.memory_space<vmem>>
        %dma_start3A_268 = arith.constant 0 : i32
        %dma_start3A_269 = tpu.memref_slice %arg5[%add3A_264, %dma_start3A_268] : memref<200x128xi32, #tpu.memory_space<vmem>> -> memref<1x128xi32, #tpu.memory_space<vmem>>
        %dma_start3A_270 = tpu.memref_squeeze %dma_start3A_269 : memref<1x128xi32, #tpu.memory_space<vmem>> -> memref<128xi32, #tpu.memory_space<vmem>>
        %dma_start3A_271 = arith.constant 0 : i32
        %dma_start3A_272 = arith.constant 0 : i32
        %dma_start3A_273 = tpu.memref_slice %arg2[%dma_start3A_271, %dma_start3A_272] : memref<1000000x64xf32, #tpu.memory_space<hbm>> -> memref<1000000x64xf32, #tpu.memory_space<hbm>>
        tpu.enqueue_indirect_dma source(%dma_start3A_273 : memref<1000000x64xf32, #tpu.memory_space<hbm>>) target(%dma_start3A_267 : memref<128x64xf32, #tpu.memory_space<vmem>>) offsets(%dma_start3A_270 : memref<128xi32, #tpu.memory_space<vmem>>) semaphore(%arg9 : memref<!tpu.dma_semaphore, #tpu.memory_space<semaphore_mem>>)
      } else {
      }
      %mul3A_148 = arith.constant 4 : i32
      %mul3A_149 = arith.muli %add3A_140, %mul3A_148 : i32
      %add3A_150 = arith.constant 0 : i32
      %add3A_151 = arith.addi %mul3A_149, %add3A_150 : i32
      %dma_wait3A_152 = arith.constant 0 : i32
      %dma_wait3A_153 = arith.constant 0 : i32
      %dma_wait3A_154 = tpu.memref_slice %arg7[%dma_wait3A_152, %dma_wait3A_153] : memref<512x64xf32, #tpu.memory_space<vmem>> -> memref<128x64xf32, #tpu.memory_space<vmem>>
      %dma_wait3A_155 = arith.constant 0 : i32
      %dma_wait3A_156 = tpu.memref_slice %arg5[%add3A_151, %dma_wait3A_155] : memref<200x128xi32, #tpu.memory_space<vmem>> -> memref<1x128xi32, #tpu.memory_space<vmem>>
      %dma_wait3A_157 = tpu.memref_squeeze %dma_wait3A_156 : memref<1x128xi32, #tpu.memory_space<vmem>> -> memref<128xi32, #tpu.memory_space<vmem>>
      %dma_wait3A_158 = arith.constant 0 : i32
      %dma_wait3A_159 = arith.constant 0 : i32
      %dma_wait3A_160 = tpu.memref_slice %arg2[%dma_wait3A_158, %dma_wait3A_159] : memref<1000000x64xf32, #tpu.memory_space<hbm>> -> memref<1000000x64xf32, #tpu.memory_space<hbm>>
      tpu.wait_indirect_dma semaphore(%arg10 : memref<!tpu.dma_semaphore, #tpu.memory_space<semaphore_mem>>) src(%dma_wait3A_160 : memref<1000000x64xf32, #tpu.memory_space<hbm>>) dst(%dma_wait3A_154 : memref<128x64xf32, #tpu.memory_space<vmem>>)
      %mul3A_161 = arith.constant 4 : i32
      %mul3A_162 = arith.muli %add3A_140, %mul3A_161 : i32
      %add3A_163 = arith.constant 1 : i32
      %add3A_164 = arith.addi %mul3A_162, %add3A_163 : i32
      %dma_wait3A_165 = arith.constant 128 : i32
      %dma_wait3A_166 = arith.constant 0 : i32
      %dma_wait3A_167 = tpu.memref_slice %arg7[%dma_wait3A_165, %dma_wait3A_166] : memref<512x64xf32, #tpu.memory_space<vmem>> -> memref<128x64xf32, #tpu.memory_space<vmem>>
      %dma_wait3A_168 = arith.constant 0 : i32
      %dma_wait3A_169 = tpu.memref_slice %arg5[%add3A_164, %dma_wait3A_168] : memref<200x128xi32, #tpu.memory_space<vmem>> -> memref<1x128xi32, #tpu.memory_space<vmem>>
      %dma_wait3A_170 = tpu.memref_squeeze %dma_wait3A_169 : memref<1x128xi32, #tpu.memory_space<vmem>> -> memref<128xi32, #tpu.memory_space<vmem>>
      %dma_wait3A_171 = arith.constant 0 : i32
      %dma_wait3A_172 = arith.constant 0 : i32
      %dma_wait3A_173 = tpu.memref_slice %arg2[%dma_wait3A_171, %dma_wait3A_172] : memref<1000000x64xf32, #tpu.memory_space<hbm>> -> memref<1000000x64xf32, #tpu.memory_space<hbm>>
      tpu.wait_indirect_dma semaphore(%arg10 : memref<!tpu.dma_semaphore, #tpu.memory_space<semaphore_mem>>) src(%dma_wait3A_173 : memref<1000000x64xf32, #tpu.memory_space<hbm>>) dst(%dma_wait3A_167 : memref<128x64xf32, #tpu.memory_space<vmem>>)
      %mul3A_174 = arith.constant 4 : i32
      %mul3A_175 = arith.muli %add3A_140, %mul3A_174 : i32
      %add3A_176 = arith.constant 2 : i32
      %add3A_177 = arith.addi %mul3A_175, %add3A_176 : i32
      %dma_wait3A_178 = arith.constant 256 : i32
      %dma_wait3A_179 = arith.constant 0 : i32
      %dma_wait3A_180 = tpu.memref_slice %arg7[%dma_wait3A_178, %dma_wait3A_179] : memref<512x64xf32, #tpu.memory_space<vmem>> -> memref<128x64xf32, #tpu.memory_space<vmem>>
      %dma_wait3A_181 = arith.constant 0 : i32
      %dma_wait3A_182 = tpu.memref_slice %arg5[%add3A_177, %dma_wait3A_181] : memref<200x128xi32, #tpu.memory_space<vmem>> -> memref<1x128xi32, #tpu.memory_space<vmem>>
      %dma_wait3A_183 = tpu.memref_squeeze %dma_wait3A_182 : memref<1x128xi32, #tpu.memory_space<vmem>> -> memref<128xi32, #tpu.memory_space<vmem>>
      %dma_wait3A_184 = arith.constant 0 : i32
      %dma_wait3A_185 = arith.constant 0 : i32
      %dma_wait3A_186 = tpu.memref_slice %arg2[%dma_wait3A_184, %dma_wait3A_185] : memref<1000000x64xf32, #tpu.memory_space<hbm>> -> memref<1000000x64xf32, #tpu.memory_space<hbm>>
      tpu.wait_indirect_dma semaphore(%arg10 : memref<!tpu.dma_semaphore, #tpu.memory_space<semaphore_mem>>) src(%dma_wait3A_186 : memref<1000000x64xf32, #tpu.memory_space<hbm>>) dst(%dma_wait3A_180 : memref<128x64xf32, #tpu.memory_space<vmem>>)
      %mul3A_187 = arith.constant 4 : i32
      %mul3A_188 = arith.muli %add3A_140, %mul3A_187 : i32
      %add3A_189 = arith.constant 3 : i32
      %add3A_190 = arith.addi %mul3A_188, %add3A_189 : i32
      %dma_wait3A_191 = arith.constant 384 : i32
      %dma_wait3A_192 = arith.constant 0 : i32
      %dma_wait3A_193 = tpu.memref_slice %arg7[%dma_wait3A_191, %dma_wait3A_192] : memref<512x64xf32, #tpu.memory_space<vmem>> -> memref<128x64xf32, #tpu.memory_space<vmem>>
      %dma_wait3A_194 = arith.constant 0 : i32
      %dma_wait3A_195 = tpu.memref_slice %arg5[%add3A_190, %dma_wait3A_194] : memref<200x128xi32, #tpu.memory_space<vmem>> -> memref<1x128xi32, #tpu.memory_space<vmem>>
      %dma_wait3A_196 = tpu.memref_squeeze %dma_wait3A_195 : memref<1x128xi32, #tpu.memory_space<vmem>> -> memref<128xi32, #tpu.memory_space<vmem>>
      %dma_wait3A_197 = arith.constant 0 : i32
      %dma_wait3A_198 = arith.constant 0 : i32
      %dma_wait3A_199 = tpu.memref_slice %arg2[%dma_wait3A_197, %dma_wait3A_198] : memref<1000000x64xf32, #tpu.memory_space<hbm>> -> memref<1000000x64xf32, #tpu.memory_space<hbm>>
      tpu.wait_indirect_dma semaphore(%arg10 : memref<!tpu.dma_semaphore, #tpu.memory_space<semaphore_mem>>) src(%dma_wait3A_199 : memref<1000000x64xf32, #tpu.memory_space<hbm>>) dst(%dma_wait3A_193 : memref<128x64xf32, #tpu.memory_space<vmem>>)
      %iota3A_200 = tpu.iota {dimensions = array<i32: 0>} : vector<16xi32>
      %scan3A_201 = arith.constant 0 : i32
      %scan3A_202 = arith.constant 0 : i32
      %scan3A_203 = arith.constant 32 : i32
      %scan3A_204 = arith.addi %scan3A_202, %scan3A_203 : i32
      %scan3A_205 = arith.constant 1 : i32
      %scan3A_206 = scf.for %scan3A_216 = %scan3A_202 to %scan3A_204 step %scan3A_205 iter_args(%scan3A_217 = %scan3A_201) -> (i32)  : i32 {
        %mul3A_218 = arith.constant 16 : i32
        %mul3A_219 = arith.muli %scan3A_216, %mul3A_218 : i32
        %add3A_220 = arith.constant 0 : i32
        %add3A_221 = arith.addi %mul3A_219, %add3A_220 : i32
        %get3A = arith.index_cast %add3A_221 : i32 to index
        %get3A_222 = arith.constant 0 : index
        %get3A_223 = tpu.vector_load %arg7[%get3A, %get3A_222] {strides = array<i32>} : memref<512x64xf32, #tpu.memory_space<vmem>>, vector<16xf32>,
        %get3A_224 = arith.index_cast %add3A_221 : i32 to index
        %get3A_225 = arith.constant 16 : index
        %get3A_226 = tpu.vector_load %arg7[%get3A_224, %get3A_225] {strides = array<i32>} : memref<512x64xf32, #tpu.memory_space<vmem>>, vector<16xf32>,
        %get3A_227 = arith.index_cast %add3A_221 : i32 to index
        %get3A_228 = arith.constant 32 : index
        %get3A_229 = tpu.vector_load %arg7[%get3A_227, %get3A_228] {strides = array<i32>} : memref<512x64xf32, #tpu.memory_space<vmem>>, vector<16xf32>,
        %get3A_230 = arith.index_cast %add3A_221 : i32 to index
        %get3A_231 = arith.constant 48 : index
        %get3A_232 = tpu.vector_load %arg7[%get3A_230, %get3A_231] {strides = array<i32>} : memref<512x64xf32, #tpu.memory_space<vmem>>, vector<16xf32>,
        %mul3A_233 = arith.mulf %get3A_223, %get3A_223 : vector<16xf32>
        %mul3A_234 = arith.mulf %get3A_226, %get3A_226 : vector<16xf32>
        %add3A_235 = arith.addf %mul3A_233, %mul3A_234 : vector<16xf32>
        %mul3A_236 = arith.mulf %get3A_229, %get3A_229 : vector<16xf32>
        %mul3A_237 = arith.mulf %get3A_232, %get3A_232 : vector<16xf32>
        %add3A_238 = arith.addf %mul3A_236, %mul3A_237 : vector<16xf32>
        %add3A_239 = arith.addf %add3A_235, %add3A_238 : vector<16xf32>
        %swap3A = arith.constant 0 : i32
        %swap3A_240 = arith.index_cast %swap3A : i32 to index
        %swap3A_241 = arith.constant 0 : index
        %swap3A_242 = tpu.vector_load %arg8[%swap3A_240, %swap3A_241] {strides = array<i32>} : memref<16x16xf32, #tpu.memory_space<vmem>>, vector<16xf32>,
        tpu.vector_store %arg8[%swap3A_240, %swap3A_241], %add3A_239 {strides = array<i32>} : memref<16x16xf32, #tpu.memory_space<vmem>>, vector<16xf32>,
        %add3A_243 = arith.constant 1 : i32
        %add3A_244 = arith.addi %mul3A_219, %add3A_243 : i32
        %get3A_245 = arith.index_cast %add3A_244 : i32 to index
        %get3A_246 = arith.constant 0 : index
        %get3A_247 = tpu.vector_load %arg7[%get3A_245, %get3A_246] {strides = array<i32>} : memref<512x64xf32, #tpu.memory_space<vmem>>, vector<16xf32>,
        %get3A_248 = arith.index_cast %add3A_244 : i32 to index
        %get3A_249 = arith.constant 16 : index
        %get3A_250 = tpu.vector_load %arg7[%get3A_248, %get3A_249] {strides = array<i32>} : memref<512x64xf32, #tpu.memory_space<vmem>>, vector<16xf32>,
        %get3A_251 = arith.index_cast %add3A_244 : i32 to index
        %get3A_252 = arith.constant 32 : index
        %get3A_253 = tpu.vector_load %arg7[%get3A_251, %get3A_252] {strides = array<i32>} : memref<512x64xf32, #tpu.memory_space<vmem>>, vector<16xf32>,
        %get3A_254 = arith.index_cast %add3A_244 : i32 to index
        %get3A_255 = arith.constant 48 : index
        %get3A_256 = tpu.vector_load %arg7[%get3A_254, %get3A_255] {strides = array<i32>} : memref<512x64xf32, #tpu.memory_space<vmem>>, vector<16xf32>,
        %mul3A_257 = arith.mulf %get3A_247, %get3A_247 : vector<16xf32>
        %mul3A_258 = arith.mulf %get3A_250, %get3A_250 : vector<16xf32>
        %add3A_259 = arith.addf %mul3A_257, %mul3A_258 : vector<16xf32>
        %mul3A_260 = arith.mulf %get3A_253, %get3A_253 : vector<16xf32>
        %mul3A_261 = arith.mulf %get3A_256, %get3A_256 : vector<16xf32>
        %add3A_262 = arith.addf %mul3A_260, %mul3A_261 : vector<16xf32>
        %add3A_263 = arith.addf %add3A_259, %add3A_262 : vector<16xf32>
        %swap3A_264 = arith.constant 1 : i32
        %swap3A_265 = arith.index_cast %swap3A_264 : i32 to index
        %swap3A_266 = arith.constant 0 : index
        %swap3A_267 = tpu.vector_load %arg8[%swap3A_265, %swap3A_266] {strides = array<i32>} : memref<16x16xf32, #tpu.memory_space<vmem>>, vector<16xf32>,
        tpu.vector_store %arg8[%swap3A_265, %swap3A_266], %add3A_263 {strides = array<i32>} : memref<16x16xf32, #tpu.memory_space<vmem>>, vector<16xf32>,
        %add3A_268 = arith.constant 2 : i32
        %add3A_269 = arith.addi %mul3A_219, %add3A_268 : i32
        %get3A_270 = arith.index_cast %add3A_269 : i32 to index
        %get3A_271 = arith.constant 0 : index
        %get3A_272 = tpu.vector_load %arg7[%get3A_270, %get3A_271] {strides = array<i32>} : memref<512x64xf32, #tpu.memory_space<vmem>>, vector<16xf32>,
        %get3A_273 = arith.index_cast %add3A_269 : i32 to index
        %get3A_274 = arith.constant 16 : index
        %get3A_275 = tpu.vector_load %arg7[%get3A_273, %get3A_274] {strides = array<i32>} : memref<512x64xf32, #tpu.memory_space<vmem>>, vector<16xf32>,
        %get3A_276 = arith.index_cast %add3A_269 : i32 to index
        %get3A_277 = arith.constant 32 : index
        %get3A_278 = tpu.vector_load %arg7[%get3A_276, %get3A_277] {strides = array<i32>} : memref<512x64xf32, #tpu.memory_space<vmem>>, vector<16xf32>,
        %get3A_279 = arith.index_cast %add3A_269 : i32 to index
        %get3A_280 = arith.constant 48 : index
        %get3A_281 = tpu.vector_load %arg7[%get3A_279, %get3A_280] {strides = array<i32>} : memref<512x64xf32, #tpu.memory_space<vmem>>, vector<16xf32>,
        %mul3A_282 = arith.mulf %get3A_272, %get3A_272 : vector<16xf32>
        %mul3A_283 = arith.mulf %get3A_275, %get3A_275 : vector<16xf32>
        %add3A_284 = arith.addf %mul3A_282, %mul3A_283 : vector<16xf32>
        %mul3A_285 = arith.mulf %get3A_278, %get3A_278 : vector<16xf32>
        %mul3A_286 = arith.mulf %get3A_281, %get3A_281 : vector<16xf32>
        %add3A_287 = arith.addf %mul3A_285, %mul3A_286 : vector<16xf32>
        %add3A_288 = arith.addf %add3A_284, %add3A_287 : vector<16xf32>
        %swap3A_289 = arith.constant 2 : i32
        %swap3A_290 = arith.index_cast %swap3A_289 : i32 to index
        %swap3A_291 = arith.constant 0 : index
        %swap3A_292 = tpu.vector_load %arg8[%swap3A_290, %swap3A_291] {strides = array<i32>} : memref<16x16xf32, #tpu.memory_space<vmem>>, vector<16xf32>,
        tpu.vector_store %arg8[%swap3A_290, %swap3A_291], %add3A_288 {strides = array<i32>} : memref<16x16xf32, #tpu.memory_space<vmem>>, vector<16xf32>,
        %add3A_293 = arith.constant 3 : i32
        %add3A_294 = arith.addi %mul3A_219, %add3A_293 : i32
        %get3A_295 = arith.index_cast %add3A_294 : i32 to index
        %get3A_296 = arith.constant 0 : index
        %get3A_297 = tpu.vector_load %arg7[%get3A_295, %get3A_296] {strides = array<i32>} : memref<512x64xf32, #tpu.memory_space<vmem>>, vector<16xf32>,
        %get3A_298 = arith.index_cast %add3A_294 : i32 to index
        %get3A_299 = arith.constant 16 : index
        %get3A_300 = tpu.vector_load %arg7[%get3A_298, %get3A_299] {strides = array<i32>} : memref<512x64xf32, #tpu.memory_space<vmem>>, vector<16xf32>,
        %get3A_301 = arith.index_cast %add3A_294 : i32 to index
        %get3A_302 = arith.constant 32 : index
        %get3A_303 = tpu.vector_load %arg7[%get3A_301, %get3A_302] {strides = array<i32>} : memref<512x64xf32, #tpu.memory_space<vmem>>, vector<16xf32>,
        %get3A_304 = arith.index_cast %add3A_294 : i32 to index
        %get3A_305 = arith.constant 48 : index
        %get3A_306 = tpu.vector_load %arg7[%get3A_304, %get3A_305] {strides = array<i32>} : memref<512x64xf32, #tpu.memory_space<vmem>>, vector<16xf32>,
        %mul3A_307 = arith.mulf %get3A_297, %get3A_297 : vector<16xf32>
        %mul3A_308 = arith.mulf %get3A_300, %get3A_300 : vector<16xf32>
        %add3A_309 = arith.addf %mul3A_307, %mul3A_308 : vector<16xf32>
        %mul3A_310 = arith.mulf %get3A_303, %get3A_303 : vector<16xf32>
        %mul3A_311 = arith.mulf %get3A_306, %get3A_306 : vector<16xf32>
        %add3A_312 = arith.addf %mul3A_310, %mul3A_311 : vector<16xf32>
        %add3A_313 = arith.addf %add3A_309, %add3A_312 : vector<16xf32>
        %swap3A_314 = arith.constant 3 : i32
        %swap3A_315 = arith.index_cast %swap3A_314 : i32 to index
        %swap3A_316 = arith.constant 0 : index
        %swap3A_317 = tpu.vector_load %arg8[%swap3A_315, %swap3A_316] {strides = array<i32>} : memref<16x16xf32, #tpu.memory_space<vmem>>, vector<16xf32>,
        tpu.vector_store %arg8[%swap3A_315, %swap3A_316], %add3A_313 {strides = array<i32>} : memref<16x16xf32, #tpu.memory_space<vmem>>, vector<16xf32>,
        %add3A_318 = arith.constant 4 : i32
        %add3A_319 = arith.addi %mul3A_219, %add3A_318 : i32
        %get3A_320 = arith.index_cast %add3A_319 : i32 to index
        %get3A_321 = arith.constant 0 : index
        %get3A_322 = tpu.vector_load %arg7[%get3A_320, %get3A_321] {strides = array<i32>} : memref<512x64xf32, #tpu.memory_space<vmem>>, vector<16xf32>,
        %get3A_323 = arith.index_cast %add3A_319 : i32 to index
        %get3A_324 = arith.constant 16 : index
        %get3A_325 = tpu.vector_load %arg7[%get3A_323, %get3A_324] {strides = array<i32>} : memref<512x64xf32, #tpu.memory_space<vmem>>, vector<16xf32>,
        %get3A_326 = arith.index_cast %add3A_319 : i32 to index
        %get3A_327 = arith.constant 32 : index
        %get3A_328 = tpu.vector_load %arg7[%get3A_326, %get3A_327] {strides = array<i32>} : memref<512x64xf32, #tpu.memory_space<vmem>>, vector<16xf32>,
        %get3A_329 = arith.index_cast %add3A_319 : i32 to index
        %get3A_330 = arith.constant 48 : index
        %get3A_331 = tpu.vector_load %arg7[%get3A_329, %get3A_330] {strides = array<i32>} : memref<512x64xf32, #tpu.memory_space<vmem>>, vector<16xf32>,
        %mul3A_332 = arith.mulf %get3A_322, %get3A_322 : vector<16xf32>
        %mul3A_333 = arith.mulf %get3A_325, %get3A_325 : vector<16xf32>
        %add3A_334 = arith.addf %mul3A_332, %mul3A_333 : vector<16xf32>
        %mul3A_335 = arith.mulf %get3A_328, %get3A_328 : vector<16xf32>
        %mul3A_336 = arith.mulf %get3A_331, %get3A_331 : vector<16xf32>
        %add3A_337 = arith.addf %mul3A_335, %mul3A_336 : vector<16xf32>
        %add3A_338 = arith.addf %add3A_334, %add3A_337 : vector<16xf32>
        %swap3A_339 = arith.constant 4 : i32
        %swap3A_340 = arith.index_cast %swap3A_339 : i32 to index
        %swap3A_341 = arith.constant 0 : index
        %swap3A_342 = tpu.vector_load %arg8[%swap3A_340, %swap3A_341] {strides = array<i32>} : memref<16x16xf32, #tpu.memory_space<vmem>>, vector<16xf32>,
        tpu.vector_store %arg8[%swap3A_340, %swap3A_341], %add3A_338 {strides = array<i32>} : memref<16x16xf32, #tpu.memory_space<vmem>>, vector<16xf32>,
        %add3A_343 = arith.constant 5 : i32
        %add3A_344 = arith.addi %mul3A_219, %add3A_343 : i32
        %get3A_345 = arith.index_cast %add3A_344 : i32 to index
        %get3A_346 = arith.constant 0 : index
        %get3A_347 = tpu.vector_load %arg7[%get3A_345, %get3A_346] {strides = array<i32>} : memref<512x64xf32, #tpu.memory_space<vmem>>, vector<16xf32>,
        %get3A_348 = arith.index_cast %add3A_344 : i32 to index
        %get3A_349 = arith.constant 16 : index
        %get3A_350 = tpu.vector_load %arg7[%get3A_348, %get3A_349] {strides = array<i32>} : memref<512x64xf32, #tpu.memory_space<vmem>>, vector<16xf32>,
        %get3A_351 = arith.index_cast %add3A_344 : i32 to index
        %get3A_352 = arith.constant 32 : index
        %get3A_353 = tpu.vector_load %arg7[%get3A_351, %get3A_352] {strides = array<i32>} : memref<512x64xf32, #tpu.memory_space<vmem>>, vector<16xf32>,
        %get3A_354 = arith.index_cast %add3A_344 : i32 to index
        %get3A_355 = arith.constant 48 : index
        %get3A_356 = tpu.vector_load %arg7[%get3A_354, %get3A_355] {strides = array<i32>} : memref<512x64xf32, #tpu.memory_space<vmem>>, vector<16xf32>,
        %mul3A_357 = arith.mulf %get3A_347, %get3A_347 : vector<16xf32>
        %mul3A_358 = arith.mulf %get3A_350, %get3A_350 : vector<16xf32>
        %add3A_359 = arith.addf %mul3A_357, %mul3A_358 : vector<16xf32>
        %mul3A_360 = arith.mulf %get3A_353, %get3A_353 : vector<16xf32>
        %mul3A_361 = arith.mulf %get3A_356, %get3A_356 : vector<16xf32>
        %add3A_362 = arith.addf %mul3A_360, %mul3A_361 : vector<16xf32>
        %add3A_363 = arith.addf %add3A_359, %add3A_362 : vector<16xf32>
        %swap3A_364 = arith.constant 5 : i32
        %swap3A_365 = arith.index_cast %swap3A_364 : i32 to index
        %swap3A_366 = arith.constant 0 : index
        %swap3A_367 = tpu.vector_load %arg8[%swap3A_365, %swap3A_366] {strides = array<i32>} : memref<16x16xf32, #tpu.memory_space<vmem>>, vector<16xf32>,
        tpu.vector_store %arg8[%swap3A_365, %swap3A_366], %add3A_363 {strides = array<i32>} : memref<16x16xf32, #tpu.memory_space<vmem>>, vector<16xf32>,
        %add3A_368 = arith.constant 6 : i32
        %add3A_369 = arith.addi %mul3A_219, %add3A_368 : i32
        %get3A_370 = arith.index_cast %add3A_369 : i32 to index
        %get3A_371 = arith.constant 0 : index
        %get3A_372 = tpu.vector_load %arg7[%get3A_370, %get3A_371] {strides = array<i32>} : memref<512x64xf32, #tpu.memory_space<vmem>>, vector<16xf32>,
        %get3A_373 = arith.index_cast %add3A_369 : i32 to index
        %get3A_374 = arith.constant 16 : index
        %get3A_375 = tpu.vector_load %arg7[%get3A_373, %get3A_374] {strides = array<i32>} : memref<512x64xf32, #tpu.memory_space<vmem>>, vector<16xf32>,
        %get3A_376 = arith.index_cast %add3A_369 : i32 to index
        %get3A_377 = arith.constant 32 : index
        %get3A_378 = tpu.vector_load %arg7[%get3A_376, %get3A_377] {strides = array<i32>} : memref<512x64xf32, #tpu.memory_space<vmem>>, vector<16xf32>,
        %get3A_379 = arith.index_cast %add3A_369 : i32 to index
        %get3A_380 = arith.constant 48 : index
        %get3A_381 = tpu.vector_load %arg7[%get3A_379, %get3A_380] {strides = array<i32>} : memref<512x64xf32, #tpu.memory_space<vmem>>, vector<16xf32>,
        %mul3A_382 = arith.mulf %get3A_372, %get3A_372 : vector<16xf32>
        %mul3A_383 = arith.mulf %get3A_375, %get3A_375 : vector<16xf32>
        %add3A_384 = arith.addf %mul3A_382, %mul3A_383 : vector<16xf32>
        %mul3A_385 = arith.mulf %get3A_378, %get3A_378 : vector<16xf32>
        %mul3A_386 = arith.mulf %get3A_381, %get3A_381 : vector<16xf32>
        %add3A_387 = arith.addf %mul3A_385, %mul3A_386 : vector<16xf32>
        %add3A_388 = arith.addf %add3A_384, %add3A_387 : vector<16xf32>
        %swap3A_389 = arith.constant 6 : i32
        %swap3A_390 = arith.index_cast %swap3A_389 : i32 to index
        %swap3A_391 = arith.constant 0 : index
        %swap3A_392 = tpu.vector_load %arg8[%swap3A_390, %swap3A_391] {strides = array<i32>} : memref<16x16xf32, #tpu.memory_space<vmem>>, vector<16xf32>,
        tpu.vector_store %arg8[%swap3A_390, %swap3A_391], %add3A_388 {strides = array<i32>} : memref<16x16xf32, #tpu.memory_space<vmem>>, vector<16xf32>,
        %add3A_393 = arith.constant 7 : i32
        %add3A_394 = arith.addi %mul3A_219, %add3A_393 : i32
        %get3A_395 = arith.index_cast %add3A_394 : i32 to index
        %get3A_396 = arith.constant 0 : index
        %get3A_397 = tpu.vector_load %arg7[%get3A_395, %get3A_396] {strides = array<i32>} : memref<512x64xf32, #tpu.memory_space<vmem>>, vector<16xf32>,
        %get3A_398 = arith.index_cast %add3A_394 : i32 to index
        %get3A_399 = arith.constant 16 : index
        %get3A_400 = tpu.vector_load %arg7[%get3A_398, %get3A_399] {strides = array<i32>} : memref<512x64xf32, #tpu.memory_space<vmem>>, vector<16xf32>,
        %get3A_401 = arith.index_cast %add3A_394 : i32 to index
        %get3A_402 = arith.constant 32 : index
        %get3A_403 = tpu.vector_load %arg7[%get3A_401, %get3A_402] {strides = array<i32>} : memref<512x64xf32, #tpu.memory_space<vmem>>, vector<16xf32>,
        %get3A_404 = arith.index_cast %add3A_394 : i32 to index
        %get3A_405 = arith.constant 48 : index
        %get3A_406 = tpu.vector_load %arg7[%get3A_404, %get3A_405] {strides = array<i32>} : memref<512x64xf32, #tpu.memory_space<vmem>>, vector<16xf32>,
        %mul3A_407 = arith.mulf %get3A_397, %get3A_397 : vector<16xf32>
        %mul3A_408 = arith.mulf %get3A_400, %get3A_400 : vector<16xf32>
        %add3A_409 = arith.addf %mul3A_407, %mul3A_408 : vector<16xf32>
        %mul3A_410 = arith.mulf %get3A_403, %get3A_403 : vector<16xf32>
        %mul3A_411 = arith.mulf %get3A_406, %get3A_406 : vector<16xf32>
        %add3A_412 = arith.addf %mul3A_410, %mul3A_411 : vector<16xf32>
        %add3A_413 = arith.addf %add3A_409, %add3A_412 : vector<16xf32>
        %swap3A_414 = arith.constant 7 : i32
        %swap3A_415 = arith.index_cast %swap3A_414 : i32 to index
        %swap3A_416 = arith.constant 0 : index
        %swap3A_417 = tpu.vector_load %arg8[%swap3A_415, %swap3A_416] {strides = array<i32>} : memref<16x16xf32, #tpu.memory_space<vmem>>, vector<16xf32>,
        tpu.vector_store %arg8[%swap3A_415, %swap3A_416], %add3A_413 {strides = array<i32>} : memref<16x16xf32, #tpu.memory_space<vmem>>, vector<16xf32>,
        %add3A_418 = arith.constant 8 : i32
        %add3A_419 = arith.addi %mul3A_219, %add3A_418 : i32
        %get3A_420 = arith.index_cast %add3A_419 : i32 to index
        %get3A_421 = arith.constant 0 : index
        %get3A_422 = tpu.vector_load %arg7[%get3A_420, %get3A_421] {strides = array<i32>} : memref<512x64xf32, #tpu.memory_space<vmem>>, vector<16xf32>,
        %get3A_423 = arith.index_cast %add3A_419 : i32 to index
        %get3A_424 = arith.constant 16 : index
        %get3A_425 = tpu.vector_load %arg7[%get3A_423, %get3A_424] {strides = array<i32>} : memref<512x64xf32, #tpu.memory_space<vmem>>, vector<16xf32>,
        %get3A_426 = arith.index_cast %add3A_419 : i32 to index
        %get3A_427 = arith.constant 32 : index
        %get3A_428 = tpu.vector_load %arg7[%get3A_426, %get3A_427] {strides = array<i32>} : memref<512x64xf32, #tpu.memory_space<vmem>>, vector<16xf32>,
        %get3A_429 = arith.index_cast %add3A_419 : i32 to index
        %get3A_430 = arith.constant 48 : index
        %get3A_431 = tpu.vector_load %arg7[%get3A_429, %get3A_430] {strides = array<i32>} : memref<512x64xf32, #tpu.memory_space<vmem>>, vector<16xf32>,
        %mul3A_432 = arith.mulf %get3A_422, %get3A_422 : vector<16xf32>
        %mul3A_433 = arith.mulf %get3A_425, %get3A_425 : vector<16xf32>
        %add3A_434 = arith.addf %mul3A_432, %mul3A_433 : vector<16xf32>
        %mul3A_435 = arith.mulf %get3A_428, %get3A_428 : vector<16xf32>
        %mul3A_436 = arith.mulf %get3A_431, %get3A_431 : vector<16xf32>
        %add3A_437 = arith.addf %mul3A_435, %mul3A_436 : vector<16xf32>
        %add3A_438 = arith.addf %add3A_434, %add3A_437 : vector<16xf32>
        %swap3A_439 = arith.constant 8 : i32
        %swap3A_440 = arith.index_cast %swap3A_439 : i32 to index
        %swap3A_441 = arith.constant 0 : index
        %swap3A_442 = tpu.vector_load %arg8[%swap3A_440, %swap3A_441] {strides = array<i32>} : memref<16x16xf32, #tpu.memory_space<vmem>>, vector<16xf32>,
        tpu.vector_store %arg8[%swap3A_440, %swap3A_441], %add3A_438 {strides = array<i32>} : memref<16x16xf32, #tpu.memory_space<vmem>>, vector<16xf32>,
        %add3A_443 = arith.constant 9 : i32
        %add3A_444 = arith.addi %mul3A_219, %add3A_443 : i32
        %get3A_445 = arith.index_cast %add3A_444 : i32 to index
        %get3A_446 = arith.constant 0 : index
        %get3A_447 = tpu.vector_load %arg7[%get3A_445, %get3A_446] {strides = array<i32>} : memref<512x64xf32, #tpu.memory_space<vmem>>, vector<16xf32>,
        %get3A_448 = arith.index_cast %add3A_444 : i32 to index
        %get3A_449 = arith.constant 16 : index
        %get3A_450 = tpu.vector_load %arg7[%get3A_448, %get3A_449] {strides = array<i32>} : memref<512x64xf32, #tpu.memory_space<vmem>>, vector<16xf32>,
        %get3A_451 = arith.index_cast %add3A_444 : i32 to index
        %get3A_452 = arith.constant 32 : index
        %get3A_453 = tpu.vector_load %arg7[%get3A_451, %get3A_452] {strides = array<i32>} : memref<512x64xf32, #tpu.memory_space<vmem>>, vector<16xf32>,
        %get3A_454 = arith.index_cast %add3A_444 : i32 to index
        %get3A_455 = arith.constant 48 : index
        %get3A_456 = tpu.vector_load %arg7[%get3A_454, %get3A_455] {strides = array<i32>} : memref<512x64xf32, #tpu.memory_space<vmem>>, vector<16xf32>,
        %mul3A_457 = arith.mulf %get3A_447, %get3A_447 : vector<16xf32>
        %mul3A_458 = arith.mulf %get3A_450, %get3A_450 : vector<16xf32>
        %add3A_459 = arith.addf %mul3A_457, %mul3A_458 : vector<16xf32>
        %mul3A_460 = arith.mulf %get3A_453, %get3A_453 : vector<16xf32>
        %mul3A_461 = arith.mulf %get3A_456, %get3A_456 : vector<16xf32>
        %add3A_462 = arith.addf %mul3A_460, %mul3A_461 : vector<16xf32>
        %add3A_463 = arith.addf %add3A_459, %add3A_462 : vector<16xf32>
        %swap3A_464 = arith.constant 9 : i32
        %swap3A_465 = arith.index_cast %swap3A_464 : i32 to index
        %swap3A_466 = arith.constant 0 : index
        %swap3A_467 = tpu.vector_load %arg8[%swap3A_465, %swap3A_466] {strides = array<i32>} : memref<16x16xf32, #tpu.memory_space<vmem>>, vector<16xf32>,
        tpu.vector_store %arg8[%swap3A_465, %swap3A_466], %add3A_463 {strides = array<i32>} : memref<16x16xf32, #tpu.memory_space<vmem>>, vector<16xf32>,
        %add3A_468 = arith.constant 10 : i32
        %add3A_469 = arith.addi %mul3A_219, %add3A_468 : i32
        %get3A_470 = arith.index_cast %add3A_469 : i32 to index
        %get3A_471 = arith.constant 0 : index
        %get3A_472 = tpu.vector_load %arg7[%get3A_470, %get3A_471] {strides = array<i32>} : memref<512x64xf32, #tpu.memory_space<vmem>>, vector<16xf32>,
        %get3A_473 = arith.index_cast %add3A_469 : i32 to index
        %get3A_474 = arith.constant 16 : index
        %get3A_475 = tpu.vector_load %arg7[%get3A_473, %get3A_474] {strides = array<i32>} : memref<512x64xf32, #tpu.memory_space<vmem>>, vector<16xf32>,
        %get3A_476 = arith.index_cast %add3A_469 : i32 to index
        %get3A_477 = arith.constant 32 : index
        %get3A_478 = tpu.vector_load %arg7[%get3A_476, %get3A_477] {strides = array<i32>} : memref<512x64xf32, #tpu.memory_space<vmem>>, vector<16xf32>,
        %get3A_479 = arith.index_cast %add3A_469 : i32 to index
        %get3A_480 = arith.constant 48 : index
        %get3A_481 = tpu.vector_load %arg7[%get3A_479, %get3A_480] {strides = array<i32>} : memref<512x64xf32, #tpu.memory_space<vmem>>, vector<16xf32>,
        %mul3A_482 = arith.mulf %get3A_472, %get3A_472 : vector<16xf32>
        %mul3A_483 = arith.mulf %get3A_475, %get3A_475 : vector<16xf32>
        %add3A_484 = arith.addf %mul3A_482, %mul3A_483 : vector<16xf32>
        %mul3A_485 = arith.mulf %get3A_478, %get3A_478 : vector<16xf32>
        %mul3A_486 = arith.mulf %get3A_481, %get3A_481 : vector<16xf32>
        %add3A_487 = arith.addf %mul3A_485, %mul3A_486 : vector<16xf32>
        %add3A_488 = arith.addf %add3A_484, %add3A_487 : vector<16xf32>
        %swap3A_489 = arith.constant 10 : i32
        %swap3A_490 = arith.index_cast %swap3A_489 : i32 to index
        %swap3A_491 = arith.constant 0 : index
        %swap3A_492 = tpu.vector_load %arg8[%swap3A_490, %swap3A_491] {strides = array<i32>} : memref<16x16xf32, #tpu.memory_space<vmem>>, vector<16xf32>,
        tpu.vector_store %arg8[%swap3A_490, %swap3A_491], %add3A_488 {strides = array<i32>} : memref<16x16xf32, #tpu.memory_space<vmem>>, vector<16xf32>,
        %add3A_493 = arith.constant 11 : i32
        %add3A_494 = arith.addi %mul3A_219, %add3A_493 : i32
        %get3A_495 = arith.index_cast %add3A_494 : i32 to index
        %get3A_496 = arith.constant 0 : index
        %get3A_497 = tpu.vector_load %arg7[%get3A_495, %get3A_496] {strides = array<i32>} : memref<512x64xf32, #tpu.memory_space<vmem>>, vector<16xf32>,
        %get3A_498 = arith.index_cast %add3A_494 : i32 to index
        %get3A_499 = arith.constant 16 : index
        %get3A_500 = tpu.vector_load %arg7[%get3A_498, %get3A_499] {strides = array<i32>} : memref<512x64xf32, #tpu.memory_space<vmem>>, vector<16xf32>,
        %get3A_501 = arith.index_cast %add3A_494 : i32 to index
        %get3A_502 = arith.constant 32 : index
        %get3A_503 = tpu.vector_load %arg7[%get3A_501, %get3A_502] {strides = array<i32>} : memref<512x64xf32, #tpu.memory_space<vmem>>, vector<16xf32>,
        %get3A_504 = arith.index_cast %add3A_494 : i32 to index
        %get3A_505 = arith.constant 48 : index
        %get3A_506 = tpu.vector_load %arg7[%get3A_504, %get3A_505] {strides = array<i32>} : memref<512x64xf32, #tpu.memory_space<vmem>>, vector<16xf32>,
        %mul3A_507 = arith.mulf %get3A_497, %get3A_497 : vector<16xf32>
        %mul3A_508 = arith.mulf %get3A_500, %get3A_500 : vector<16xf32>
        %add3A_509 = arith.addf %mul3A_507, %mul3A_508 : vector<16xf32>
        %mul3A_510 = arith.mulf %get3A_503, %get3A_503 : vector<16xf32>
        %mul3A_511 = arith.mulf %get3A_506, %get3A_506 : vector<16xf32>
        %add3A_512 = arith.addf %mul3A_510, %mul3A_511 : vector<16xf32>
        %add3A_513 = arith.addf %add3A_509, %add3A_512 : vector<16xf32>
        %swap3A_514 = arith.constant 11 : i32
        %swap3A_515 = arith.index_cast %swap3A_514 : i32 to index
        %swap3A_516 = arith.constant 0 : index
        %swap3A_517 = tpu.vector_load %arg8[%swap3A_515, %swap3A_516] {strides = array<i32>} : memref<16x16xf32, #tpu.memory_space<vmem>>, vector<16xf32>,
        tpu.vector_store %arg8[%swap3A_515, %swap3A_516], %add3A_513 {strides = array<i32>} : memref<16x16xf32, #tpu.memory_space<vmem>>, vector<16xf32>,
        %add3A_518 = arith.constant 12 : i32
        %add3A_519 = arith.addi %mul3A_219, %add3A_518 : i32
        %get3A_520 = arith.index_cast %add3A_519 : i32 to index
        %get3A_521 = arith.constant 0 : index
        %get3A_522 = tpu.vector_load %arg7[%get3A_520, %get3A_521] {strides = array<i32>} : memref<512x64xf32, #tpu.memory_space<vmem>>, vector<16xf32>,
        %get3A_523 = arith.index_cast %add3A_519 : i32 to index
        %get3A_524 = arith.constant 16 : index
        %get3A_525 = tpu.vector_load %arg7[%get3A_523, %get3A_524] {strides = array<i32>} : memref<512x64xf32, #tpu.memory_space<vmem>>, vector<16xf32>,
        %get3A_526 = arith.index_cast %add3A_519 : i32 to index
        %get3A_527 = arith.constant 32 : index
        %get3A_528 = tpu.vector_load %arg7[%get3A_526, %get3A_527] {strides = array<i32>} : memref<512x64xf32, #tpu.memory_space<vmem>>, vector<16xf32>,
        %get3A_529 = arith.index_cast %add3A_519 : i32 to index
        %get3A_530 = arith.constant 48 : index
        %get3A_531 = tpu.vector_load %arg7[%get3A_529, %get3A_530] {strides = array<i32>} : memref<512x64xf32, #tpu.memory_space<vmem>>, vector<16xf32>,
        %mul3A_532 = arith.mulf %get3A_522, %get3A_522 : vector<16xf32>
        %mul3A_533 = arith.mulf %get3A_525, %get3A_525 : vector<16xf32>
        %add3A_534 = arith.addf %mul3A_532, %mul3A_533 : vector<16xf32>
        %mul3A_535 = arith.mulf %get3A_528, %get3A_528 : vector<16xf32>
        %mul3A_536 = arith.mulf %get3A_531, %get3A_531 : vector<16xf32>
        %add3A_537 = arith.addf %mul3A_535, %mul3A_536 : vector<16xf32>
        %add3A_538 = arith.addf %add3A_534, %add3A_537 : vector<16xf32>
        %swap3A_539 = arith.constant 12 : i32
        %swap3A_540 = arith.index_cast %swap3A_539 : i32 to index
        %swap3A_541 = arith.constant 0 : index
        %swap3A_542 = tpu.vector_load %arg8[%swap3A_540, %swap3A_541] {strides = array<i32>} : memref<16x16xf32, #tpu.memory_space<vmem>>, vector<16xf32>,
        tpu.vector_store %arg8[%swap3A_540, %swap3A_541], %add3A_538 {strides = array<i32>} : memref<16x16xf32, #tpu.memory_space<vmem>>, vector<16xf32>,
        %add3A_543 = arith.constant 13 : i32
        %add3A_544 = arith.addi %mul3A_219, %add3A_543 : i32
        %get3A_545 = arith.index_cast %add3A_544 : i32 to index
        %get3A_546 = arith.constant 0 : index
        %get3A_547 = tpu.vector_load %arg7[%get3A_545, %get3A_546] {strides = array<i32>} : memref<512x64xf32, #tpu.memory_space<vmem>>, vector<16xf32>,
        %get3A_548 = arith.index_cast %add3A_544 : i32 to index
        %get3A_549 = arith.constant 16 : index
        %get3A_550 = tpu.vector_load %arg7[%get3A_548, %get3A_549] {strides = array<i32>} : memref<512x64xf32, #tpu.memory_space<vmem>>, vector<16xf32>,
        %get3A_551 = arith.index_cast %add3A_544 : i32 to index
        %get3A_552 = arith.constant 32 : index
        %get3A_553 = tpu.vector_load %arg7[%get3A_551, %get3A_552] {strides = array<i32>} : memref<512x64xf32, #tpu.memory_space<vmem>>, vector<16xf32>,
        %get3A_554 = arith.index_cast %add3A_544 : i32 to index
        %get3A_555 = arith.constant 48 : index
        %get3A_556 = tpu.vector_load %arg7[%get3A_554, %get3A_555] {strides = array<i32>} : memref<512x64xf32, #tpu.memory_space<vmem>>, vector<16xf32>,
        %mul3A_557 = arith.mulf %get3A_547, %get3A_547 : vector<16xf32>
        %mul3A_558 = arith.mulf %get3A_550, %get3A_550 : vector<16xf32>
        %add3A_559 = arith.addf %mul3A_557, %mul3A_558 : vector<16xf32>
        %mul3A_560 = arith.mulf %get3A_553, %get3A_553 : vector<16xf32>
        %mul3A_561 = arith.mulf %get3A_556, %get3A_556 : vector<16xf32>
        %add3A_562 = arith.addf %mul3A_560, %mul3A_561 : vector<16xf32>
        %add3A_563 = arith.addf %add3A_559, %add3A_562 : vector<16xf32>
        %swap3A_564 = arith.constant 13 : i32
        %swap3A_565 = arith.index_cast %swap3A_564 : i32 to index
        %swap3A_566 = arith.constant 0 : index
        %swap3A_567 = tpu.vector_load %arg8[%swap3A_565, %swap3A_566] {strides = array<i32>} : memref<16x16xf32, #tpu.memory_space<vmem>>, vector<16xf32>,
        tpu.vector_store %arg8[%swap3A_565, %swap3A_566], %add3A_563 {strides = array<i32>} : memref<16x16xf32, #tpu.memory_space<vmem>>, vector<16xf32>,
        %add3A_568 = arith.constant 14 : i32
        %add3A_569 = arith.addi %mul3A_219, %add3A_568 : i32
        %get3A_570 = arith.index_cast %add3A_569 : i32 to index
        %get3A_571 = arith.constant 0 : index
        %get3A_572 = tpu.vector_load %arg7[%get3A_570, %get3A_571] {strides = array<i32>} : memref<512x64xf32, #tpu.memory_space<vmem>>, vector<16xf32>,
        %get3A_573 = arith.index_cast %add3A_569 : i32 to index
        %get3A_574 = arith.constant 16 : index
        %get3A_575 = tpu.vector_load %arg7[%get3A_573, %get3A_574] {strides = array<i32>} : memref<512x64xf32, #tpu.memory_space<vmem>>, vector<16xf32>,
        %get3A_576 = arith.index_cast %add3A_569 : i32 to index
        %get3A_577 = arith.constant 32 : index
        %get3A_578 = tpu.vector_load %arg7[%get3A_576, %get3A_577] {strides = array<i32>} : memref<512x64xf32, #tpu.memory_space<vmem>>, vector<16xf32>,
        %get3A_579 = arith.index_cast %add3A_569 : i32 to index
        %get3A_580 = arith.constant 48 : index
        %get3A_581 = tpu.vector_load %arg7[%get3A_579, %get3A_580] {strides = array<i32>} : memref<512x64xf32, #tpu.memory_space<vmem>>, vector<16xf32>,
        %mul3A_582 = arith.mulf %get3A_572, %get3A_572 : vector<16xf32>
        %mul3A_583 = arith.mulf %get3A_575, %get3A_575 : vector<16xf32>
        %add3A_584 = arith.addf %mul3A_582, %mul3A_583 : vector<16xf32>
        %mul3A_585 = arith.mulf %get3A_578, %get3A_578 : vector<16xf32>
        %mul3A_586 = arith.mulf %get3A_581, %get3A_581 : vector<16xf32>
        %add3A_587 = arith.addf %mul3A_585, %mul3A_586 : vector<16xf32>
        %add3A_588 = arith.addf %add3A_584, %add3A_587 : vector<16xf32>
        %swap3A_589 = arith.constant 14 : i32
        %swap3A_590 = arith.index_cast %swap3A_589 : i32 to index
        %swap3A_591 = arith.constant 0 : index
        %swap3A_592 = tpu.vector_load %arg8[%swap3A_590, %swap3A_591] {strides = array<i32>} : memref<16x16xf32, #tpu.memory_space<vmem>>, vector<16xf32>,
        tpu.vector_store %arg8[%swap3A_590, %swap3A_591], %add3A_588 {strides = array<i32>} : memref<16x16xf32, #tpu.memory_space<vmem>>, vector<16xf32>,
        %add3A_593 = arith.constant 15 : i32
        %add3A_594 = arith.addi %mul3A_219, %add3A_593 : i32
        %get3A_595 = arith.index_cast %add3A_594 : i32 to index
        %get3A_596 = arith.constant 0 : index
        %get3A_597 = tpu.vector_load %arg7[%get3A_595, %get3A_596] {strides = array<i32>} : memref<512x64xf32, #tpu.memory_space<vmem>>, vector<16xf32>,
        %get3A_598 = arith.index_cast %add3A_594 : i32 to index
        %get3A_599 = arith.constant 16 : index
        %get3A_600 = tpu.vector_load %arg7[%get3A_598, %get3A_599] {strides = array<i32>} : memref<512x64xf32, #tpu.memory_space<vmem>>, vector<16xf32>,
        %get3A_601 = arith.index_cast %add3A_594 : i32 to index
        %get3A_602 = arith.constant 32 : index
        %get3A_603 = tpu.vector_load %arg7[%get3A_601, %get3A_602] {strides = array<i32>} : memref<512x64xf32, #tpu.memory_space<vmem>>, vector<16xf32>,
        %get3A_604 = arith.index_cast %add3A_594 : i32 to index
        %get3A_605 = arith.constant 48 : index
        %get3A_606 = tpu.vector_load %arg7[%get3A_604, %get3A_605] {strides = array<i32>} : memref<512x64xf32, #tpu.memory_space<vmem>>, vector<16xf32>,
        %mul3A_607 = arith.mulf %get3A_597, %get3A_597 : vector<16xf32>
        %mul3A_608 = arith.mulf %get3A_600, %get3A_600 : vector<16xf32>
        %add3A_609 = arith.addf %mul3A_607, %mul3A_608 : vector<16xf32>
        %mul3A_610 = arith.mulf %get3A_603, %get3A_603 : vector<16xf32>
        %mul3A_611 = arith.mulf %get3A_606, %get3A_606 : vector<16xf32>
        %add3A_612 = arith.addf %mul3A_610, %mul3A_611 : vector<16xf32>
        %add3A_613 = arith.addf %add3A_609, %add3A_612 : vector<16xf32>
        %swap3A_614 = arith.constant 15 : i32
        %swap3A_615 = arith.index_cast %swap3A_614 : i32 to index
        %swap3A_616 = arith.constant 0 : index
        %swap3A_617 = tpu.vector_load %arg8[%swap3A_615, %swap3A_616] {strides = array<i32>} : memref<16x16xf32, #tpu.memory_space<vmem>>, vector<16xf32>,
        tpu.vector_store %arg8[%swap3A_615, %swap3A_616], %add3A_613 {strides = array<i32>} : memref<16x16xf32, #tpu.memory_space<vmem>>, vector<16xf32>,
        %broadcast_in_dim3A = arith.constant 0.000000e+00 : f32
        %broadcast_in_dim3A_618 = vector.broadcast %broadcast_in_dim3A : f32 to vector<16xf32>
        %add3A_619 = arith.constant 0 : i32
        %add3A_620 = vector.broadcast %add3A_619 : i32 to vector<16xi32>
        %add3A_621 = arith.addi %iota3A_200, %add3A_620 : vector<16xi32>
        %and3A = arith.constant 15 : i32
        %and3A_622 = vector.broadcast %and3A : i32 to vector<16xi32>
        %and3A_623 = arith.andi %add3A_621, %and3A_622 : vector<16xi32>
        %gather3A = tpu.vector_load_idx %arg8[%iota3A_200, %and3A_623] : memref<16x16xf32, #tpu.memory_space<vmem>>[vector<16xi32>, vector<16xi32>], vector<16xf32>,
        %add3A_624 = arith.addf %broadcast_in_dim3A_618, %gather3A : vector<16xf32>
        %add3A_625 = arith.constant 1 : i32
        %add3A_626 = vector.broadcast %add3A_625 : i32 to vector<16xi32>
        %add3A_627 = arith.addi %iota3A_200, %add3A_626 : vector<16xi32>
        %and3A_628 = arith.constant 15 : i32
        %and3A_629 = vector.broadcast %and3A_628 : i32 to vector<16xi32>
        %and3A_630 = arith.andi %add3A_627, %and3A_629 : vector<16xi32>
        %gather3A_631 = tpu.vector_load_idx %arg8[%iota3A_200, %and3A_630] : memref<16x16xf32, #tpu.memory_space<vmem>>[vector<16xi32>, vector<16xi32>], vector<16xf32>,
        %add3A_632 = arith.addf %add3A_624, %gather3A_631 : vector<16xf32>
        %add3A_633 = arith.constant 2 : i32
        %add3A_634 = vector.broadcast %add3A_633 : i32 to vector<16xi32>
        %add3A_635 = arith.addi %iota3A_200, %add3A_634 : vector<16xi32>
        %and3A_636 = arith.constant 15 : i32
        %and3A_637 = vector.broadcast %and3A_636 : i32 to vector<16xi32>
        %and3A_638 = arith.andi %add3A_635, %and3A_637 : vector<16xi32>
        %gather3A_639 = tpu.vector_load_idx %arg8[%iota3A_200, %and3A_638] : memref<16x16xf32, #tpu.memory_space<vmem>>[vector<16xi32>, vector<16xi32>], vector<16xf32>,
        %add3A_640 = arith.addf %add3A_632, %gather3A_639 : vector<16xf32>
        %add3A_641 = arith.constant 3 : i32
        %add3A_642 = vector.broadcast %add3A_641 : i32 to vector<16xi32>
        %add3A_643 = arith.addi %iota3A_200, %add3A_642 : vector<16xi32>
        %and3A_644 = arith.constant 15 : i32
        %and3A_645 = vector.broadcast %and3A_644 : i32 to vector<16xi32>
        %and3A_646 = arith.andi %add3A_643, %and3A_645 : vector<16xi32>
        %gather3A_647 = tpu.vector_load_idx %arg8[%iota3A_200, %and3A_646] : memref<16x16xf32, #tpu.memory_space<vmem>>[vector<16xi32>, vector<16xi32>], vector<16xf32>,
        %add3A_648 = arith.addf %add3A_640, %gather3A_647 : vector<16xf32>
        %add3A_649 = arith.constant 4 : i32
        %add3A_650 = vector.broadcast %add3A_649 : i32 to vector<16xi32>
        %add3A_651 = arith.addi %iota3A_200, %add3A_650 : vector<16xi32>
        %and3A_652 = arith.constant 15 : i32
        %and3A_653 = vector.broadcast %and3A_652 : i32 to vector<16xi32>
        %and3A_654 = arith.andi %add3A_651, %and3A_653 : vector<16xi32>
        %gather3A_655 = tpu.vector_load_idx %arg8[%iota3A_200, %and3A_654] : memref<16x16xf32, #tpu.memory_space<vmem>>[vector<16xi32>, vector<16xi32>], vector<16xf32>,
        %add3A_656 = arith.addf %add3A_648, %gather3A_655 : vector<16xf32>
        %add3A_657 = arith.constant 5 : i32
        %add3A_658 = vector.broadcast %add3A_657 : i32 to vector<16xi32>
        %add3A_659 = arith.addi %iota3A_200, %add3A_658 : vector<16xi32>
        %and3A_660 = arith.constant 15 : i32
        %and3A_661 = vector.broadcast %and3A_660 : i32 to vector<16xi32>
        %and3A_662 = arith.andi %add3A_659, %and3A_661 : vector<16xi32>
        %gather3A_663 = tpu.vector_load_idx %arg8[%iota3A_200, %and3A_662] : memref<16x16xf32, #tpu.memory_space<vmem>>[vector<16xi32>, vector<16xi32>], vector<16xf32>,
        %add3A_664 = arith.addf %add3A_656, %gather3A_663 : vector<16xf32>
        %add3A_665 = arith.constant 6 : i32
        %add3A_666 = vector.broadcast %add3A_665 : i32 to vector<16xi32>
        %add3A_667 = arith.addi %iota3A_200, %add3A_666 : vector<16xi32>
        %and3A_668 = arith.constant 15 : i32
        %and3A_669 = vector.broadcast %and3A_668 : i32 to vector<16xi32>
        %and3A_670 = arith.andi %add3A_667, %and3A_669 : vector<16xi32>
        %gather3A_671 = tpu.vector_load_idx %arg8[%iota3A_200, %and3A_670] : memref<16x16xf32, #tpu.memory_space<vmem>>[vector<16xi32>, vector<16xi32>], vector<16xf32>,
        %add3A_672 = arith.addf %add3A_664, %gather3A_671 : vector<16xf32>
        %add3A_673 = arith.constant 7 : i32
        %add3A_674 = vector.broadcast %add3A_673 : i32 to vector<16xi32>
        %add3A_675 = arith.addi %iota3A_200, %add3A_674 : vector<16xi32>
        %and3A_676 = arith.constant 15 : i32
        %and3A_677 = vector.broadcast %and3A_676 : i32 to vector<16xi32>
        %and3A_678 = arith.andi %add3A_675, %and3A_677 : vector<16xi32>
        %gather3A_679 = tpu.vector_load_idx %arg8[%iota3A_200, %and3A_678] : memref<16x16xf32, #tpu.memory_space<vmem>>[vector<16xi32>, vector<16xi32>], vector<16xf32>,
        %add3A_680 = arith.addf %add3A_672, %gather3A_679 : vector<16xf32>
        %add3A_681 = arith.constant 8 : i32
        %add3A_682 = vector.broadcast %add3A_681 : i32 to vector<16xi32>
        %add3A_683 = arith.addi %iota3A_200, %add3A_682 : vector<16xi32>
        %and3A_684 = arith.constant 15 : i32
        %and3A_685 = vector.broadcast %and3A_684 : i32 to vector<16xi32>
        %and3A_686 = arith.andi %add3A_683, %and3A_685 : vector<16xi32>
        %gather3A_687 = tpu.vector_load_idx %arg8[%iota3A_200, %and3A_686] : memref<16x16xf32, #tpu.memory_space<vmem>>[vector<16xi32>, vector<16xi32>], vector<16xf32>,
        %add3A_688 = arith.addf %add3A_680, %gather3A_687 : vector<16xf32>
        %add3A_689 = arith.constant 9 : i32
        %add3A_690 = vector.broadcast %add3A_689 : i32 to vector<16xi32>
        %add3A_691 = arith.addi %iota3A_200, %add3A_690 : vector<16xi32>
        %and3A_692 = arith.constant 15 : i32
        %and3A_693 = vector.broadcast %and3A_692 : i32 to vector<16xi32>
        %and3A_694 = arith.andi %add3A_691, %and3A_693 : vector<16xi32>
        %gather3A_695 = tpu.vector_load_idx %arg8[%iota3A_200, %and3A_694] : memref<16x16xf32, #tpu.memory_space<vmem>>[vector<16xi32>, vector<16xi32>], vector<16xf32>,
        %add3A_696 = arith.addf %add3A_688, %gather3A_695 : vector<16xf32>
        %add3A_697 = arith.constant 10 : i32
        %add3A_698 = vector.broadcast %add3A_697 : i32 to vector<16xi32>
        %add3A_699 = arith.addi %iota3A_200, %add3A_698 : vector<16xi32>
        %and3A_700 = arith.constant 15 : i32
        %and3A_701 = vector.broadcast %and3A_700 : i32 to vector<16xi32>
        %and3A_702 = arith.andi %add3A_699, %and3A_701 : vector<16xi32>
        %gather3A_703 = tpu.vector_load_idx %arg8[%iota3A_200, %and3A_702] : memref<16x16xf32, #tpu.memory_space<vmem>>[vector<16xi32>, vector<16xi32>], vector<16xf32>,
        %add3A_704 = arith.addf %add3A_696, %gather3A_703 : vector<16xf32>
        %add3A_705 = arith.constant 11 : i32
        %add3A_706 = vector.broadcast %add3A_705 : i32 to vector<16xi32>
        %add3A_707 = arith.addi %iota3A_200, %add3A_706 : vector<16xi32>
        %and3A_708 = arith.constant 15 : i32
        %and3A_709 = vector.broadcast %and3A_708 : i32 to vector<16xi32>
        %and3A_710 = arith.andi %add3A_707, %and3A_709 : vector<16xi32>
        %gather3A_711 = tpu.vector_load_idx %arg8[%iota3A_200, %and3A_710] : memref<16x16xf32, #tpu.memory_space<vmem>>[vector<16xi32>, vector<16xi32>], vector<16xf32>,
        %add3A_712 = arith.addf %add3A_704, %gather3A_711 : vector<16xf32>
        %add3A_713 = arith.constant 12 : i32
        %add3A_714 = vector.broadcast %add3A_713 : i32 to vector<16xi32>
        %add3A_715 = arith.addi %iota3A_200, %add3A_714 : vector<16xi32>
        %and3A_716 = arith.constant 15 : i32
        %and3A_717 = vector.broadcast %and3A_716 : i32 to vector<16xi32>
        %and3A_718 = arith.andi %add3A_715, %and3A_717 : vector<16xi32>
        %gather3A_719 = tpu.vector_load_idx %arg8[%iota3A_200, %and3A_718] : memref<16x16xf32, #tpu.memory_space<vmem>>[vector<16xi32>, vector<16xi32>], vector<16xf32>,
        %add3A_720 = arith.addf %add3A_712, %gather3A_719 : vector<16xf32>
        %add3A_721 = arith.constant 13 : i32
        %add3A_722 = vector.broadcast %add3A_721 : i32 to vector<16xi32>
        %add3A_723 = arith.addi %iota3A_200, %add3A_722 : vector<16xi32>
        %and3A_724 = arith.constant 15 : i32
        %and3A_725 = vector.broadcast %and3A_724 : i32 to vector<16xi32>
        %and3A_726 = arith.andi %add3A_723, %and3A_725 : vector<16xi32>
        %gather3A_727 = tpu.vector_load_idx %arg8[%iota3A_200, %and3A_726] : memref<16x16xf32, #tpu.memory_space<vmem>>[vector<16xi32>, vector<16xi32>], vector<16xf32>,
        %add3A_728 = arith.addf %add3A_720, %gather3A_727 : vector<16xf32>
        %add3A_729 = arith.constant 14 : i32
        %add3A_730 = vector.broadcast %add3A_729 : i32 to vector<16xi32>
        %add3A_731 = arith.addi %iota3A_200, %add3A_730 : vector<16xi32>
        %and3A_732 = arith.constant 15 : i32
        %and3A_733 = vector.broadcast %and3A_732 : i32 to vector<16xi32>
        %and3A_734 = arith.andi %add3A_731, %and3A_733 : vector<16xi32>
        %gather3A_735 = tpu.vector_load_idx %arg8[%iota3A_200, %and3A_734] : memref<16x16xf32, #tpu.memory_space<vmem>>[vector<16xi32>, vector<16xi32>], vector<16xf32>,
        %add3A_736 = arith.addf %add3A_728, %gather3A_735 : vector<16xf32>
        %add3A_737 = arith.constant 15 : i32
        %add3A_738 = vector.broadcast %add3A_737 : i32 to vector<16xi32>
        %add3A_739 = arith.addi %iota3A_200, %add3A_738 : vector<16xi32>
        %and3A_740 = arith.constant 15 : i32
        %and3A_741 = vector.broadcast %and3A_740 : i32 to vector<16xi32>
        %and3A_742 = arith.andi %add3A_739, %and3A_741 : vector<16xi32>
        %gather3A_743 = tpu.vector_load_idx %arg8[%iota3A_200, %and3A_742] : memref<16x16xf32, #tpu.memory_space<vmem>>[vector<16xi32>, vector<16xi32>], vector<16xf32>,
        %add3A_744 = arith.addf %add3A_736, %gather3A_743 : vector<16xf32>
        %bitcast_convert_type3A = tpu.bitcast %add3A_744 : vector<16xf32> -> vector<16xi32>
        %shift_right_logical3A = arith.constant 1 : i32
        %shift_right_logical3A_745 = vector.broadcast %shift_right_logical3A : i32 to vector<16xi32>
        %shift_right_logical3A_746 = arith.shrui %bitcast_convert_type3A, %shift_right_logical3A_745 : vector<16xi32>
        %sub3A = arith.constant 1597463007 : i32
        %sub3A_747 = vector.broadcast %sub3A : i32 to vector<16xi32>
        %sub3A_748 = arith.subi %sub3A_747, %shift_right_logical3A_746 : vector<16xi32>
        %bitcast_convert_type3A_749 = tpu.bitcast %sub3A_748 : vector<16xi32> -> vector<16xf32>
        %mul3A_750 = arith.constant 5.000000e-01 : f32
        %mul3A_751 = vector.broadcast %mul3A_750 : f32 to vector<16xf32>
        %mul3A_752 = arith.mulf %add3A_744, %mul3A_751 : vector<16xf32>
        %mul3A_753 = arith.mulf %mul3A_752, %bitcast_convert_type3A_749 : vector<16xf32>
        %mul3A_754 = arith.mulf %mul3A_753, %bitcast_convert_type3A_749 : vector<16xf32>
        %sub3A_755 = arith.constant 1.500000e+00 : f32
        %sub3A_756 = vector.broadcast %sub3A_755 : f32 to vector<16xf32>
        %sub3A_757 = arith.subf %sub3A_756, %mul3A_754 : vector<16xf32>
        %mul3A_758 = arith.mulf %bitcast_convert_type3A_749, %sub3A_757 : vector<16xf32>
        %mul3A_759 = arith.mulf %mul3A_752, %mul3A_758 : vector<16xf32>
        %mul3A_760 = arith.mulf %mul3A_759, %mul3A_758 : vector<16xf32>
        %sub3A_761 = arith.constant 1.500000e+00 : f32
        %sub3A_762 = vector.broadcast %sub3A_761 : f32 to vector<16xf32>
        %sub3A_763 = arith.subf %sub3A_762, %mul3A_760 : vector<16xf32>
        %mul3A_764 = arith.mulf %mul3A_758, %sub3A_763 : vector<16xf32>
        %mul3A_765 = arith.mulf %mul3A_752, %mul3A_764 : vector<16xf32>
        %mul3A_766 = arith.mulf %mul3A_765, %mul3A_764 : vector<16xf32>
        %sub3A_767 = arith.constant 1.500000e+00 : f32
        %sub3A_768 = vector.broadcast %sub3A_767 : f32 to vector<16xf32>
        %sub3A_769 = arith.subf %sub3A_768, %mul3A_766 : vector<16xf32>
        %mul3A_770 = arith.mulf %mul3A_764, %sub3A_769 : vector<16xf32>
        %min3A = arith.constant 9.99999995E+11 : f32
        %min3A_771 = vector.broadcast %min3A : f32 to vector<16xf32>
        %min3A_772 = arith.minimumf %mul3A_770, %min3A_771 : vector<16xf32>
        %add3A_773 = arith.constant 0 : i32
        %add3A_774 = arith.addi %mul3A_219, %add3A_773 : i32
        %slice3A = vector.extract_strided_slice %min3A_772 {offsets = [0], sizes = [1], strides = [1]} : vector<16xf32> to vector<1xf32>
        %squeeze3A = vector.extract %slice3A[0] : f32 from vector<1xf32>
        %broadcast_in_dim3A_775 = vector.broadcast %squeeze3A : f32 to vector<16xf32>
        %get3A_776 = arith.index_cast %add3A_774 : i32 to index
        %get3A_777 = arith.constant 0 : index
        %get3A_778 = tpu.vector_load %arg7[%get3A_776, %get3A_777] {strides = array<i32>} : memref<512x64xf32, #tpu.memory_space<vmem>>, vector<16xf32>,
        %mul3A_779 = arith.mulf %get3A_778, %broadcast_in_dim3A_775 : vector<16xf32>
        %swap3A_780 = arith.index_cast %add3A_774 : i32 to index
        %swap3A_781 = arith.constant 0 : index
        %swap3A_782 = tpu.vector_load %arg7[%swap3A_780, %swap3A_781] {strides = array<i32>} : memref<512x64xf32, #tpu.memory_space<vmem>>, vector<16xf32>,
        tpu.vector_store %arg7[%swap3A_780, %swap3A_781], %mul3A_779 {strides = array<i32>} : memref<512x64xf32, #tpu.memory_space<vmem>>, vector<16xf32>,
        %get3A_783 = arith.index_cast %add3A_774 : i32 to index
        %get3A_784 = arith.constant 16 : index
        %get3A_785 = tpu.vector_load %arg7[%get3A_783, %get3A_784] {strides = array<i32>} : memref<512x64xf32, #tpu.memory_space<vmem>>, vector<16xf32>,
        %mul3A_786 = arith.mulf %get3A_785, %broadcast_in_dim3A_775 : vector<16xf32>
        %swap3A_787 = arith.index_cast %add3A_774 : i32 to index
        %swap3A_788 = arith.constant 16 : index
        %swap3A_789 = tpu.vector_load %arg7[%swap3A_787, %swap3A_788] {strides = array<i32>} : memref<512x64xf32, #tpu.memory_space<vmem>>, vector<16xf32>,
        tpu.vector_store %arg7[%swap3A_787, %swap3A_788], %mul3A_786 {strides = array<i32>} : memref<512x64xf32, #tpu.memory_space<vmem>>, vector<16xf32>,
        %get3A_790 = arith.index_cast %add3A_774 : i32 to index
        %get3A_791 = arith.constant 32 : index
        %get3A_792 = tpu.vector_load %arg7[%get3A_790, %get3A_791] {strides = array<i32>} : memref<512x64xf32, #tpu.memory_space<vmem>>, vector<16xf32>,
        %mul3A_793 = arith.mulf %get3A_792, %broadcast_in_dim3A_775 : vector<16xf32>
        %swap3A_794 = arith.index_cast %add3A_774 : i32 to index
        %swap3A_795 = arith.constant 32 : index
        %swap3A_796 = tpu.vector_load %arg7[%swap3A_794, %swap3A_795] {strides = array<i32>} : memref<512x64xf32, #tpu.memory_space<vmem>>, vector<16xf32>,
        tpu.vector_store %arg7[%swap3A_794, %swap3A_795], %mul3A_793 {strides = array<i32>} : memref<512x64xf32, #tpu.memory_space<vmem>>, vector<16xf32>,
        %get3A_797 = arith.index_cast %add3A_774 : i32 to index
        %get3A_798 = arith.constant 48 : index
        %get3A_799 = tpu.vector_load %arg7[%get3A_797, %get3A_798] {strides = array<i32>} : memref<512x64xf32, #tpu.memory_space<vmem>>, vector<16xf32>,
        %mul3A_800 = arith.mulf %get3A_799, %broadcast_in_dim3A_775 : vector<16xf32>
        %swap3A_801 = arith.index_cast %add3A_774 : i32 to index
        %swap3A_802 = arith.constant 48 : index
        %swap3A_803 = tpu.vector_load %arg7[%swap3A_801, %swap3A_802] {strides = array<i32>} : memref<512x64xf32, #tpu.memory_space<vmem>>, vector<16xf32>,
        tpu.vector_store %arg7[%swap3A_801, %swap3A_802], %mul3A_800 {strides = array<i32>} : memref<512x64xf32, #tpu.memory_space<vmem>>, vector<16xf32>,
        %add3A_804 = arith.constant 1 : i32
        %add3A_805 = arith.addi %mul3A_219, %add3A_804 : i32
        %slice3A_806 = vector.extract_strided_slice %min3A_772 {offsets = [1], sizes = [1], strides = [1]} : vector<16xf32> to vector<1xf32>
        %squeeze3A_807 = vector.extract %slice3A_806[0] : f32 from vector<1xf32>
        %broadcast_in_dim3A_808 = vector.broadcast %squeeze3A_807 : f32 to vector<16xf32>
        %get3A_809 = arith.index_cast %add3A_805 : i32 to index
        %get3A_810 = arith.constant 0 : index
        %get3A_811 = tpu.vector_load %arg7[%get3A_809, %get3A_810] {strides = array<i32>} : memref<512x64xf32, #tpu.memory_space<vmem>>, vector<16xf32>,
        %mul3A_812 = arith.mulf %get3A_811, %broadcast_in_dim3A_808 : vector<16xf32>
        %swap3A_813 = arith.index_cast %add3A_805 : i32 to index
        %swap3A_814 = arith.constant 0 : index
        %swap3A_815 = tpu.vector_load %arg7[%swap3A_813, %swap3A_814] {strides = array<i32>} : memref<512x64xf32, #tpu.memory_space<vmem>>, vector<16xf32>,
        tpu.vector_store %arg7[%swap3A_813, %swap3A_814], %mul3A_812 {strides = array<i32>} : memref<512x64xf32, #tpu.memory_space<vmem>>, vector<16xf32>,
        %get3A_816 = arith.index_cast %add3A_805 : i32 to index
        %get3A_817 = arith.constant 16 : index
        %get3A_818 = tpu.vector_load %arg7[%get3A_816, %get3A_817] {strides = array<i32>} : memref<512x64xf32, #tpu.memory_space<vmem>>, vector<16xf32>,
        %mul3A_819 = arith.mulf %get3A_818, %broadcast_in_dim3A_808 : vector<16xf32>
        %swap3A_820 = arith.index_cast %add3A_805 : i32 to index
        %swap3A_821 = arith.constant 16 : index
        %swap3A_822 = tpu.vector_load %arg7[%swap3A_820, %swap3A_821] {strides = array<i32>} : memref<512x64xf32, #tpu.memory_space<vmem>>, vector<16xf32>,
        tpu.vector_store %arg7[%swap3A_820, %swap3A_821], %mul3A_819 {strides = array<i32>} : memref<512x64xf32, #tpu.memory_space<vmem>>, vector<16xf32>,
        %get3A_823 = arith.index_cast %add3A_805 : i32 to index
        %get3A_824 = arith.constant 32 : index
        %get3A_825 = tpu.vector_load %arg7[%get3A_823, %get3A_824] {strides = array<i32>} : memref<512x64xf32, #tpu.memory_space<vmem>>, vector<16xf32>,
        %mul3A_826 = arith.mulf %get3A_825, %broadcast_in_dim3A_808 : vector<16xf32>
        %swap3A_827 = arith.index_cast %add3A_805 : i32 to index
        %swap3A_828 = arith.constant 32 : index
        %swap3A_829 = tpu.vector_load %arg7[%swap3A_827, %swap3A_828] {strides = array<i32>} : memref<512x64xf32, #tpu.memory_space<vmem>>, vector<16xf32>,
        tpu.vector_store %arg7[%swap3A_827, %swap3A_828], %mul3A_826 {strides = array<i32>} : memref<512x64xf32, #tpu.memory_space<vmem>>, vector<16xf32>,
        %get3A_830 = arith.index_cast %add3A_805 : i32 to index
        %get3A_831 = arith.constant 48 : index
        %get3A_832 = tpu.vector_load %arg7[%get3A_830, %get3A_831] {strides = array<i32>} : memref<512x64xf32, #tpu.memory_space<vmem>>, vector<16xf32>,
        %mul3A_833 = arith.mulf %get3A_832, %broadcast_in_dim3A_808 : vector<16xf32>
        %swap3A_834 = arith.index_cast %add3A_805 : i32 to index
        %swap3A_835 = arith.constant 48 : index
        %swap3A_836 = tpu.vector_load %arg7[%swap3A_834, %swap3A_835] {strides = array<i32>} : memref<512x64xf32, #tpu.memory_space<vmem>>, vector<16xf32>,
        tpu.vector_store %arg7[%swap3A_834, %swap3A_835], %mul3A_833 {strides = array<i32>} : memref<512x64xf32, #tpu.memory_space<vmem>>, vector<16xf32>,
        %add3A_837 = arith.constant 2 : i32
        %add3A_838 = arith.addi %mul3A_219, %add3A_837 : i32
        %slice3A_839 = vector.extract_strided_slice %min3A_772 {offsets = [2], sizes = [1], strides = [1]} : vector<16xf32> to vector<1xf32>
        %squeeze3A_840 = vector.extract %slice3A_839[0] : f32 from vector<1xf32>
        %broadcast_in_dim3A_841 = vector.broadcast %squeeze3A_840 : f32 to vector<16xf32>
        %get3A_842 = arith.index_cast %add3A_838 : i32 to index
        %get3A_843 = arith.constant 0 : index
        %get3A_844 = tpu.vector_load %arg7[%get3A_842, %get3A_843] {strides = array<i32>} : memref<512x64xf32, #tpu.memory_space<vmem>>, vector<16xf32>,
        %mul3A_845 = arith.mulf %get3A_844, %broadcast_in_dim3A_841 : vector<16xf32>
        %swap3A_846 = arith.index_cast %add3A_838 : i32 to index
        %swap3A_847 = arith.constant 0 : index
        %swap3A_848 = tpu.vector_load %arg7[%swap3A_846, %swap3A_847] {strides = array<i32>} : memref<512x64xf32, #tpu.memory_space<vmem>>, vector<16xf32>,
        tpu.vector_store %arg7[%swap3A_846, %swap3A_847], %mul3A_845 {strides = array<i32>} : memref<512x64xf32, #tpu.memory_space<vmem>>, vector<16xf32>,
        %get3A_849 = arith.index_cast %add3A_838 : i32 to index
        %get3A_850 = arith.constant 16 : index
        %get3A_851 = tpu.vector_load %arg7[%get3A_849, %get3A_850] {strides = array<i32>} : memref<512x64xf32, #tpu.memory_space<vmem>>, vector<16xf32>,
        %mul3A_852 = arith.mulf %get3A_851, %broadcast_in_dim3A_841 : vector<16xf32>
        %swap3A_853 = arith.index_cast %add3A_838 : i32 to index
        %swap3A_854 = arith.constant 16 : index
        %swap3A_855 = tpu.vector_load %arg7[%swap3A_853, %swap3A_854] {strides = array<i32>} : memref<512x64xf32, #tpu.memory_space<vmem>>, vector<16xf32>,
        tpu.vector_store %arg7[%swap3A_853, %swap3A_854], %mul3A_852 {strides = array<i32>} : memref<512x64xf32, #tpu.memory_space<vmem>>, vector<16xf32>,
        %get3A_856 = arith.index_cast %add3A_838 : i32 to index
        %get3A_857 = arith.constant 32 : index
        %get3A_858 = tpu.vector_load %arg7[%get3A_856, %get3A_857] {strides = array<i32>} : memref<512x64xf32, #tpu.memory_space<vmem>>, vector<16xf32>,
        %mul3A_859 = arith.mulf %get3A_858, %broadcast_in_dim3A_841 : vector<16xf32>
        %swap3A_860 = arith.index_cast %add3A_838 : i32 to index
        %swap3A_861 = arith.constant 32 : index
        %swap3A_862 = tpu.vector_load %arg7[%swap3A_860, %swap3A_861] {strides = array<i32>} : memref<512x64xf32, #tpu.memory_space<vmem>>, vector<16xf32>,
        tpu.vector_store %arg7[%swap3A_860, %swap3A_861], %mul3A_859 {strides = array<i32>} : memref<512x64xf32, #tpu.memory_space<vmem>>, vector<16xf32>,
        %get3A_863 = arith.index_cast %add3A_838 : i32 to index
        %get3A_864 = arith.constant 48 : index
        %get3A_865 = tpu.vector_load %arg7[%get3A_863, %get3A_864] {strides = array<i32>} : memref<512x64xf32, #tpu.memory_space<vmem>>, vector<16xf32>,
        %mul3A_866 = arith.mulf %get3A_865, %broadcast_in_dim3A_841 : vector<16xf32>
        %swap3A_867 = arith.index_cast %add3A_838 : i32 to index
        %swap3A_868 = arith.constant 48 : index
        %swap3A_869 = tpu.vector_load %arg7[%swap3A_867, %swap3A_868] {strides = array<i32>} : memref<512x64xf32, #tpu.memory_space<vmem>>, vector<16xf32>,
        tpu.vector_store %arg7[%swap3A_867, %swap3A_868], %mul3A_866 {strides = array<i32>} : memref<512x64xf32, #tpu.memory_space<vmem>>, vector<16xf32>,
        %add3A_870 = arith.constant 3 : i32
        %add3A_871 = arith.addi %mul3A_219, %add3A_870 : i32
        %slice3A_872 = vector.extract_strided_slice %min3A_772 {offsets = [3], sizes = [1], strides = [1]} : vector<16xf32> to vector<1xf32>
        %squeeze3A_873 = vector.extract %slice3A_872[0] : f32 from vector<1xf32>
        %broadcast_in_dim3A_874 = vector.broadcast %squeeze3A_873 : f32 to vector<16xf32>
        %get3A_875 = arith.index_cast %add3A_871 : i32 to index
        %get3A_876 = arith.constant 0 : index
        %get3A_877 = tpu.vector_load %arg7[%get3A_875, %get3A_876] {strides = array<i32>} : memref<512x64xf32, #tpu.memory_space<vmem>>, vector<16xf32>,
        %mul3A_878 = arith.mulf %get3A_877, %broadcast_in_dim3A_874 : vector<16xf32>
        %swap3A_879 = arith.index_cast %add3A_871 : i32 to index
        %swap3A_880 = arith.constant 0 : index
        %swap3A_881 = tpu.vector_load %arg7[%swap3A_879, %swap3A_880] {strides = array<i32>} : memref<512x64xf32, #tpu.memory_space<vmem>>, vector<16xf32>,
        tpu.vector_store %arg7[%swap3A_879, %swap3A_880], %mul3A_878 {strides = array<i32>} : memref<512x64xf32, #tpu.memory_space<vmem>>, vector<16xf32>,
        %get3A_882 = arith.index_cast %add3A_871 : i32 to index
        %get3A_883 = arith.constant 16 : index
        %get3A_884 = tpu.vector_load %arg7[%get3A_882, %get3A_883] {strides = array<i32>} : memref<512x64xf32, #tpu.memory_space<vmem>>, vector<16xf32>,
        %mul3A_885 = arith.mulf %get3A_884, %broadcast_in_dim3A_874 : vector<16xf32>
        %swap3A_886 = arith.index_cast %add3A_871 : i32 to index
        %swap3A_887 = arith.constant 16 : index
        %swap3A_888 = tpu.vector_load %arg7[%swap3A_886, %swap3A_887] {strides = array<i32>} : memref<512x64xf32, #tpu.memory_space<vmem>>, vector<16xf32>,
        tpu.vector_store %arg7[%swap3A_886, %swap3A_887], %mul3A_885 {strides = array<i32>} : memref<512x64xf32, #tpu.memory_space<vmem>>, vector<16xf32>,
        %get3A_889 = arith.index_cast %add3A_871 : i32 to index
        %get3A_890 = arith.constant 32 : index
        %get3A_891 = tpu.vector_load %arg7[%get3A_889, %get3A_890] {strides = array<i32>} : memref<512x64xf32, #tpu.memory_space<vmem>>, vector<16xf32>,
        %mul3A_892 = arith.mulf %get3A_891, %broadcast_in_dim3A_874 : vector<16xf32>
        %swap3A_893 = arith.index_cast %add3A_871 : i32 to index
        %swap3A_894 = arith.constant 32 : index
        %swap3A_895 = tpu.vector_load %arg7[%swap3A_893, %swap3A_894] {strides = array<i32>} : memref<512x64xf32, #tpu.memory_space<vmem>>, vector<16xf32>,
        tpu.vector_store %arg7[%swap3A_893, %swap3A_894], %mul3A_892 {strides = array<i32>} : memref<512x64xf32, #tpu.memory_space<vmem>>, vector<16xf32>,
        %get3A_896 = arith.index_cast %add3A_871 : i32 to index
        %get3A_897 = arith.constant 48 : index
        %get3A_898 = tpu.vector_load %arg7[%get3A_896, %get3A_897] {strides = array<i32>} : memref<512x64xf32, #tpu.memory_space<vmem>>, vector<16xf32>,
        %mul3A_899 = arith.mulf %get3A_898, %broadcast_in_dim3A_874 : vector<16xf32>
        %swap3A_900 = arith.index_cast %add3A_871 : i32 to index
        %swap3A_901 = arith.constant 48 : index
        %swap3A_902 = tpu.vector_load %arg7[%swap3A_900, %swap3A_901] {strides = array<i32>} : memref<512x64xf32, #tpu.memory_space<vmem>>, vector<16xf32>,
        tpu.vector_store %arg7[%swap3A_900, %swap3A_901], %mul3A_899 {strides = array<i32>} : memref<512x64xf32, #tpu.memory_space<vmem>>, vector<16xf32>,
        %add3A_903 = arith.constant 4 : i32
        %add3A_904 = arith.addi %mul3A_219, %add3A_903 : i32
        %slice3A_905 = vector.extract_strided_slice %min3A_772 {offsets = [4], sizes = [1], strides = [1]} : vector<16xf32> to vector<1xf32>
        %squeeze3A_906 = vector.extract %slice3A_905[0] : f32 from vector<1xf32>
        %broadcast_in_dim3A_907 = vector.broadcast %squeeze3A_906 : f32 to vector<16xf32>
        %get3A_908 = arith.index_cast %add3A_904 : i32 to index
        %get3A_909 = arith.constant 0 : index
        %get3A_910 = tpu.vector_load %arg7[%get3A_908, %get3A_909] {strides = array<i32>} : memref<512x64xf32, #tpu.memory_space<vmem>>, vector<16xf32>,
        %mul3A_911 = arith.mulf %get3A_910, %broadcast_in_dim3A_907 : vector<16xf32>
        %swap3A_912 = arith.index_cast %add3A_904 : i32 to index
        %swap3A_913 = arith.constant 0 : index
        %swap3A_914 = tpu.vector_load %arg7[%swap3A_912, %swap3A_913] {strides = array<i32>} : memref<512x64xf32, #tpu.memory_space<vmem>>, vector<16xf32>,
        tpu.vector_store %arg7[%swap3A_912, %swap3A_913], %mul3A_911 {strides = array<i32>} : memref<512x64xf32, #tpu.memory_space<vmem>>, vector<16xf32>,
        %get3A_915 = arith.index_cast %add3A_904 : i32 to index
        %get3A_916 = arith.constant 16 : index
        %get3A_917 = tpu.vector_load %arg7[%get3A_915, %get3A_916] {strides = array<i32>} : memref<512x64xf32, #tpu.memory_space<vmem>>, vector<16xf32>,
        %mul3A_918 = arith.mulf %get3A_917, %broadcast_in_dim3A_907 : vector<16xf32>
        %swap3A_919 = arith.index_cast %add3A_904 : i32 to index
        %swap3A_920 = arith.constant 16 : index
        %swap3A_921 = tpu.vector_load %arg7[%swap3A_919, %swap3A_920] {strides = array<i32>} : memref<512x64xf32, #tpu.memory_space<vmem>>, vector<16xf32>,
        tpu.vector_store %arg7[%swap3A_919, %swap3A_920], %mul3A_918 {strides = array<i32>} : memref<512x64xf32, #tpu.memory_space<vmem>>, vector<16xf32>,
        %get3A_922 = arith.index_cast %add3A_904 : i32 to index
        %get3A_923 = arith.constant 32 : index
        %get3A_924 = tpu.vector_load %arg7[%get3A_922, %get3A_923] {strides = array<i32>} : memref<512x64xf32, #tpu.memory_space<vmem>>, vector<16xf32>,
        %mul3A_925 = arith.mulf %get3A_924, %broadcast_in_dim3A_907 : vector<16xf32>
        %swap3A_926 = arith.index_cast %add3A_904 : i32 to index
        %swap3A_927 = arith.constant 32 : index
        %swap3A_928 = tpu.vector_load %arg7[%swap3A_926, %swap3A_927] {strides = array<i32>} : memref<512x64xf32, #tpu.memory_space<vmem>>, vector<16xf32>,
        tpu.vector_store %arg7[%swap3A_926, %swap3A_927], %mul3A_925 {strides = array<i32>} : memref<512x64xf32, #tpu.memory_space<vmem>>, vector<16xf32>,
        %get3A_929 = arith.index_cast %add3A_904 : i32 to index
        %get3A_930 = arith.constant 48 : index
        %get3A_931 = tpu.vector_load %arg7[%get3A_929, %get3A_930] {strides = array<i32>} : memref<512x64xf32, #tpu.memory_space<vmem>>, vector<16xf32>,
        %mul3A_932 = arith.mulf %get3A_931, %broadcast_in_dim3A_907 : vector<16xf32>
        %swap3A_933 = arith.index_cast %add3A_904 : i32 to index
        %swap3A_934 = arith.constant 48 : index
        %swap3A_935 = tpu.vector_load %arg7[%swap3A_933, %swap3A_934] {strides = array<i32>} : memref<512x64xf32, #tpu.memory_space<vmem>>, vector<16xf32>,
        tpu.vector_store %arg7[%swap3A_933, %swap3A_934], %mul3A_932 {strides = array<i32>} : memref<512x64xf32, #tpu.memory_space<vmem>>, vector<16xf32>,
        %add3A_936 = arith.constant 5 : i32
        %add3A_937 = arith.addi %mul3A_219, %add3A_936 : i32
        %slice3A_938 = vector.extract_strided_slice %min3A_772 {offsets = [5], sizes = [1], strides = [1]} : vector<16xf32> to vector<1xf32>
        %squeeze3A_939 = vector.extract %slice3A_938[0] : f32 from vector<1xf32>
        %broadcast_in_dim3A_940 = vector.broadcast %squeeze3A_939 : f32 to vector<16xf32>
        %get3A_941 = arith.index_cast %add3A_937 : i32 to index
        %get3A_942 = arith.constant 0 : index
        %get3A_943 = tpu.vector_load %arg7[%get3A_941, %get3A_942] {strides = array<i32>} : memref<512x64xf32, #tpu.memory_space<vmem>>, vector<16xf32>,
        %mul3A_944 = arith.mulf %get3A_943, %broadcast_in_dim3A_940 : vector<16xf32>
        %swap3A_945 = arith.index_cast %add3A_937 : i32 to index
        %swap3A_946 = arith.constant 0 : index
        %swap3A_947 = tpu.vector_load %arg7[%swap3A_945, %swap3A_946] {strides = array<i32>} : memref<512x64xf32, #tpu.memory_space<vmem>>, vector<16xf32>,
        tpu.vector_store %arg7[%swap3A_945, %swap3A_946], %mul3A_944 {strides = array<i32>} : memref<512x64xf32, #tpu.memory_space<vmem>>, vector<16xf32>,
        %get3A_948 = arith.index_cast %add3A_937 : i32 to index
        %get3A_949 = arith.constant 16 : index
        %get3A_950 = tpu.vector_load %arg7[%get3A_948, %get3A_949] {strides = array<i32>} : memref<512x64xf32, #tpu.memory_space<vmem>>, vector<16xf32>,
        %mul3A_951 = arith.mulf %get3A_950, %broadcast_in_dim3A_940 : vector<16xf32>
        %swap3A_952 = arith.index_cast %add3A_937 : i32 to index
        %swap3A_953 = arith.constant 16 : index
        %swap3A_954 = tpu.vector_load %arg7[%swap3A_952, %swap3A_953] {strides = array<i32>} : memref<512x64xf32, #tpu.memory_space<vmem>>, vector<16xf32>,
        tpu.vector_store %arg7[%swap3A_952, %swap3A_953], %mul3A_951 {strides = array<i32>} : memref<512x64xf32, #tpu.memory_space<vmem>>, vector<16xf32>,
        %get3A_955 = arith.index_cast %add3A_937 : i32 to index
        %get3A_956 = arith.constant 32 : index
        %get3A_957 = tpu.vector_load %arg7[%get3A_955, %get3A_956] {strides = array<i32>} : memref<512x64xf32, #tpu.memory_space<vmem>>, vector<16xf32>,
        %mul3A_958 = arith.mulf %get3A_957, %broadcast_in_dim3A_940 : vector<16xf32>
        %swap3A_959 = arith.index_cast %add3A_937 : i32 to index
        %swap3A_960 = arith.constant 32 : index
        %swap3A_961 = tpu.vector_load %arg7[%swap3A_959, %swap3A_960] {strides = array<i32>} : memref<512x64xf32, #tpu.memory_space<vmem>>, vector<16xf32>,
        tpu.vector_store %arg7[%swap3A_959, %swap3A_960], %mul3A_958 {strides = array<i32>} : memref<512x64xf32, #tpu.memory_space<vmem>>, vector<16xf32>,
        %get3A_962 = arith.index_cast %add3A_937 : i32 to index
        %get3A_963 = arith.constant 48 : index
        %get3A_964 = tpu.vector_load %arg7[%get3A_962, %get3A_963] {strides = array<i32>} : memref<512x64xf32, #tpu.memory_space<vmem>>, vector<16xf32>,
        %mul3A_965 = arith.mulf %get3A_964, %broadcast_in_dim3A_940 : vector<16xf32>
        %swap3A_966 = arith.index_cast %add3A_937 : i32 to index
        %swap3A_967 = arith.constant 48 : index
        %swap3A_968 = tpu.vector_load %arg7[%swap3A_966, %swap3A_967] {strides = array<i32>} : memref<512x64xf32, #tpu.memory_space<vmem>>, vector<16xf32>,
        tpu.vector_store %arg7[%swap3A_966, %swap3A_967], %mul3A_965 {strides = array<i32>} : memref<512x64xf32, #tpu.memory_space<vmem>>, vector<16xf32>,
        %add3A_969 = arith.constant 6 : i32
        %add3A_970 = arith.addi %mul3A_219, %add3A_969 : i32
        %slice3A_971 = vector.extract_strided_slice %min3A_772 {offsets = [6], sizes = [1], strides = [1]} : vector<16xf32> to vector<1xf32>
        %squeeze3A_972 = vector.extract %slice3A_971[0] : f32 from vector<1xf32>
        %broadcast_in_dim3A_973 = vector.broadcast %squeeze3A_972 : f32 to vector<16xf32>
        %get3A_974 = arith.index_cast %add3A_970 : i32 to index
        %get3A_975 = arith.constant 0 : index
        %get3A_976 = tpu.vector_load %arg7[%get3A_974, %get3A_975] {strides = array<i32>} : memref<512x64xf32, #tpu.memory_space<vmem>>, vector<16xf32>,
        %mul3A_977 = arith.mulf %get3A_976, %broadcast_in_dim3A_973 : vector<16xf32>
        %swap3A_978 = arith.index_cast %add3A_970 : i32 to index
        %swap3A_979 = arith.constant 0 : index
        %swap3A_980 = tpu.vector_load %arg7[%swap3A_978, %swap3A_979] {strides = array<i32>} : memref<512x64xf32, #tpu.memory_space<vmem>>, vector<16xf32>,
        tpu.vector_store %arg7[%swap3A_978, %swap3A_979], %mul3A_977 {strides = array<i32>} : memref<512x64xf32, #tpu.memory_space<vmem>>, vector<16xf32>,
        %get3A_981 = arith.index_cast %add3A_970 : i32 to index
        %get3A_982 = arith.constant 16 : index
        %get3A_983 = tpu.vector_load %arg7[%get3A_981, %get3A_982] {strides = array<i32>} : memref<512x64xf32, #tpu.memory_space<vmem>>, vector<16xf32>,
        %mul3A_984 = arith.mulf %get3A_983, %broadcast_in_dim3A_973 : vector<16xf32>
        %swap3A_985 = arith.index_cast %add3A_970 : i32 to index
        %swap3A_986 = arith.constant 16 : index
        %swap3A_987 = tpu.vector_load %arg7[%swap3A_985, %swap3A_986] {strides = array<i32>} : memref<512x64xf32, #tpu.memory_space<vmem>>, vector<16xf32>,
        tpu.vector_store %arg7[%swap3A_985, %swap3A_986], %mul3A_984 {strides = array<i32>} : memref<512x64xf32, #tpu.memory_space<vmem>>, vector<16xf32>,
        %get3A_988 = arith.index_cast %add3A_970 : i32 to index
        %get3A_989 = arith.constant 32 : index
        %get3A_990 = tpu.vector_load %arg7[%get3A_988, %get3A_989] {strides = array<i32>} : memref<512x64xf32, #tpu.memory_space<vmem>>, vector<16xf32>,
        %mul3A_991 = arith.mulf %get3A_990, %broadcast_in_dim3A_973 : vector<16xf32>
        %swap3A_992 = arith.index_cast %add3A_970 : i32 to index
        %swap3A_993 = arith.constant 32 : index
        %swap3A_994 = tpu.vector_load %arg7[%swap3A_992, %swap3A_993] {strides = array<i32>} : memref<512x64xf32, #tpu.memory_space<vmem>>, vector<16xf32>,
        tpu.vector_store %arg7[%swap3A_992, %swap3A_993], %mul3A_991 {strides = array<i32>} : memref<512x64xf32, #tpu.memory_space<vmem>>, vector<16xf32>,
        %get3A_995 = arith.index_cast %add3A_970 : i32 to index
        %get3A_996 = arith.constant 48 : index
        %get3A_997 = tpu.vector_load %arg7[%get3A_995, %get3A_996] {strides = array<i32>} : memref<512x64xf32, #tpu.memory_space<vmem>>, vector<16xf32>,
        %mul3A_998 = arith.mulf %get3A_997, %broadcast_in_dim3A_973 : vector<16xf32>
        %swap3A_999 = arith.index_cast %add3A_970 : i32 to index
        %swap3A_1000 = arith.constant 48 : index
        %swap3A_1001 = tpu.vector_load %arg7[%swap3A_999, %swap3A_1000] {strides = array<i32>} : memref<512x64xf32, #tpu.memory_space<vmem>>, vector<16xf32>,
        tpu.vector_store %arg7[%swap3A_999, %swap3A_1000], %mul3A_998 {strides = array<i32>} : memref<512x64xf32, #tpu.memory_space<vmem>>, vector<16xf32>,
        %add3A_1002 = arith.constant 7 : i32
        %add3A_1003 = arith.addi %mul3A_219, %add3A_1002 : i32
        %slice3A_1004 = vector.extract_strided_slice %min3A_772 {offsets = [7], sizes = [1], strides = [1]} : vector<16xf32> to vector<1xf32>
        %squeeze3A_1005 = vector.extract %slice3A_1004[0] : f32 from vector<1xf32>
        %broadcast_in_dim3A_1006 = vector.broadcast %squeeze3A_1005 : f32 to vector<16xf32>
        %get3A_1007 = arith.index_cast %add3A_1003 : i32 to index
        %get3A_1008 = arith.constant 0 : index
        %get3A_1009 = tpu.vector_load %arg7[%get3A_1007, %get3A_1008] {strides = array<i32>} : memref<512x64xf32, #tpu.memory_space<vmem>>, vector<16xf32>,
        %mul3A_1010 = arith.mulf %get3A_1009, %broadcast_in_dim3A_1006 : vector<16xf32>
        %swap3A_1011 = arith.index_cast %add3A_1003 : i32 to index
        %swap3A_1012 = arith.constant 0 : index
        %swap3A_1013 = tpu.vector_load %arg7[%swap3A_1011, %swap3A_1012] {strides = array<i32>} : memref<512x64xf32, #tpu.memory_space<vmem>>, vector<16xf32>,
        tpu.vector_store %arg7[%swap3A_1011, %swap3A_1012], %mul3A_1010 {strides = array<i32>} : memref<512x64xf32, #tpu.memory_space<vmem>>, vector<16xf32>,
        %get3A_1014 = arith.index_cast %add3A_1003 : i32 to index
        %get3A_1015 = arith.constant 16 : index
        %get3A_1016 = tpu.vector_load %arg7[%get3A_1014, %get3A_1015] {strides = array<i32>} : memref<512x64xf32, #tpu.memory_space<vmem>>, vector<16xf32>,
        %mul3A_1017 = arith.mulf %get3A_1016, %broadcast_in_dim3A_1006 : vector<16xf32>
        %swap3A_1018 = arith.index_cast %add3A_1003 : i32 to index
        %swap3A_1019 = arith.constant 16 : index
        %swap3A_1020 = tpu.vector_load %arg7[%swap3A_1018, %swap3A_1019] {strides = array<i32>} : memref<512x64xf32, #tpu.memory_space<vmem>>, vector<16xf32>,
        tpu.vector_store %arg7[%swap3A_1018, %swap3A_1019], %mul3A_1017 {strides = array<i32>} : memref<512x64xf32, #tpu.memory_space<vmem>>, vector<16xf32>,
        %get3A_1021 = arith.index_cast %add3A_1003 : i32 to index
        %get3A_1022 = arith.constant 32 : index
        %get3A_1023 = tpu.vector_load %arg7[%get3A_1021, %get3A_1022] {strides = array<i32>} : memref<512x64xf32, #tpu.memory_space<vmem>>, vector<16xf32>,
        %mul3A_1024 = arith.mulf %get3A_1023, %broadcast_in_dim3A_1006 : vector<16xf32>
        %swap3A_1025 = arith.index_cast %add3A_1003 : i32 to index
        %swap3A_1026 = arith.constant 32 : index
        %swap3A_1027 = tpu.vector_load %arg7[%swap3A_1025, %swap3A_1026] {strides = array<i32>} : memref<512x64xf32, #tpu.memory_space<vmem>>, vector<16xf32>,
        tpu.vector_store %arg7[%swap3A_1025, %swap3A_1026], %mul3A_1024 {strides = array<i32>} : memref<512x64xf32, #tpu.memory_space<vmem>>, vector<16xf32>,
        %get3A_1028 = arith.index_cast %add3A_1003 : i32 to index
        %get3A_1029 = arith.constant 48 : index
        %get3A_1030 = tpu.vector_load %arg7[%get3A_1028, %get3A_1029] {strides = array<i32>} : memref<512x64xf32, #tpu.memory_space<vmem>>, vector<16xf32>,
        %mul3A_1031 = arith.mulf %get3A_1030, %broadcast_in_dim3A_1006 : vector<16xf32>
        %swap3A_1032 = arith.index_cast %add3A_1003 : i32 to index
        %swap3A_1033 = arith.constant 48 : index
        %swap3A_1034 = tpu.vector_load %arg7[%swap3A_1032, %swap3A_1033] {strides = array<i32>} : memref<512x64xf32, #tpu.memory_space<vmem>>, vector<16xf32>,
        tpu.vector_store %arg7[%swap3A_1032, %swap3A_1033], %mul3A_1031 {strides = array<i32>} : memref<512x64xf32, #tpu.memory_space<vmem>>, vector<16xf32>,
        %add3A_1035 = arith.constant 8 : i32
        %add3A_1036 = arith.addi %mul3A_219, %add3A_1035 : i32
        %slice3A_1037 = vector.extract_strided_slice %min3A_772 {offsets = [8], sizes = [1], strides = [1]} : vector<16xf32> to vector<1xf32>
        %squeeze3A_1038 = vector.extract %slice3A_1037[0] : f32 from vector<1xf32>
        %broadcast_in_dim3A_1039 = vector.broadcast %squeeze3A_1038 : f32 to vector<16xf32>
        %get3A_1040 = arith.index_cast %add3A_1036 : i32 to index
        %get3A_1041 = arith.constant 0 : index
        %get3A_1042 = tpu.vector_load %arg7[%get3A_1040, %get3A_1041] {strides = array<i32>} : memref<512x64xf32, #tpu.memory_space<vmem>>, vector<16xf32>,
        %mul3A_1043 = arith.mulf %get3A_1042, %broadcast_in_dim3A_1039 : vector<16xf32>
        %swap3A_1044 = arith.index_cast %add3A_1036 : i32 to index
        %swap3A_1045 = arith.constant 0 : index
        %swap3A_1046 = tpu.vector_load %arg7[%swap3A_1044, %swap3A_1045] {strides = array<i32>} : memref<512x64xf32, #tpu.memory_space<vmem>>, vector<16xf32>,
        tpu.vector_store %arg7[%swap3A_1044, %swap3A_1045], %mul3A_1043 {strides = array<i32>} : memref<512x64xf32, #tpu.memory_space<vmem>>, vector<16xf32>,
        %get3A_1047 = arith.index_cast %add3A_1036 : i32 to index
        %get3A_1048 = arith.constant 16 : index
        %get3A_1049 = tpu.vector_load %arg7[%get3A_1047, %get3A_1048] {strides = array<i32>} : memref<512x64xf32, #tpu.memory_space<vmem>>, vector<16xf32>,
        %mul3A_1050 = arith.mulf %get3A_1049, %broadcast_in_dim3A_1039 : vector<16xf32>
        %swap3A_1051 = arith.index_cast %add3A_1036 : i32 to index
        %swap3A_1052 = arith.constant 16 : index
        %swap3A_1053 = tpu.vector_load %arg7[%swap3A_1051, %swap3A_1052] {strides = array<i32>} : memref<512x64xf32, #tpu.memory_space<vmem>>, vector<16xf32>,
        tpu.vector_store %arg7[%swap3A_1051, %swap3A_1052], %mul3A_1050 {strides = array<i32>} : memref<512x64xf32, #tpu.memory_space<vmem>>, vector<16xf32>,
        %get3A_1054 = arith.index_cast %add3A_1036 : i32 to index
        %get3A_1055 = arith.constant 32 : index
        %get3A_1056 = tpu.vector_load %arg7[%get3A_1054, %get3A_1055] {strides = array<i32>} : memref<512x64xf32, #tpu.memory_space<vmem>>, vector<16xf32>,
        %mul3A_1057 = arith.mulf %get3A_1056, %broadcast_in_dim3A_1039 : vector<16xf32>
        %swap3A_1058 = arith.index_cast %add3A_1036 : i32 to index
        %swap3A_1059 = arith.constant 32 : index
        %swap3A_1060 = tpu.vector_load %arg7[%swap3A_1058, %swap3A_1059] {strides = array<i32>} : memref<512x64xf32, #tpu.memory_space<vmem>>, vector<16xf32>,
        tpu.vector_store %arg7[%swap3A_1058, %swap3A_1059], %mul3A_1057 {strides = array<i32>} : memref<512x64xf32, #tpu.memory_space<vmem>>, vector<16xf32>,
        %get3A_1061 = arith.index_cast %add3A_1036 : i32 to index
        %get3A_1062 = arith.constant 48 : index
        %get3A_1063 = tpu.vector_load %arg7[%get3A_1061, %get3A_1062] {strides = array<i32>} : memref<512x64xf32, #tpu.memory_space<vmem>>, vector<16xf32>,
        %mul3A_1064 = arith.mulf %get3A_1063, %broadcast_in_dim3A_1039 : vector<16xf32>
        %swap3A_1065 = arith.index_cast %add3A_1036 : i32 to index
        %swap3A_1066 = arith.constant 48 : index
        %swap3A_1067 = tpu.vector_load %arg7[%swap3A_1065, %swap3A_1066] {strides = array<i32>} : memref<512x64xf32, #tpu.memory_space<vmem>>, vector<16xf32>,
        tpu.vector_store %arg7[%swap3A_1065, %swap3A_1066], %mul3A_1064 {strides = array<i32>} : memref<512x64xf32, #tpu.memory_space<vmem>>, vector<16xf32>,
        %add3A_1068 = arith.constant 9 : i32
        %add3A_1069 = arith.addi %mul3A_219, %add3A_1068 : i32
        %slice3A_1070 = vector.extract_strided_slice %min3A_772 {offsets = [9], sizes = [1], strides = [1]} : vector<16xf32> to vector<1xf32>
        %squeeze3A_1071 = vector.extract %slice3A_1070[0] : f32 from vector<1xf32>
        %broadcast_in_dim3A_1072 = vector.broadcast %squeeze3A_1071 : f32 to vector<16xf32>
        %get3A_1073 = arith.index_cast %add3A_1069 : i32 to index
        %get3A_1074 = arith.constant 0 : index
        %get3A_1075 = tpu.vector_load %arg7[%get3A_1073, %get3A_1074] {strides = array<i32>} : memref<512x64xf32, #tpu.memory_space<vmem>>, vector<16xf32>,
        %mul3A_1076 = arith.mulf %get3A_1075, %broadcast_in_dim3A_1072 : vector<16xf32>
        %swap3A_1077 = arith.index_cast %add3A_1069 : i32 to index
        %swap3A_1078 = arith.constant 0 : index
        %swap3A_1079 = tpu.vector_load %arg7[%swap3A_1077, %swap3A_1078] {strides = array<i32>} : memref<512x64xf32, #tpu.memory_space<vmem>>, vector<16xf32>,
        tpu.vector_store %arg7[%swap3A_1077, %swap3A_1078], %mul3A_1076 {strides = array<i32>} : memref<512x64xf32, #tpu.memory_space<vmem>>, vector<16xf32>,
        %get3A_1080 = arith.index_cast %add3A_1069 : i32 to index
        %get3A_1081 = arith.constant 16 : index
        %get3A_1082 = tpu.vector_load %arg7[%get3A_1080, %get3A_1081] {strides = array<i32>} : memref<512x64xf32, #tpu.memory_space<vmem>>, vector<16xf32>,
        %mul3A_1083 = arith.mulf %get3A_1082, %broadcast_in_dim3A_1072 : vector<16xf32>
        %swap3A_1084 = arith.index_cast %add3A_1069 : i32 to index
        %swap3A_1085 = arith.constant 16 : index
        %swap3A_1086 = tpu.vector_load %arg7[%swap3A_1084, %swap3A_1085] {strides = array<i32>} : memref<512x64xf32, #tpu.memory_space<vmem>>, vector<16xf32>,
        tpu.vector_store %arg7[%swap3A_1084, %swap3A_1085], %mul3A_1083 {strides = array<i32>} : memref<512x64xf32, #tpu.memory_space<vmem>>, vector<16xf32>,
        %get3A_1087 = arith.index_cast %add3A_1069 : i32 to index
        %get3A_1088 = arith.constant 32 : index
        %get3A_1089 = tpu.vector_load %arg7[%get3A_1087, %get3A_1088] {strides = array<i32>} : memref<512x64xf32, #tpu.memory_space<vmem>>, vector<16xf32>,
        %mul3A_1090 = arith.mulf %get3A_1089, %broadcast_in_dim3A_1072 : vector<16xf32>
        %swap3A_1091 = arith.index_cast %add3A_1069 : i32 to index
        %swap3A_1092 = arith.constant 32 : index
        %swap3A_1093 = tpu.vector_load %arg7[%swap3A_1091, %swap3A_1092] {strides = array<i32>} : memref<512x64xf32, #tpu.memory_space<vmem>>, vector<16xf32>,
        tpu.vector_store %arg7[%swap3A_1091, %swap3A_1092], %mul3A_1090 {strides = array<i32>} : memref<512x64xf32, #tpu.memory_space<vmem>>, vector<16xf32>,
        %get3A_1094 = arith.index_cast %add3A_1069 : i32 to index
        %get3A_1095 = arith.constant 48 : index
        %get3A_1096 = tpu.vector_load %arg7[%get3A_1094, %get3A_1095] {strides = array<i32>} : memref<512x64xf32, #tpu.memory_space<vmem>>, vector<16xf32>,
        %mul3A_1097 = arith.mulf %get3A_1096, %broadcast_in_dim3A_1072 : vector<16xf32>
        %swap3A_1098 = arith.index_cast %add3A_1069 : i32 to index
        %swap3A_1099 = arith.constant 48 : index
        %swap3A_1100 = tpu.vector_load %arg7[%swap3A_1098, %swap3A_1099] {strides = array<i32>} : memref<512x64xf32, #tpu.memory_space<vmem>>, vector<16xf32>,
        tpu.vector_store %arg7[%swap3A_1098, %swap3A_1099], %mul3A_1097 {strides = array<i32>} : memref<512x64xf32, #tpu.memory_space<vmem>>, vector<16xf32>,
        %add3A_1101 = arith.constant 10 : i32
        %add3A_1102 = arith.addi %mul3A_219, %add3A_1101 : i32
        %slice3A_1103 = vector.extract_strided_slice %min3A_772 {offsets = [10], sizes = [1], strides = [1]} : vector<16xf32> to vector<1xf32>
        %squeeze3A_1104 = vector.extract %slice3A_1103[0] : f32 from vector<1xf32>
        %broadcast_in_dim3A_1105 = vector.broadcast %squeeze3A_1104 : f32 to vector<16xf32>
        %get3A_1106 = arith.index_cast %add3A_1102 : i32 to index
        %get3A_1107 = arith.constant 0 : index
        %get3A_1108 = tpu.vector_load %arg7[%get3A_1106, %get3A_1107] {strides = array<i32>} : memref<512x64xf32, #tpu.memory_space<vmem>>, vector<16xf32>,
        %mul3A_1109 = arith.mulf %get3A_1108, %broadcast_in_dim3A_1105 : vector<16xf32>
        %swap3A_1110 = arith.index_cast %add3A_1102 : i32 to index
        %swap3A_1111 = arith.constant 0 : index
        %swap3A_1112 = tpu.vector_load %arg7[%swap3A_1110, %swap3A_1111] {strides = array<i32>} : memref<512x64xf32, #tpu.memory_space<vmem>>, vector<16xf32>,
        tpu.vector_store %arg7[%swap3A_1110, %swap3A_1111], %mul3A_1109 {strides = array<i32>} : memref<512x64xf32, #tpu.memory_space<vmem>>, vector<16xf32>,
        %get3A_1113 = arith.index_cast %add3A_1102 : i32 to index
        %get3A_1114 = arith.constant 16 : index
        %get3A_1115 = tpu.vector_load %arg7[%get3A_1113, %get3A_1114] {strides = array<i32>} : memref<512x64xf32, #tpu.memory_space<vmem>>, vector<16xf32>,
        %mul3A_1116 = arith.mulf %get3A_1115, %broadcast_in_dim3A_1105 : vector<16xf32>
        %swap3A_1117 = arith.index_cast %add3A_1102 : i32 to index
        %swap3A_1118 = arith.constant 16 : index
        %swap3A_1119 = tpu.vector_load %arg7[%swap3A_1117, %swap3A_1118] {strides = array<i32>} : memref<512x64xf32, #tpu.memory_space<vmem>>, vector<16xf32>,
        tpu.vector_store %arg7[%swap3A_1117, %swap3A_1118], %mul3A_1116 {strides = array<i32>} : memref<512x64xf32, #tpu.memory_space<vmem>>, vector<16xf32>,
        %get3A_1120 = arith.index_cast %add3A_1102 : i32 to index
        %get3A_1121 = arith.constant 32 : index
        %get3A_1122 = tpu.vector_load %arg7[%get3A_1120, %get3A_1121] {strides = array<i32>} : memref<512x64xf32, #tpu.memory_space<vmem>>, vector<16xf32>,
        %mul3A_1123 = arith.mulf %get3A_1122, %broadcast_in_dim3A_1105 : vector<16xf32>
        %swap3A_1124 = arith.index_cast %add3A_1102 : i32 to index
        %swap3A_1125 = arith.constant 32 : index
        %swap3A_1126 = tpu.vector_load %arg7[%swap3A_1124, %swap3A_1125] {strides = array<i32>} : memref<512x64xf32, #tpu.memory_space<vmem>>, vector<16xf32>,
        tpu.vector_store %arg7[%swap3A_1124, %swap3A_1125], %mul3A_1123 {strides = array<i32>} : memref<512x64xf32, #tpu.memory_space<vmem>>, vector<16xf32>,
        %get3A_1127 = arith.index_cast %add3A_1102 : i32 to index
        %get3A_1128 = arith.constant 48 : index
        %get3A_1129 = tpu.vector_load %arg7[%get3A_1127, %get3A_1128] {strides = array<i32>} : memref<512x64xf32, #tpu.memory_space<vmem>>, vector<16xf32>,
        %mul3A_1130 = arith.mulf %get3A_1129, %broadcast_in_dim3A_1105 : vector<16xf32>
        %swap3A_1131 = arith.index_cast %add3A_1102 : i32 to index
        %swap3A_1132 = arith.constant 48 : index
        %swap3A_1133 = tpu.vector_load %arg7[%swap3A_1131, %swap3A_1132] {strides = array<i32>} : memref<512x64xf32, #tpu.memory_space<vmem>>, vector<16xf32>,
        tpu.vector_store %arg7[%swap3A_1131, %swap3A_1132], %mul3A_1130 {strides = array<i32>} : memref<512x64xf32, #tpu.memory_space<vmem>>, vector<16xf32>,
        %add3A_1134 = arith.constant 11 : i32
        %add3A_1135 = arith.addi %mul3A_219, %add3A_1134 : i32
        %slice3A_1136 = vector.extract_strided_slice %min3A_772 {offsets = [11], sizes = [1], strides = [1]} : vector<16xf32> to vector<1xf32>
        %squeeze3A_1137 = vector.extract %slice3A_1136[0] : f32 from vector<1xf32>
        %broadcast_in_dim3A_1138 = vector.broadcast %squeeze3A_1137 : f32 to vector<16xf32>
        %get3A_1139 = arith.index_cast %add3A_1135 : i32 to index
        %get3A_1140 = arith.constant 0 : index
        %get3A_1141 = tpu.vector_load %arg7[%get3A_1139, %get3A_1140] {strides = array<i32>} : memref<512x64xf32, #tpu.memory_space<vmem>>, vector<16xf32>,
        %mul3A_1142 = arith.mulf %get3A_1141, %broadcast_in_dim3A_1138 : vector<16xf32>
        %swap3A_1143 = arith.index_cast %add3A_1135 : i32 to index
        %swap3A_1144 = arith.constant 0 : index
        %swap3A_1145 = tpu.vector_load %arg7[%swap3A_1143, %swap3A_1144] {strides = array<i32>} : memref<512x64xf32, #tpu.memory_space<vmem>>, vector<16xf32>,
        tpu.vector_store %arg7[%swap3A_1143, %swap3A_1144], %mul3A_1142 {strides = array<i32>} : memref<512x64xf32, #tpu.memory_space<vmem>>, vector<16xf32>,
        %get3A_1146 = arith.index_cast %add3A_1135 : i32 to index
        %get3A_1147 = arith.constant 16 : index
        %get3A_1148 = tpu.vector_load %arg7[%get3A_1146, %get3A_1147] {strides = array<i32>} : memref<512x64xf32, #tpu.memory_space<vmem>>, vector<16xf32>,
        %mul3A_1149 = arith.mulf %get3A_1148, %broadcast_in_dim3A_1138 : vector<16xf32>
        %swap3A_1150 = arith.index_cast %add3A_1135 : i32 to index
        %swap3A_1151 = arith.constant 16 : index
        %swap3A_1152 = tpu.vector_load %arg7[%swap3A_1150, %swap3A_1151] {strides = array<i32>} : memref<512x64xf32, #tpu.memory_space<vmem>>, vector<16xf32>,
        tpu.vector_store %arg7[%swap3A_1150, %swap3A_1151], %mul3A_1149 {strides = array<i32>} : memref<512x64xf32, #tpu.memory_space<vmem>>, vector<16xf32>,
        %get3A_1153 = arith.index_cast %add3A_1135 : i32 to index
        %get3A_1154 = arith.constant 32 : index
        %get3A_1155 = tpu.vector_load %arg7[%get3A_1153, %get3A_1154] {strides = array<i32>} : memref<512x64xf32, #tpu.memory_space<vmem>>, vector<16xf32>,
        %mul3A_1156 = arith.mulf %get3A_1155, %broadcast_in_dim3A_1138 : vector<16xf32>
        %swap3A_1157 = arith.index_cast %add3A_1135 : i32 to index
        %swap3A_1158 = arith.constant 32 : index
        %swap3A_1159 = tpu.vector_load %arg7[%swap3A_1157, %swap3A_1158] {strides = array<i32>} : memref<512x64xf32, #tpu.memory_space<vmem>>, vector<16xf32>,
        tpu.vector_store %arg7[%swap3A_1157, %swap3A_1158], %mul3A_1156 {strides = array<i32>} : memref<512x64xf32, #tpu.memory_space<vmem>>, vector<16xf32>,
        %get3A_1160 = arith.index_cast %add3A_1135 : i32 to index
        %get3A_1161 = arith.constant 48 : index
        %get3A_1162 = tpu.vector_load %arg7[%get3A_1160, %get3A_1161] {strides = array<i32>} : memref<512x64xf32, #tpu.memory_space<vmem>>, vector<16xf32>,
        %mul3A_1163 = arith.mulf %get3A_1162, %broadcast_in_dim3A_1138 : vector<16xf32>
        %swap3A_1164 = arith.index_cast %add3A_1135 : i32 to index
        %swap3A_1165 = arith.constant 48 : index
        %swap3A_1166 = tpu.vector_load %arg7[%swap3A_1164, %swap3A_1165] {strides = array<i32>} : memref<512x64xf32, #tpu.memory_space<vmem>>, vector<16xf32>,
        tpu.vector_store %arg7[%swap3A_1164, %swap3A_1165], %mul3A_1163 {strides = array<i32>} : memref<512x64xf32, #tpu.memory_space<vmem>>, vector<16xf32>,
        %add3A_1167 = arith.constant 12 : i32
        %add3A_1168 = arith.addi %mul3A_219, %add3A_1167 : i32
        %slice3A_1169 = vector.extract_strided_slice %min3A_772 {offsets = [12], sizes = [1], strides = [1]} : vector<16xf32> to vector<1xf32>
        %squeeze3A_1170 = vector.extract %slice3A_1169[0] : f32 from vector<1xf32>
        %broadcast_in_dim3A_1171 = vector.broadcast %squeeze3A_1170 : f32 to vector<16xf32>
        %get3A_1172 = arith.index_cast %add3A_1168 : i32 to index
        %get3A_1173 = arith.constant 0 : index
        %get3A_1174 = tpu.vector_load %arg7[%get3A_1172, %get3A_1173] {strides = array<i32>} : memref<512x64xf32, #tpu.memory_space<vmem>>, vector<16xf32>,
        %mul3A_1175 = arith.mulf %get3A_1174, %broadcast_in_dim3A_1171 : vector<16xf32>
        %swap3A_1176 = arith.index_cast %add3A_1168 : i32 to index
        %swap3A_1177 = arith.constant 0 : index
        %swap3A_1178 = tpu.vector_load %arg7[%swap3A_1176, %swap3A_1177] {strides = array<i32>} : memref<512x64xf32, #tpu.memory_space<vmem>>, vector<16xf32>,
        tpu.vector_store %arg7[%swap3A_1176, %swap3A_1177], %mul3A_1175 {strides = array<i32>} : memref<512x64xf32, #tpu.memory_space<vmem>>, vector<16xf32>,
        %get3A_1179 = arith.index_cast %add3A_1168 : i32 to index
        %get3A_1180 = arith.constant 16 : index
        %get3A_1181 = tpu.vector_load %arg7[%get3A_1179, %get3A_1180] {strides = array<i32>} : memref<512x64xf32, #tpu.memory_space<vmem>>, vector<16xf32>,
        %mul3A_1182 = arith.mulf %get3A_1181, %broadcast_in_dim3A_1171 : vector<16xf32>
        %swap3A_1183 = arith.index_cast %add3A_1168 : i32 to index
        %swap3A_1184 = arith.constant 16 : index
        %swap3A_1185 = tpu.vector_load %arg7[%swap3A_1183, %swap3A_1184] {strides = array<i32>} : memref<512x64xf32, #tpu.memory_space<vmem>>, vector<16xf32>,
        tpu.vector_store %arg7[%swap3A_1183, %swap3A_1184], %mul3A_1182 {strides = array<i32>} : memref<512x64xf32, #tpu.memory_space<vmem>>, vector<16xf32>,
        %get3A_1186 = arith.index_cast %add3A_1168 : i32 to index
        %get3A_1187 = arith.constant 32 : index
        %get3A_1188 = tpu.vector_load %arg7[%get3A_1186, %get3A_1187] {strides = array<i32>} : memref<512x64xf32, #tpu.memory_space<vmem>>, vector<16xf32>,
        %mul3A_1189 = arith.mulf %get3A_1188, %broadcast_in_dim3A_1171 : vector<16xf32>
        %swap3A_1190 = arith.index_cast %add3A_1168 : i32 to index
        %swap3A_1191 = arith.constant 32 : index
        %swap3A_1192 = tpu.vector_load %arg7[%swap3A_1190, %swap3A_1191] {strides = array<i32>} : memref<512x64xf32, #tpu.memory_space<vmem>>, vector<16xf32>,
        tpu.vector_store %arg7[%swap3A_1190, %swap3A_1191], %mul3A_1189 {strides = array<i32>} : memref<512x64xf32, #tpu.memory_space<vmem>>, vector<16xf32>,
        %get3A_1193 = arith.index_cast %add3A_1168 : i32 to index
        %get3A_1194 = arith.constant 48 : index
        %get3A_1195 = tpu.vector_load %arg7[%get3A_1193, %get3A_1194] {strides = array<i32>} : memref<512x64xf32, #tpu.memory_space<vmem>>, vector<16xf32>,
        %mul3A_1196 = arith.mulf %get3A_1195, %broadcast_in_dim3A_1171 : vector<16xf32>
        %swap3A_1197 = arith.index_cast %add3A_1168 : i32 to index
        %swap3A_1198 = arith.constant 48 : index
        %swap3A_1199 = tpu.vector_load %arg7[%swap3A_1197, %swap3A_1198] {strides = array<i32>} : memref<512x64xf32, #tpu.memory_space<vmem>>, vector<16xf32>,
        tpu.vector_store %arg7[%swap3A_1197, %swap3A_1198], %mul3A_1196 {strides = array<i32>} : memref<512x64xf32, #tpu.memory_space<vmem>>, vector<16xf32>,
        %add3A_1200 = arith.constant 13 : i32
        %add3A_1201 = arith.addi %mul3A_219, %add3A_1200 : i32
        %slice3A_1202 = vector.extract_strided_slice %min3A_772 {offsets = [13], sizes = [1], strides = [1]} : vector<16xf32> to vector<1xf32>
        %squeeze3A_1203 = vector.extract %slice3A_1202[0] : f32 from vector<1xf32>
        %broadcast_in_dim3A_1204 = vector.broadcast %squeeze3A_1203 : f32 to vector<16xf32>
        %get3A_1205 = arith.index_cast %add3A_1201 : i32 to index
        %get3A_1206 = arith.constant 0 : index
        %get3A_1207 = tpu.vector_load %arg7[%get3A_1205, %get3A_1206] {strides = array<i32>} : memref<512x64xf32, #tpu.memory_space<vmem>>, vector<16xf32>,
        %mul3A_1208 = arith.mulf %get3A_1207, %broadcast_in_dim3A_1204 : vector<16xf32>
        %swap3A_1209 = arith.index_cast %add3A_1201 : i32 to index
        %swap3A_1210 = arith.constant 0 : index
        %swap3A_1211 = tpu.vector_load %arg7[%swap3A_1209, %swap3A_1210] {strides = array<i32>} : memref<512x64xf32, #tpu.memory_space<vmem>>, vector<16xf32>,
        tpu.vector_store %arg7[%swap3A_1209, %swap3A_1210], %mul3A_1208 {strides = array<i32>} : memref<512x64xf32, #tpu.memory_space<vmem>>, vector<16xf32>,
        %get3A_1212 = arith.index_cast %add3A_1201 : i32 to index
        %get3A_1213 = arith.constant 16 : index
        %get3A_1214 = tpu.vector_load %arg7[%get3A_1212, %get3A_1213] {strides = array<i32>} : memref<512x64xf32, #tpu.memory_space<vmem>>, vector<16xf32>,
        %mul3A_1215 = arith.mulf %get3A_1214, %broadcast_in_dim3A_1204 : vector<16xf32>
        %swap3A_1216 = arith.index_cast %add3A_1201 : i32 to index
        %swap3A_1217 = arith.constant 16 : index
        %swap3A_1218 = tpu.vector_load %arg7[%swap3A_1216, %swap3A_1217] {strides = array<i32>} : memref<512x64xf32, #tpu.memory_space<vmem>>, vector<16xf32>,
        tpu.vector_store %arg7[%swap3A_1216, %swap3A_1217], %mul3A_1215 {strides = array<i32>} : memref<512x64xf32, #tpu.memory_space<vmem>>, vector<16xf32>,
        %get3A_1219 = arith.index_cast %add3A_1201 : i32 to index
        %get3A_1220 = arith.constant 32 : index
        %get3A_1221 = tpu.vector_load %arg7[%get3A_1219, %get3A_1220] {strides = array<i32>} : memref<512x64xf32, #tpu.memory_space<vmem>>, vector<16xf32>,
        %mul3A_1222 = arith.mulf %get3A_1221, %broadcast_in_dim3A_1204 : vector<16xf32>
        %swap3A_1223 = arith.index_cast %add3A_1201 : i32 to index
        %swap3A_1224 = arith.constant 32 : index
        %swap3A_1225 = tpu.vector_load %arg7[%swap3A_1223, %swap3A_1224] {strides = array<i32>} : memref<512x64xf32, #tpu.memory_space<vmem>>, vector<16xf32>,
        tpu.vector_store %arg7[%swap3A_1223, %swap3A_1224], %mul3A_1222 {strides = array<i32>} : memref<512x64xf32, #tpu.memory_space<vmem>>, vector<16xf32>,
        %get3A_1226 = arith.index_cast %add3A_1201 : i32 to index
        %get3A_1227 = arith.constant 48 : index
        %get3A_1228 = tpu.vector_load %arg7[%get3A_1226, %get3A_1227] {strides = array<i32>} : memref<512x64xf32, #tpu.memory_space<vmem>>, vector<16xf32>,
        %mul3A_1229 = arith.mulf %get3A_1228, %broadcast_in_dim3A_1204 : vector<16xf32>
        %swap3A_1230 = arith.index_cast %add3A_1201 : i32 to index
        %swap3A_1231 = arith.constant 48 : index
        %swap3A_1232 = tpu.vector_load %arg7[%swap3A_1230, %swap3A_1231] {strides = array<i32>} : memref<512x64xf32, #tpu.memory_space<vmem>>, vector<16xf32>,
        tpu.vector_store %arg7[%swap3A_1230, %swap3A_1231], %mul3A_1229 {strides = array<i32>} : memref<512x64xf32, #tpu.memory_space<vmem>>, vector<16xf32>,
        %add3A_1233 = arith.constant 14 : i32
        %add3A_1234 = arith.addi %mul3A_219, %add3A_1233 : i32
        %slice3A_1235 = vector.extract_strided_slice %min3A_772 {offsets = [14], sizes = [1], strides = [1]} : vector<16xf32> to vector<1xf32>
        %squeeze3A_1236 = vector.extract %slice3A_1235[0] : f32 from vector<1xf32>
        %broadcast_in_dim3A_1237 = vector.broadcast %squeeze3A_1236 : f32 to vector<16xf32>
        %get3A_1238 = arith.index_cast %add3A_1234 : i32 to index
        %get3A_1239 = arith.constant 0 : index
        %get3A_1240 = tpu.vector_load %arg7[%get3A_1238, %get3A_1239] {strides = array<i32>} : memref<512x64xf32, #tpu.memory_space<vmem>>, vector<16xf32>,
        %mul3A_1241 = arith.mulf %get3A_1240, %broadcast_in_dim3A_1237 : vector<16xf32>
        %swap3A_1242 = arith.index_cast %add3A_1234 : i32 to index
        %swap3A_1243 = arith.constant 0 : index
        %swap3A_1244 = tpu.vector_load %arg7[%swap3A_1242, %swap3A_1243] {strides = array<i32>} : memref<512x64xf32, #tpu.memory_space<vmem>>, vector<16xf32>,
        tpu.vector_store %arg7[%swap3A_1242, %swap3A_1243], %mul3A_1241 {strides = array<i32>} : memref<512x64xf32, #tpu.memory_space<vmem>>, vector<16xf32>,
        %get3A_1245 = arith.index_cast %add3A_1234 : i32 to index
        %get3A_1246 = arith.constant 16 : index
        %get3A_1247 = tpu.vector_load %arg7[%get3A_1245, %get3A_1246] {strides = array<i32>} : memref<512x64xf32, #tpu.memory_space<vmem>>, vector<16xf32>,
        %mul3A_1248 = arith.mulf %get3A_1247, %broadcast_in_dim3A_1237 : vector<16xf32>
        %swap3A_1249 = arith.index_cast %add3A_1234 : i32 to index
        %swap3A_1250 = arith.constant 16 : index
        %swap3A_1251 = tpu.vector_load %arg7[%swap3A_1249, %swap3A_1250] {strides = array<i32>} : memref<512x64xf32, #tpu.memory_space<vmem>>, vector<16xf32>,
        tpu.vector_store %arg7[%swap3A_1249, %swap3A_1250], %mul3A_1248 {strides = array<i32>} : memref<512x64xf32, #tpu.memory_space<vmem>>, vector<16xf32>,
        %get3A_1252 = arith.index_cast %add3A_1234 : i32 to index
        %get3A_1253 = arith.constant 32 : index
        %get3A_1254 = tpu.vector_load %arg7[%get3A_1252, %get3A_1253] {strides = array<i32>} : memref<512x64xf32, #tpu.memory_space<vmem>>, vector<16xf32>,
        %mul3A_1255 = arith.mulf %get3A_1254, %broadcast_in_dim3A_1237 : vector<16xf32>
        %swap3A_1256 = arith.index_cast %add3A_1234 : i32 to index
        %swap3A_1257 = arith.constant 32 : index
        %swap3A_1258 = tpu.vector_load %arg7[%swap3A_1256, %swap3A_1257] {strides = array<i32>} : memref<512x64xf32, #tpu.memory_space<vmem>>, vector<16xf32>,
        tpu.vector_store %arg7[%swap3A_1256, %swap3A_1257], %mul3A_1255 {strides = array<i32>} : memref<512x64xf32, #tpu.memory_space<vmem>>, vector<16xf32>,
        %get3A_1259 = arith.index_cast %add3A_1234 : i32 to index
        %get3A_1260 = arith.constant 48 : index
        %get3A_1261 = tpu.vector_load %arg7[%get3A_1259, %get3A_1260] {strides = array<i32>} : memref<512x64xf32, #tpu.memory_space<vmem>>, vector<16xf32>,
        %mul3A_1262 = arith.mulf %get3A_1261, %broadcast_in_dim3A_1237 : vector<16xf32>
        %swap3A_1263 = arith.index_cast %add3A_1234 : i32 to index
        %swap3A_1264 = arith.constant 48 : index
        %swap3A_1265 = tpu.vector_load %arg7[%swap3A_1263, %swap3A_1264] {strides = array<i32>} : memref<512x64xf32, #tpu.memory_space<vmem>>, vector<16xf32>,
        tpu.vector_store %arg7[%swap3A_1263, %swap3A_1264], %mul3A_1262 {strides = array<i32>} : memref<512x64xf32, #tpu.memory_space<vmem>>, vector<16xf32>,
        %add3A_1266 = arith.constant 15 : i32
        %add3A_1267 = arith.addi %mul3A_219, %add3A_1266 : i32
        %slice3A_1268 = vector.extract_strided_slice %min3A_772 {offsets = [15], sizes = [1], strides = [1]} : vector<16xf32> to vector<1xf32>
        %squeeze3A_1269 = vector.extract %slice3A_1268[0] : f32 from vector<1xf32>
        %broadcast_in_dim3A_1270 = vector.broadcast %squeeze3A_1269 : f32 to vector<16xf32>
        %get3A_1271 = arith.index_cast %add3A_1267 : i32 to index
        %get3A_1272 = arith.constant 0 : index
        %get3A_1273 = tpu.vector_load %arg7[%get3A_1271, %get3A_1272] {strides = array<i32>} : memref<512x64xf32, #tpu.memory_space<vmem>>, vector<16xf32>,
        %mul3A_1274 = arith.mulf %get3A_1273, %broadcast_in_dim3A_1270 : vector<16xf32>
        %swap3A_1275 = arith.index_cast %add3A_1267 : i32 to index
        %swap3A_1276 = arith.constant 0 : index
        %swap3A_1277 = tpu.vector_load %arg7[%swap3A_1275, %swap3A_1276] {strides = array<i32>} : memref<512x64xf32, #tpu.memory_space<vmem>>, vector<16xf32>,
        tpu.vector_store %arg7[%swap3A_1275, %swap3A_1276], %mul3A_1274 {strides = array<i32>} : memref<512x64xf32, #tpu.memory_space<vmem>>, vector<16xf32>,
        %get3A_1278 = arith.index_cast %add3A_1267 : i32 to index
        %get3A_1279 = arith.constant 16 : index
        %get3A_1280 = tpu.vector_load %arg7[%get3A_1278, %get3A_1279] {strides = array<i32>} : memref<512x64xf32, #tpu.memory_space<vmem>>, vector<16xf32>,
        %mul3A_1281 = arith.mulf %get3A_1280, %broadcast_in_dim3A_1270 : vector<16xf32>
        %swap3A_1282 = arith.index_cast %add3A_1267 : i32 to index
        %swap3A_1283 = arith.constant 16 : index
        %swap3A_1284 = tpu.vector_load %arg7[%swap3A_1282, %swap3A_1283] {strides = array<i32>} : memref<512x64xf32, #tpu.memory_space<vmem>>, vector<16xf32>,
        tpu.vector_store %arg7[%swap3A_1282, %swap3A_1283], %mul3A_1281 {strides = array<i32>} : memref<512x64xf32, #tpu.memory_space<vmem>>, vector<16xf32>,
        %get3A_1285 = arith.index_cast %add3A_1267 : i32 to index
        %get3A_1286 = arith.constant 32 : index
        %get3A_1287 = tpu.vector_load %arg7[%get3A_1285, %get3A_1286] {strides = array<i32>} : memref<512x64xf32, #tpu.memory_space<vmem>>, vector<16xf32>,
        %mul3A_1288 = arith.mulf %get3A_1287, %broadcast_in_dim3A_1270 : vector<16xf32>
        %swap3A_1289 = arith.index_cast %add3A_1267 : i32 to index
        %swap3A_1290 = arith.constant 32 : index
        %swap3A_1291 = tpu.vector_load %arg7[%swap3A_1289, %swap3A_1290] {strides = array<i32>} : memref<512x64xf32, #tpu.memory_space<vmem>>, vector<16xf32>,
        tpu.vector_store %arg7[%swap3A_1289, %swap3A_1290], %mul3A_1288 {strides = array<i32>} : memref<512x64xf32, #tpu.memory_space<vmem>>, vector<16xf32>,
        %get3A_1292 = arith.index_cast %add3A_1267 : i32 to index
        %get3A_1293 = arith.constant 48 : index
        %get3A_1294 = tpu.vector_load %arg7[%get3A_1292, %get3A_1293] {strides = array<i32>} : memref<512x64xf32, #tpu.memory_space<vmem>>, vector<16xf32>,
        %mul3A_1295 = arith.mulf %get3A_1294, %broadcast_in_dim3A_1270 : vector<16xf32>
        %swap3A_1296 = arith.index_cast %add3A_1267 : i32 to index
        %swap3A_1297 = arith.constant 48 : index
        %swap3A_1298 = tpu.vector_load %arg7[%swap3A_1296, %swap3A_1297] {strides = array<i32>} : memref<512x64xf32, #tpu.memory_space<vmem>>, vector<16xf32>,
        tpu.vector_store %arg7[%swap3A_1296, %swap3A_1297], %mul3A_1295 {strides = array<i32>} : memref<512x64xf32, #tpu.memory_space<vmem>>, vector<16xf32>,
        %scan3A_1299 = arith.constant 0 : i32
        scf.yield %scan3A_1299 : i32
      }
      %scan3A_207 = arith.constant 32 : i32
      %mul3A_208 = arith.constant 512 : i32
      %mul3A_209 = arith.muli %add3A_140, %mul3A_208 : i32
      %add3A_210 = arith.addi %mul3A_2, %mul3A_209 : i32
      %dma_start3A_211 = arith.constant 0 : i32
      %dma_start3A_212 = tpu.memref_slice %arg4[%add3A_210, %dma_start3A_211] : memref<819200x64xf32, #tpu.memory_space<hbm>> -> memref<512x64xf32, #tpu.memory_space<hbm>>
      %dma_start3A_213 = arith.constant 0 : i32
      %dma_start3A_214 = tpu.memref_slice %arg4[%add3A_210, %dma_start3A_213] : memref<819200x64xf32, #tpu.memory_space<hbm>> -> memref<512x64xf32, #tpu.memory_space<hbm>>
      tpu.enqueue_dma source(%arg7 : memref<512x64xf32, #tpu.memory_space<vmem>>) target(%dma_start3A_214 : memref<512x64xf32, #tpu.memory_space<hbm>>) target_semaphore(%arg12 : memref<!tpu.dma_semaphore, #tpu.memory_space<semaphore_mem>>)
      %scan3A_215 = arith.constant 0 : i32
      scf.yield %scan3A_215 : i32
    }
    %scan3A_49 = arith.constant 25 : i32
    %dma_wait3A = arith.constant 0 : i32
    %dma_wait3A_50 = arith.constant 0 : i32
    %dma_wait3A_51 = tpu.memref_slice %arg4[%dma_wait3A, %dma_wait3A_50] : memref<819200x64xf32, #tpu.memory_space<hbm>> -> memref<512x64xf32, #tpu.memory_space<hbm>>
    %dma_wait3A_52 = arith.constant 0 : i32
    %dma_wait3A_53 = arith.constant 0 : i32
    %dma_wait3A_54 = tpu.memref_slice %arg4[%dma_wait3A_52, %dma_wait3A_53] : memref<819200x64xf32, #tpu.memory_space<hbm>> -> memref<512x64xf32, #tpu.memory_space<hbm>>
    tpu.wait_dma2 semaphore(%arg11 : memref<!tpu.dma_semaphore, #tpu.memory_space<semaphore_mem>>) src(%arg6 : memref<512x64xf32, #tpu.memory_space<vmem>>) dst(%dma_wait3A_54 : memref<512x64xf32, #tpu.memory_space<hbm>>)
    %dma_wait3A_55 = arith.constant 0 : i32
    %dma_wait3A_56 = arith.constant 0 : i32
    %dma_wait3A_57 = tpu.memref_slice %arg4[%dma_wait3A_55, %dma_wait3A_56] : memref<819200x64xf32, #tpu.memory_space<hbm>> -> memref<512x64xf32, #tpu.memory_space<hbm>>
    %dma_wait3A_58 = arith.constant 0 : i32
    %dma_wait3A_59 = arith.constant 0 : i32
    %dma_wait3A_60 = tpu.memref_slice %arg4[%dma_wait3A_58, %dma_wait3A_59] : memref<819200x64xf32, #tpu.memory_space<hbm>> -> memref<512x64xf32, #tpu.memory_space<hbm>>
    tpu.wait_dma2 semaphore(%arg12 : memref<!tpu.dma_semaphore, #tpu.memory_space<semaphore_mem>>) src(%arg7 : memref<512x64xf32, #tpu.memory_space<vmem>>) dst(%dma_wait3A_60 : memref<512x64xf32, #tpu.memory_space<hbm>>)
    return
  }
}

</mosaic_0001>

<sc_bundles>
// kernel: kernel.3.cloned.1.call-start
scs
__scs_entry_jumppad:
0x0: {  	(pc) =	sbr.rel $0x88, $3  }
0x1: {  	(tag) =	ssettag $0x0;
	lr =	simm.s32 $0x1  }
0x2: {  	[smem:$0x3F9F] =	sst lr;
	_ =	strace $0xD0000000  }
0x3: {  	_ = 	snop  }
0x4: {  	_ = 	snop  }
0x5: {  	_ = 	snop  }
0x6: {  	_ = 	snop  }
0x7: {  	_ = 	snop  }
__scs_overlays_trampoline_lowered:
0x8: {  	[smem:$0x3FAE] =	sst s0  }
0x9: {  	[smem:$0x3FAF] =	sst s1  }
0xa: {  	[smem:$0x3FB0] =	sst s2  }
0xb: {  	[smem:$0x3FB1] =	sst s3  }
0xc: {  	[smem:$0x3FB2] =	sst s4  }
0xd: {  	[smem:$0x3FB3] =	sst s5  }
0xe: {  	[smem:$0x3FB4] =	sst s6  }
0xf: {  	[smem:$0x3FB5] =	sst s7  }
0x10: {  	[smem:$0x3FB6] =	sst s8  }
0x11: {  	[smem:$0x3FB7] =	sst s9;
	s0 =	simm.s32 @!p0 $0x0  }
0x12: {  	s1 =	sld [smem:$0x3F9D];
	s0 =	simm.s32 @p0 $0x1  }
0x13: {  	[smem:$0x3FB8] =	sst s0;
	s0 =	simm.s32 @!p1 $0x0  }
0x14: {  	s2 =	sld [smem:$0x3F9C];
	s0 =	simm.s32 @p1 $0x1  }
0x15: {  	[smem:$0x3FB9] =	sst s0;
	s0 =	simm.s32 @!p2 $0x0  }
0x16: {  	s3 =	sld [smem:$0x3FDB];
	s0 =	simm.s32 @p2 $0x1  }
0x17: {  	s4 =	simm.s32 $0x1BF5;
	[smem:$0x3FBB] =	sst s0  }
0x18: {  	s0 =	sld [smem:$0x3F9E];
	_ =	swait.ge [sflag:s4], $0x0  }
0x19: {  	s7 =	sld [smem:$0x3F9F]  }
0x1a: {  	s8 =	sadd.s32 $0xFFFFE003, lr  }
0x1b: {  	s9 =	sadd.s32 $0xFFFFFEF7, lr;
	s5 =	simm.s32 $0xFFFFFFFF;
	p2 =	slt.u32 s8, $0xFFFFF086  }
0x1c: {  	p1 =	slt.u32 s9, $0xF7A;
	s5 =	simm.s32 @!p2 $0x0  }
0x1d: {  	s5 =	simm.s32 @p1 $0x1;
	p0 =	seq.s32 s7, s2  }
0x1e: {  	s7 =	smul.u32 @!p0 $0xF7A, s2;
	p2 =	seq.s32 @!p0 s5, $0x0  }
0x1f: {  	s9 =	smul.u32 $0xF7A, s1;
	s8 =	simm.s32 @!p0 $0x1BF5;
	p2 =	por !p2, p0  }
0x20: {  	[sflag:s8] =	ssyncset.s32 @!p0 $0xFFFFF086;
	s6 =	sadd.s32 @!p0 s3, s7;
	s7 =	simm.s32 @!p0 $0x108  }
0x21: {  	s3 =	sadd.s32 s3, s9;
	s6 =	sadd.s32 @!p0 $0x88, s6;
	s7 =	simm.s32 @p2 $0x1082  }
0x22: {  	[simem:s7], [sflag:s8] =	dma.local @!p0 [hbm:s6], $0xF7A  }
0x23: {  	s9 =	sor.u32 $0xD0000000, s2;
	s6 =	simm.s32 $0x108;
	_ =	swait.ge @!p0 [sflag:s8], $0x0  }
0x24: {  	s3 =	sadd.s32 $0x88, s3;
	s6 =	simm.s32 @!p1 $0x1082;
	[sflag:s4] =	ssyncset.s32 $0xFFFFF086  }
0x25: {  	[simem:s6], [sflag:s4] =	dma.local [hbm:s3], $0xF7A  }
0x26: {  	[smem:$0x3F9F] =	sst s1;
	(tag) =	ssettag s2;
	_ =	strace s9  }
0x27: {  	s1 =	sld [smem:$0x3FAF]  }
0x28: {  	s2 =	sld [smem:$0x3FB0]  }
0x29: {  	s4 =	sld [smem:$0x3FB2]  }
0x2a: {  	p0 =	seq.s32 s5, $0x0;
	s5 =	sld [smem:$0x3FB3]  }
0x2b: {  	s6 =	sld [smem:$0x3FB4]  }
0x2c: {  	s7 =	sld [smem:$0x3FB5]  }
0x2d: {  	s3 =	simm.s32 $0x108;
	s8 =	sld [smem:$0x3FB6]  }
0x2e: {  	s3 =	simm.s32 @!p0 $0x1082;
	s9 =	sld [smem:$0x3FB7]  }
0x2f: {  	lr =	sadd.s32 s0, s3;
	s0 =	sld [smem:$0x3FAE]  }
0x30: {  	s3 =	sld [smem:$0x3FB1]  }
0x31: {  	[smem:$0x3FBA] =	sst s10  }
0x32: {  	s10 =	sld [smem:$0x3FB8];
	_ =	sdelay $0x3  }
0x33: {  	p0 =	seq.s32 s10, $0x1;
	s10 =	sld [smem:$0x3FBA];
	_ =	sdelay $0x3  }
0x34: {  	[smem:$0x3FBA] =	sst s10  }
0x35: {  	s10 =	sld [smem:$0x3FB9];
	_ =	sdelay $0x3  }
0x36: {  	p1 =	seq.s32 s10, $0x1;
	s10 =	sld [smem:$0x3FBA];
	_ =	sdelay $0x3  }
0x37: {  	[smem:$0x3FBA] =	sst s10  }
0x38: {  	s10 =	sld [smem:$0x3FBB]  }
0x39: {  	_ = 	snop;
	(pc) =	sbr.ind lr, $3  }
0x3a: {  	_ = 	snop  }
0x3b: {  	_ = 	snop  }
0x3c: {  	p2 =	seq.s32 s10, $0x1;
	s10 =	sld [smem:$0x3FBA]  }
0x3d: {  	_ =	shalt  }
0x3e: {  	_ =	shalt  }
0x3f: {  	_ =	shalt  }
0x40: {  	_ =	shalt  }
0x41: {  	_ =	shalt  }
0x42: {  	_ =	shalt  }
0x43: {  	_ =	shalt  }
0x44: {  	_ =	shalt  }
0x45: {  	_ =	shalt  }
0x46: {  	_ =	shalt  }
0x47: {  	_ =	shalt  }
0x48: {  	_ =	shalt  }
0x49: {  	_ =	shalt  }
0x4a: {  	_ =	shalt  }
0x4b: {  	_ =	shalt  }
0x4c: {  	_ =	shalt  }
0x4d: {  	_ =	shalt  }
0x4e: {  	_ =	shalt  }
0x4f: {  	_ =	shalt  }
0x50: {  	_ =	shalt  }
0x51: {  	_ =	shalt  }
0x52: {  	_ =	shalt  }
0x53: {  	_ =	shalt  }
0x54: {  	_ =	shalt  }
0x55: {  	_ =	shalt  }
0x56: {  	_ =	shalt  }
0x57: {  	_ =	shalt  }
0x58: {  	_ =	shalt  }
0x59: {  	_ =	shalt  }
0x5a: {  	_ =	shalt  }
0x5b: {  	_ =	shalt  }
0x5c: {  	_ =	shalt  }
0x5d: {  	_ =	shalt  }
0x5e: {  	_ =	shalt  }
0x5f: {  	_ =	shalt  }
0x60: {  	_ =	shalt  }
0x61: {  	_ =	shalt  }
0x62: {  	_ =	shalt  }
0x63: {  	_ =	shalt  }
0x64: {  	_ =	shalt  }
0x65: {  	_ =	shalt  }
0x66: {  	_ =	shalt  }
0x67: {  	_ =	shalt  }
0x68: {  	_ =	shalt  }
0x69: {  	_ =	shalt  }
0x6a: {  	_ =	shalt  }
0x6b: {  	_ =	shalt  }
0x6c: {  	_ =	shalt  }
0x6d: {  	_ =	shalt  }
0x6e: {  	_ =	shalt  }
0x6f: {  	_ =	shalt  }
0x70: {  	_ =	shalt  }
0x71: {  	_ =	shalt  }
0x72: {  	_ =	shalt  }
0x73: {  	_ =	shalt  }
0x74: {  	_ =	shalt  }
0x75: {  	_ =	shalt  }
0x76: {  	_ =	shalt  }
0x77: {  	_ =	shalt  }
0x78: {  	_ =	shalt  }
0x79: {  	_ =	shalt  }
0x7a: {  	_ =	shalt  }
0x7b: {  	_ =	shalt  }
0x7c: {  	_ =	shalt  }
0x7d: {  	_ =	shalt  }
0x7e: {  	_ =	shalt  }
0x7f: {  	_ =	shalt  }
0x80: {  	_ =	shalt  }
0x81: {  	_ =	shalt  }
0x82: {  	_ =	shalt  }
0x83: {  	_ =	shalt  }
0x84: {  	_ =	shalt  }
0x85: {  	_ =	shalt  }
0x86: {  	_ =	shalt  }
0x87: {  	_ =	shalt  }
.Lfunc_end0:
.L_simem_size_0:
called_computation.1_lowered:
.L_overlay_start_0:
0x88: {  	s2 =	sld [smem:$0x3FD9]  }
0x89: {  	s3 =	sld [smem:$0x3FFE];
	_ =	sdelay $0x1  }
0x8a: {  	s1 =	srdreg.scid  }
0x8b: {  	s0 =	sand.u32 $0x1, s1  }
0x8c: {  	s17 =	sshll.u32 s0, $0xA;
	s2 =	sadd.s32 s3, s2  }
0x8d: {  	s2 =	sadd.s32 s2, s17  }
0x8e: {  	[smem:$0x3FC6] =	sst s2  }
0x8f: {  	_ = 	snop  }
0x90: {  	s2 =	sld [smem:$0x3FD0];
	(tm) =	ssettm $0x1  }
0x91: {  	s18 =	sld [smem:$0x3FFB];
	_ =	sdelay $0x3  }
0x92: {  	_ =	strace s18  }
0x93: {  	s3 =	sld [smem:$0x3FFC];
	_ =	sdelay $0x3  }
0x94: {  	_ =	strace s3  }
0x95: {  	s3 =	sld [smem:$0x3FFD];
	_ =	sdelay $0x3  }
0x96: {  	_ =	strace s3  }
0x97: {  	_ =	strace $0x8FFFFFFF  }
0x98: {  	s19 =	sld [smem:$0x3FDB];
	_ =	sdelay $0x1  }
0x99: {  	s4 =	simm.s32 $_scs_section_size  }
0x9a: {  	s5 =	simm.s32 $_size__tile_overlayer_lowered;
	s6 =	simm.s32 $_tile_overlayer_lowered  }
0x9b: {  	s22 =	simm.s32 $0x1BFF;
	s21 =	sshll.u32 s6, $0x1;
	s3 =	sadd.s32 s4, s19  }
0x9c: {  	s7 =	simm.s32 $0x0;
	s20 =	sshll.u32 s5, $0x1;
	s5 =	sadd.s32 s21, s3  }
0x9d: {  	[timem:s7], [sflag:s22] =	dma.local [hbm:s5], s20  }
0x9e: {  	_ =	swait.ge [sflag:s22], s20  }
0x9f: {  	s4 =	ssub.s32 $0x0, s20;
	[sflag:s22] =	ssyncset.done $0x0  }
0xa0: {  	[sflag:s22] =	ssyncadd.s32 s4;
	_ =	sdelay $0x1  }
0xa1: {  	s23 =	simm.s32 $0x1B8B  }
0xa2: {  	_ =	swait.ge [sflag:s23], $0x1  }
0xa3: {  	[sflag:s23] =	ssyncset.done $0x0  }
0xa4: {  	s25 =	simm.s32 $0x1B8E;
	s24 =	sld [smem:$0x3FFE];
	[sflag:s23] =	ssyncadd.s32 $0xFFFFFFFF  }
0xa5: {  	s26 =	simm.s32 $execute0_lowered;
	[smem:$0x3FD2] =	sst s25  }
0xa6: {  	s5 =	sshll.u32 s26, $0x1;
	_ =	strace $0x80000046;
	[dreg:$0x1] =	wrdreg $0xFFFFFFFF  }
0xa7: {  	s28 =	simm.s32 $_size_execute0_lowered;
	s3 =	sadd.s32 s3, s5;
	[dreg:$0x0] =	wrdreg $0x0  }
0xa8: {  	s5 =	sshll.u32 s28, $0x1;
	[dreg:$0x2] =	wrdreg s3  }
0xa9: {  	[dreg:$0x3] =	wrdreg s5  }
0xaa: {  	[dreg:$0x4] =	wrdreg $0xC0  }
0xab: {  	_ =	task [dreg:s7], $0x5FFFF  }
0xac: {  	[dreg:$0x1] =	wrdreg $0xFFFFFFFF  }
0xad: {  	[dreg:$0x0] =	wrdreg $0x60  }
0xae: {  	[dreg:$0x2] =	wrdreg s24  }
0xaf: {  	[dreg:$0x3] =	wrdreg s2  }
0xb0: {  	[dreg:$0x4] =	wrdreg $0x9  }
0xb1: {  	_ =	task.clear_ibuf [dreg:s7], $0x5FFFF;
	_ =	strace $0x90000046  }
0xb2: {  	s29 =	simm.s32 $0x9;
	_ =	strace $0x80000048  }
0xb3: {  	_ =	swait.ge [sflag:s29], $0x1  }
0xb4: {  	[sflag:s29] =	ssyncadd.s32 $0xFFFFFFFF  }
0xb5: {  	_ =	strace $0x90000048  }
0xb6: {  	_ =	sfence  }
0xb7: {  	s30 =	sld [smem:$0x0];
	_ =	sdelay $0x2  }
0xb8: {  	s31 =	sshll.u32 s1, $0xD;
	s1 =	sshrl.u32 s1, $0x2  }
0xb9: {  	s3 =	sand.u32 $0x4000, s31;
	s1 =	sadd.s32 s1, s30  }
0xba: {  	s0 =	sor.u32 s3, s0;
	s1 =	sshll.u32 s1, $0x11  }
0xbb: {  	s0 =	sor.u32 s1, s0  }
0xbc: {  	s0 =	sadd.s32 $0x8F2B, s0  }
0xbd: {  	[sflag:s0] =	ssyncadd.remote.s32 $0x1  }
0xbe: {  	_ =	sfence.sel $0xFFFF  }
0xbf: {  	[dreg:$0x0] =	wrdreg $0xFFFFFFFF;
	(pc) =	sbr.abs _section_cstart, $3  }
0xc0: {  	[dreg:$0x1] =	wrdreg $0xFFFFFFFF  }
0xc1: {  	_ =	task.clear_ibuf [dreg:s7], $0x2FFFF;
	_ =	strace $0x9FFFFFFF  }
0xc2: {  	(tm) =	ssettm $0x7FFFFFFF  }
0xc3: {  	_ =	shalt  }
tec
execute0_lowered:
.L_overlay_start_1:
0x0: {  	(tag) =	ssettag $0x1  }
0x1: {  	v0 =	vimm.s32 $0xBCAB9A89;
	v1 =	vimm.s32 $0xF0EFDECD;
	vm0 =	vcmask $0x1F10  }
0x2: {  	v2 =	vimm.s32 $0x78675645;
	v3 =	vimm.s32 $0xBDAC9B8A;
	v4 =	vimm.s32 $0xF1E0DFCE  }
0x3: {  	v5 =	vimm.s32 $0x35241302;
	v6 =	vimm.s32 $0x79685746;
	v7 =	vimm.s32 $0xBEAD9C8B  }
0x4: {  	v8 =	vimm.s32 $0xF2E1D0CF;
	v9 =	vimm.s32 $0x39281706;
	v10 =	vimm.s32 $0x7D6C5B4A  }
0x5: {  	v11 =	vimm.s32 $0xB2A1908F;
	v12 =	vimm.s32 $0xF6E5D4C3;
	v13 =	vimm.s32 $0x3D2C1B0A  }
0x6: {  	v14 =	vimm.s32 $0x71605F4E;
	v15 =	vimm.s32 $0xB6A59483;
	v16 =	vimm.s32 $0xFAE9D8C7  }
0x7: {  	v17 =	vimm.s32 $0x75645342;
	v18 =	vimm.s32 $0xBAA99887;
	v19 =	vimm.s32 $0xFEEDDCCB  }
0x8: {  	v20 =	vimm.s32 $0x3221100F;
	v21 =	vimm.s32 $0x76655443;
	v0 =	vunpack.c.0.s8.s32 v0  }
0x9: {  	v1 =	vunpack.c.0.s8.s32 v1;
	v2 =	vunpack.c.0.s8.s32 v2;
	v3 =	vunpack.c.0.s8.s32 v3  }
0xa: {  	v4 =	vunpack.c.0.s8.s32 v4;
	v5 =	vunpack.c.0.s8.s32 v5;
	v6 =	vunpack.c.0.s8.s32 v6  }
0xb: {  	v7 =	vunpack.c.0.s8.s32 v7;
	v8 =	vunpack.c.0.s8.s32 v8;
	v9 =	vunpack.c.0.s8.s32 v9  }
0xc: {  	v10 =	vunpack.c.0.s8.s32 v10;
	v11 =	vunpack.c.0.s8.s32 v11;
	v12 =	vunpack.c.0.s8.s32 v12  }
0xd: {  	v13 =	vunpack.c.0.s8.s32 v13;
	v0 =	vsel vm0, v1, v0;
	v1 =	vimm.s32 $0x34231201  }
0xe: {  	v14 =	vunpack.c.0.s8.s32 v14;
	v17 =	vunpack.c.0.s8.s32 v17;
	v1 =	vunpack.c.0.s8.s32 v1  }
0xf: {  	v18 =	vunpack.c.0.s8.s32 v18;
	v19 =	vunpack.c.0.s8.s32 v19;
	v20 =	vunpack.c.0.s8.s32 v20  }
0x10: {  	v21 =	vunpack.c.0.s8.s32 v21;
	v1 =	vsel vm0, v2, v1;
	v2 =	vsel vm0, v6, v5  }
0x11: {  	v5 =	vimm.s32 $0xBFAE9D8C;
	v6 =	vimm.s32 $0xF3E2D1C0;
	v1 =	vcombine.low v1, v0  }
0x12: {  	v0 =	vsel vm0, v4, v3;
	v3 =	vimm.s32 $0x36251403;
	v4 =	vimm.s32 $0x7A695847  }
0x13: {  	v5 =	vunpack.c.0.s8.s32 v5;
	v6 =	vunpack.c.0.s8.s32 v6;
	v2 =	vcombine.low v2, v0  }
0x14: {  	v0 =	vsel vm0, v8, v7;
	v3 =	vunpack.c.0.s8.s32 v3;
	v4 =	vunpack.c.0.s8.s32 v4  }
0x15: {  	v7 =	vimm.s32 $0x37261504;
	v8 =	vimm.s32 $0x7B6A5948;
	v5 =	vsel vm0, v6, v5  }
0x16: {  	v3 =	vsel vm0, v4, v3;
	v4 =	vunpack.c.0.s8.s32 v7;
	v7 =	vunpack.c.0.s8.s32 v8  }
0x17: {  	v6 =	vimm.s32 $0xB0AF9E8D;
	v1 =	vand.u32 $0xFF, v1;
	v8 =	vimm.s32 $0xF4E3D2C1  }
0x18: {  	v6 =	vunpack.c.0.s8.s32 v6;
	v4 =	vsel vm0, v7, v4;
	v7 =	vunpack.c.0.s8.s32 v8  }
0x19: {  	v2 =	vand.u32 $0xFF, v2;
	v3 =	vcombine.low v3, v0;
	v4 =	vcombine.low v4, v5  }
0x1a: {  	v5 =	vimm.s32 $0x38271605;
	v0 =	vsel vm0, v7, v6;
	v6 =	vimm.s32 $0x7C6B5A49  }
0x1b: {  	v8 =	vimm.s32 $0xF5E4D3C2;
	v5 =	vunpack.c.0.s8.s32 v5;
	v6 =	vunpack.c.0.s8.s32 v6  }
0x1c: {  	v8 =	vunpack.c.0.s8.s32 v8;
	v3 =	vand.u32 $0xFF, v3;
	v7 =	vimm.s32 $0xB1A09F8E  }
0x1d: {  	v7 =	vunpack.c.0.s8.s32 v7;
	v4 =	vand.u32 $0xFF, v4;
	v5 =	vsel vm0, v6, v5  }
0x1e: {  	v6 =	vsel vm0, v10, v9;
	v9 =	vimm.s32 $0xB3A29180;
	v10 =	vimm.s32 $0xF7E6D5C4  }
0x1f: {  	v5 =	vcombine.low v5, v0;
	v0 =	vsel vm0, v8, v7;
	v7 =	vimm.s32 $0x3A291807  }
0x20: {  	v8 =	vimm.s32 $0x7E6D5C4B;
	v9 =	vunpack.c.0.s8.s32 v9;
	v10 =	vunpack.c.0.s8.s32 v10  }
0x21: {  	v6 =	vcombine.low v6, v0;
	v7 =	vunpack.c.0.s8.s32 v7;
	v8 =	vunpack.c.0.s8.s32 v8  }
0x22: {  	v0 =	vsel vm0, v12, v11;
	v11 =	vimm.s32 $0x3B2A1908;
	v12 =	vimm.s32 $0x7F6E5D4C  }
0x23: {  	v7 =	vsel vm0, v8, v7;
	v8 =	vunpack.c.0.s8.s32 v11;
	v11 =	vunpack.c.0.s8.s32 v12  }
0x24: {  	v9 =	vsel vm0, v10, v9;
	v10 =	vimm.s32 $0xB4A39281;
	v12 =	vimm.s32 $0xF8E7D6C5  }
0x25: {  	v10 =	vunpack.c.0.s8.s32 v10;
	v8 =	vsel vm0, v11, v8;
	v11 =	vunpack.c.0.s8.s32 v12  }
0x26: {  	v7 =	vcombine.low v7, v0;
	v12 =	vimm.s32 $0xF9E8D7C6;
	v8 =	vcombine.low v8, v9  }
0x27: {  	v9 =	vimm.s32 $0x3C2B1A09;
	v0 =	vsel vm0, v11, v10;
	v10 =	vimm.s32 $0x706F5E4D  }
0x28: {  	v9 =	vunpack.c.0.s8.s32 v9;
	v11 =	vimm.s32 $0xB5A49382;
	v10 =	vunpack.c.0.s8.s32 v10  }
0x29: {  	v5 =	vand.u32 $0xFF, v5;
	v12 =	vunpack.c.0.s8.s32 v12;
	v11 =	vunpack.c.0.s8.s32 v11  }
0x2a: {  	v9 =	vsel vm0, v10, v9;
	v10 =	vunpack.c.0.s8.s32 v15;
	v15 =	vunpack.c.0.s8.s32 v16  }
0x2b: {  	v16 =	vimm.s32 $0x73625140;
	v9 =	vcombine.low v9, v0;
	v0 =	vsel vm0, v12, v11  }
0x2c: {  	v11 =	vsel vm0, v14, v13;
	v12 =	vimm.s32 $0x7261504F;
	v13 =	vimm.s32 $0xB7A69584  }
0x2d: {  	v11 =	vcombine.low v11, v0;
	v0 =	vsel vm0, v15, v10;
	v10 =	vimm.s32 $0x3E2D1C0B  }
0x2e: {  	v14 =	vimm.s32 $0xFBEAD9C8;
	v12 =	vunpack.c.0.s8.s32 v12;
	v10 =	vunpack.c.0.s8.s32 v10  }
0x2f: {  	v13 =	vunpack.c.0.s8.s32 v13;
	v14 =	vunpack.c.0.s8.s32 v14;
	v15 =	vimm.s32 $0x3F2E1D0C  }
0x30: {  	v10 =	vsel vm0, v12, v10;
	v12 =	vunpack.c.0.s8.s32 v15;
	v15 =	vunpack.c.0.s8.s32 v16  }
0x31: {  	s1 =	srdreg.scid;
	v16 =	vcombine.low v10, v0;
	v0 =	vsel vm0, v14, v13;
	v10 =	vimm.s32 $0xB8A79685  }
0x32: {  	s0 =	stileid.u32;
	s5 =	rddreg [dreg:$0x0];
	s2 =	simm.s32 $0x0;
	v13 =	vimm.s32 $0xFCEBDAC9;
	v14 =	vimm.s32 $0x302F1E0D;
	v12 =	vsel vm0, v15, v12  }
0x33: {  	s10 =	simm.s32 $0x6400;
	s11 =	simm.s32 $0x8400;
	s12 =	simm.s32 $0x100;
	v10 =	vunpack.c.0.s8.s32 v10;
	v13 =	vunpack.c.0.s8.s32 v13;
	v15 =	vimm.s32 $0x74635241  }
0x34: {  	s13 =	simm.s32 $0xA400;
	s14 =	simm.s32 $0x180;
	s15 =	simm.s32 $0xC400;
	v12 =	vcombine.low v12, v0;
	v0 =	vunpack.c.0.s8.s32 v14;
	v14 =	vunpack.c.0.s8.s32 v15  }
0x35: {  	s16 =	simm.s32 $0xE400;
	s17 =	simm.s32 $0x10400;
	s18 =	simm.s32 $0x12400;
	v6 =	vand.u32 $0xFF, v6;
	v7 =	vand.u32 $0xFF, v7;
	v15 =	vimm.s32 $0xFDECDBCA  }
0x36: {  	s19 =	simm.s32 $0x14400;
	s20 =	simm.s32 $0x1;
	s21 =	simm.s32 $0x16400;
	v10 =	vsel vm0, v13, v10;
	v13 =	vimm.s32 $0xB9A89786;
	v0 =	vsel vm0, v14, v0  }
0x37: {  	s22 =	simm.s32 $0x2;
	s23 =	simm.s32 $0x3;
	s24 =	simm.s32 $0x4;
	v13 =	vunpack.c.0.s8.s32 v13;
	v14 =	vunpack.c.0.s8.s32 v15;
	v15 =	vimm.s32 $0x31201F0E  }
0x38: {  	s4 =	sand.u32 $0x1, s1;
	s3 =	sshll.u32 s0, $0x1;
	s1 =	rddreg [dreg:$0x1];
	v8 =	vand.u32 $0xFF, v8;
	v9 =	vand.u32 $0xFF, v9;
	v15 =	vunpack.c.0.s8.s32 v15  }
0x39: {  	s25 =	simm.s32 $0x0;
	[smem:$0x7FF] =	sst s2;
	s6 =	sor.u32 s4, s3;
	v12 =	vand.u32 $0xFF, v12;
	v22 =	vcombine.low v0, v10;
	v10 =	vsel vm0, v14, v13  }
0x3a: {  	s8 =	ssub.s32 $0x2, s4;
	_ =	strace $0x80000047;
	s7 =	smul.u32 $0xC80, s6;
	v14 =	vsel vm0, v19, v18;
	v13 =	vsel vm0, v17, v15;
	v15 =	vsel vm0, v21, v20  }
0x3b: {  	s4 =	sadd.s32 $0xF42E00, s5;
	s9 =	sshrl.u32 s8, $0x1;
	s6 =	smul.u32 $0x190000, s6;
	v0 =	vlaneseq.u32;
	v17 =	vcombine.low v13, v10;
	v15 =	vcombine.low v15, v14  }
0x3c: {  	s31 =	ssub.s32 s8, s9;
	s8 =	simm.s32 $0x5;
	s5 =	sadd.s32 s7, s5;
	v0 =	vmul.u32 $0x11, v0;
	v10 =	vand.u32 $0xFF, v11;
	v11 =	vand.u32 $0xFF, v16  }
0x3d: {  	s9 =	simm.s32 $0x80;
	s7 =	smax.u32 s31, $0x1;
	s5 =	sadd.s32 $0xA00, s5;
	v13 =	vand.u32 $0xFF, v22;
	v14 =	vand.u32 $0xFF, v17;
	v15 =	vand.u32 $0xFF, v15  }
.LBB2_1:
0x3e: {  	[tilespmem:s2], [sflag:$0x5] =	stream.linear.gather [hbm4b:s5+s2], $0x6400, $0x38;
	[tilespmem:$0x16500] =	vst v63  }
0x3f: {  	_ =	swait.ge [sflag:s8], $0x6400  }
0x40: {  	[sflag:s8] =	ssyncset.done $0x0  }
0x41: {  	[sflag:s8] =	ssyncadd.s32 $0xFFFF9C00  }
0x42: {  	[tilespmem:s10], [sflag:$0x1] =	stream.indirect.gather [hbm4b:s4+s9], $0x40, s2, s9, $0xb8;
	[tilespmem:$0x16500] =	vst v63  }
0x43: {  	_ = 	snop  }
0x44: {  	[tilespmem:s11], [sflag:$0x1] =	stream.indirect.gather [hbm4b:s4+s9], $0x40, s9, s9, $0xb8;
	[tilespmem:$0x16500] =	vst v63  }
0x45: {  	_ = 	snop  }
0x46: {  	[tilespmem:s13], [sflag:$0x1] =	stream.indirect.gather [hbm4b:s4+s9], $0x40, s12, s9, $0xb8;
	[tilespmem:$0x16500] =	vst v63  }
0x47: {  	s26 =	simm.s32 $0x0  }
0x48: {  	[tilespmem:s15], [sflag:$0x1] =	stream.indirect.gather [hbm4b:s4+s9], $0x40, s14, s9, $0xb8;
	[tilespmem:$0x16500] =	vst v63  }
.LBB2_2:
0x49: {  	p0 =	seq.s32 s26, $0x0  }
0x4a: {  	s29 =	simm.s32 @!p0 $0x4  }
0x4b: {  	s28 =	sshllo.u32 s26, $0x1;
	_ =	swait.ge @!p0 [sflag:s29], $0x8000  }
0x4c: {  	s30 =	sshll.u32 s28, $0x9;
	[sflag:s29] =	ssyncset.done @!p0 $0x0  }
0x4d: {  	[sflag:s29] =	ssyncadd.s32 @!p0 $0xFFFF8000;
	s29 =	sand.u32 $0x3FFFFE00, s30  }
0x4e: {  	[tilespmem:s16], [sflag:$0x2] =	stream.indirect.gather [hbm4b:s4+s9], $0x40, s29, s9, $0xb8;
	[tilespmem:$0x16500] =	vst v63  }
0x4f: {  	s30 =	sor.u32 $0x80, s29  }
0x50: {  	[tilespmem:s17], [sflag:$0x2] =	stream.indirect.gather [hbm4b:s4+s9], $0x40, s30, s9, $0xb8;
	[tilespmem:$0x16500] =	vst v63  }
0x51: {  	s31 =	sor.u32 $0x100, s29  }
0x52: {  	[tilespmem:s18], [sflag:$0x2] =	stream.indirect.gather [hbm4b:s4+s9], $0x40, s31, s9, $0xb8;
	[tilespmem:$0x16500] =	vst v63  }
0x53: {  	s29 =	sor.u32 $0x180, s29  }
0x54: {  	[tilespmem:s19], [sflag:$0x2] =	stream.indirect.gather [hbm4b:s4+s9], $0x40, s29, s9, $0xb8;
	[tilespmem:$0x16500] =	vst v63  }
0x55: {  	_ =	swait.ge [sflag:s20], $0x2000  }
0x56: {  	[sflag:s20] =	ssyncset.done $0x0  }
0x57: {  	[sflag:s20] =	ssyncadd.s32 $0xFFFFE000  }
0x58: {  	_ =	swait.ge [sflag:s20], $0x2000  }
0x59: {  	[sflag:s20] =	ssyncset.done $0x0  }
0x5a: {  	[sflag:s20] =	ssyncadd.s32 $0xFFFFE000  }
0x5b: {  	_ =	swait.ge [sflag:s20], $0x2000  }
0x5c: {  	[sflag:s20] =	ssyncset.done $0x0  }
0x5d: {  	[sflag:s20] =	ssyncadd.s32 $0xFFFFE000  }
0x5e: {  	_ =	swait.ge [sflag:s20], $0x2000  }
0x5f: {  	[sflag:s20] =	ssyncset.done $0x0  }
0x60: {  	s29 =	simm.s32 $0x0;
	[sflag:s20] =	ssyncadd.s32 $0xFFFFE000  }
.LBB2_3:
0x61: {  	s30 =	sshra.s32 s29, $0x2  }
0x62: {  	v16 =	vld [tilespmem:s30+$0x6400]  }
0x63: {  	v17 =	vld [tilespmem:s30+$0x6410]  }
0x64: {  	v18 =	vld [tilespmem:s30+$0x6420]  }
0x65: {  	v19 =	vld [tilespmem:s30+$0x6430];
	_ =	sdelay $0x3  }
0x66: {  	v16 =	vmul.f32 v16, v16;
	v17 =	vmul.f32 v17, v17  }
0x67: {  	v18 =	vmul.f32 v18, v18;
	v19 =	vmul.f32 v19, v19;
	_ =	sdelay $0x1  }
0x68: {  	v16 =	vadd.f32 v17, v16;
	v17 =	vadd.f32 v19, v18;
	_ =	sdelay $0x1  }
0x69: {  	v16 =	vadd.f32 v17, v16;
	_ =	sdelay $0x1  }
0x6a: {  	[tilespmem:$0x16400] =	vst v16  }
0x6b: {  	v16 =	vld [tilespmem:s30+$0x6440]  }
0x6c: {  	v17 =	vld [tilespmem:s30+$0x6450]  }
0x6d: {  	v36 =	vld [tilespmem:s30+$0x6460]  }
0x6e: {  	v37 =	vld [tilespmem:s30+$0x6470];
	_ =	sdelay $0x3  }
0x6f: {  	v16 =	vmul.f32 v16, v16;
	v17 =	vmul.f32 v17, v17  }
0x70: {  	v18 =	vmul.f32 v36, v36;
	v19 =	vmul.f32 v37, v37;
	_ =	sdelay $0x1  }
0x71: {  	v16 =	vadd.f32 v17, v16;
	v17 =	vadd.f32 v19, v18;
	_ =	sdelay $0x1  }
0x72: {  	v16 =	vadd.f32 v17, v16;
	_ =	sdelay $0x1  }
0x73: {  	[tilespmem:$0x16410] =	vst v16  }
0x74: {  	v16 =	vld [tilespmem:s30+$0x6480]  }
0x75: {  	v17 =	vld [tilespmem:s30+$0x6490]  }
0x76: {  	v38 =	vld [tilespmem:s30+$0x64A0]  }
0x77: {  	v39 =	vld [tilespmem:s30+$0x64B0];
	_ =	sdelay $0x3  }
0x78: {  	v16 =	vmul.f32 v16, v16;
	v17 =	vmul.f32 v17, v17  }
0x79: {  	v18 =	vmul.f32 v38, v38;
	v19 =	vmul.f32 v39, v39;
	_ =	sdelay $0x1  }
0x7a: {  	v16 =	vadd.f32 v17, v16;
	v17 =	vadd.f32 v19, v18;
	_ =	sdelay $0x1  }
0x7b: {  	v16 =	vadd.f32 v17, v16;
	_ =	sdelay $0x1  }
0x7c: {  	[tilespmem:$0x16420] =	vst v16  }
0x7d: {  	v16 =	vld [tilespmem:s30+$0x64C0]  }
0x7e: {  	v17 =	vld [tilespmem:s30+$0x64D0]  }
0x7f: {  	v40 =	vld [tilespmem:s30+$0x64E0]  }
0x80: {  	v41 =	vld [tilespmem:s30+$0x64F0];
	_ =	sdelay $0x3  }
0x81: {  	v16 =	vmul.f32 v16, v16;
	v17 =	vmul.f32 v17, v17  }
0x82: {  	v18 =	vmul.f32 v40, v40;
	v19 =	vmul.f32 v41, v41;
	_ =	sdelay $0x1  }
0x83: {  	v16 =	vadd.f32 v17, v16;
	v17 =	vadd.f32 v19, v18;
	_ =	sdelay $0x1  }
0x84: {  	v16 =	vadd.f32 v17, v16;
	_ =	sdelay $0x1  }
0x85: {  	[tilespmem:$0x16430] =	vst v16  }
0x86: {  	v16 =	vld [tilespmem:s30+$0x6500]  }
0x87: {  	v17 =	vld [tilespmem:s30+$0x6510]  }
0x88: {  	v42 =	vld [tilespmem:s30+$0x6520]  }
0x89: {  	v43 =	vld [tilespmem:s30+$0x6530];
	_ =	sdelay $0x3  }
0x8a: {  	v16 =	vmul.f32 v16, v16;
	v17 =	vmul.f32 v17, v17  }
0x8b: {  	v18 =	vmul.f32 v42, v42;
	v19 =	vmul.f32 v43, v43;
	_ =	sdelay $0x1  }
0x8c: {  	v16 =	vadd.f32 v17, v16;
	v17 =	vadd.f32 v19, v18;
	_ =	sdelay $0x1  }
0x8d: {  	v16 =	vadd.f32 v17, v16;
	_ =	sdelay $0x1  }
0x8e: {  	[tilespmem:$0x16440] =	vst v16  }
0x8f: {  	v16 =	vld [tilespmem:s30+$0x6540]  }
0x90: {  	v17 =	vld [tilespmem:s30+$0x6550]  }
0x91: {  	v44 =	vld [tilespmem:s30+$0x6560]  }
0x92: {  	v45 =	vld [tilespmem:s30+$0x6570];
	_ =	sdelay $0x3  }
0x93: {  	v16 =	vmul.f32 v16, v16;
	v17 =	vmul.f32 v17, v17  }
0x94: {  	v18 =	vmul.f32 v44, v44;
	v19 =	vmul.f32 v45, v45;
	_ =	sdelay $0x1  }
0x95: {  	v16 =	vadd.f32 v17, v16;
	v17 =	vadd.f32 v19, v18;
	_ =	sdelay $0x1  }
0x96: {  	v16 =	vadd.f32 v17, v16;
	_ =	sdelay $0x1  }
0x97: {  	[tilespmem:$0x16450] =	vst v16  }
0x98: {  	v16 =	vld [tilespmem:s30+$0x6580]  }
0x99: {  	v17 =	vld [tilespmem:s30+$0x6590]  }
0x9a: {  	v46 =	vld [tilespmem:s30+$0x65A0]  }
0x9b: {  	v47 =	vld [tilespmem:s30+$0x65B0];
	_ =	sdelay $0x3  }
0x9c: {  	v16 =	vmul.f32 v16, v16;
	v17 =	vmul.f32 v17, v17  }
0x9d: {  	v18 =	vmul.f32 v46, v46;
	v19 =	vmul.f32 v47, v47;
	_ =	sdelay $0x1  }
0x9e: {  	v16 =	vadd.f32 v17, v16;
	v17 =	vadd.f32 v19, v18;
	_ =	sdelay $0x1  }
0x9f: {  	v16 =	vadd.f32 v17, v16;
	_ =	sdelay $0x1  }
0xa0: {  	[tilespmem:$0x16460] =	vst v16  }
0xa1: {  	v16 =	vld [tilespmem:s30+$0x65C0]  }
0xa2: {  	v17 =	vld [tilespmem:s30+$0x65D0]  }
0xa3: {  	v48 =	vld [tilespmem:s30+$0x65E0]  }
0xa4: {  	v49 =	vld [tilespmem:s30+$0x65F0];
	_ =	sdelay $0x3  }
0xa5: {  	v16 =	vmul.f32 v16, v16;
	v17 =	vmul.f32 v17, v17  }
0xa6: {  	v18 =	vmul.f32 v48, v48;
	v19 =	vmul.f32 v49, v49;
	_ =	sdelay $0x1  }
0xa7: {  	v16 =	vadd.f32 v17, v16;
	v17 =	vadd.f32 v19, v18;
	_ =	sdelay $0x1  }
0xa8: {  	v16 =	vadd.f32 v17, v16;
	_ =	sdelay $0x1  }
0xa9: {  	[tilespmem:$0x16470] =	vst v16  }
0xaa: {  	v16 =	vld [tilespmem:s30+$0x6600]  }
0xab: {  	v17 =	vld [tilespmem:s30+$0x6610]  }
0xac: {  	v50 =	vld [tilespmem:s30+$0x6620]  }
0xad: {  	v51 =	vld [tilespmem:s30+$0x6630];
	_ =	sdelay $0x3  }
0xae: {  	v16 =	vmul.f32 v16, v16;
	v17 =	vmul.f32 v17, v17  }
0xaf: {  	v18 =	vmul.f32 v50, v50;
	v19 =	vmul.f32 v51, v51;
	_ =	sdelay $0x1  }
0xb0: {  	v16 =	vadd.f32 v17, v16;
	v17 =	vadd.f32 v19, v18;
	_ =	sdelay $0x1  }
0xb1: {  	v16 =	vadd.f32 v17, v16;
	_ =	sdelay $0x1  }
0xb2: {  	[tilespmem:$0x16480] =	vst v16  }
0xb3: {  	v16 =	vld [tilespmem:s30+$0x6640]  }
0xb4: {  	v17 =	vld [tilespmem:s30+$0x6650]  }
0xb5: {  	v52 =	vld [tilespmem:s30+$0x6660]  }
0xb6: {  	v53 =	vld [tilespmem:s30+$0x6670];
	_ =	sdelay $0x3  }
0xb7: {  	v16 =	vmul.f32 v16, v16;
	v17 =	vmul.f32 v17, v17  }
0xb8: {  	v18 =	vmul.f32 v52, v52;
	v19 =	vmul.f32 v53, v53;
	_ =	sdelay $0x1  }
0xb9: {  	v16 =	vadd.f32 v17, v16;
	v17 =	vadd.f32 v19, v18;
	_ =	sdelay $0x1  }
0xba: {  	v16 =	vadd.f32 v17, v16;
	_ =	sdelay $0x1  }
0xbb: {  	[tilespmem:$0x16490] =	vst v16  }
0xbc: {  	v16 =	vld [tilespmem:s30+$0x6680]  }
0xbd: {  	v17 =	vld [tilespmem:s30+$0x6690]  }
0xbe: {  	v54 =	vld [tilespmem:s30+$0x66A0]  }
0xbf: {  	v55 =	vld [tilespmem:s30+$0x66B0];
	_ =	sdelay $0x3  }
0xc0: {  	v16 =	vmul.f32 v16, v16;
	v17 =	vmul.f32 v17, v17  }
0xc1: {  	v18 =	vmul.f32 v54, v54;
	v19 =	vmul.f32 v55, v55;
	_ =	sdelay $0x1  }
0xc2: {  	v16 =	vadd.f32 v17, v16;
	v17 =	vadd.f32 v19, v18;
	_ =	sdelay $0x1  }
0xc3: {  	v16 =	vadd.f32 v17, v16;
	_ =	sdelay $0x1  }
0xc4: {  	[tilespmem:$0x164A0] =	vst v16  }
0xc5: {  	v16 =	vld [tilespmem:s30+$0x66C0]  }
0xc6: {  	v17 =	vld [tilespmem:s30+$0x66D0]  }
0xc7: {  	v56 =	vld [tilespmem:s30+$0x66E0]  }
0xc8: {  	v57 =	vld [tilespmem:s30+$0x66F0];
	_ =	sdelay $0x3  }
0xc9: {  	v16 =	vmul.f32 v16, v16;
	v17 =	vmul.f32 v17, v17  }
0xca: {  	v18 =	vmul.f32 v56, v56;
	v19 =	vmul.f32 v57, v57;
	_ =	sdelay $0x1  }
0xcb: {  	v16 =	vadd.f32 v17, v16;
	v17 =	vadd.f32 v19, v18;
	_ =	sdelay $0x1  }
0xcc: {  	v16 =	vadd.f32 v17, v16;
	_ =	sdelay $0x1  }
0xcd: {  	[tilespmem:$0x164B0] =	vst v16  }
0xce: {  	v16 =	vld [tilespmem:s30+$0x6700]  }
0xcf: {  	v17 =	vld [tilespmem:s30+$0x6710]  }
0xd0: {  	v58 =	vld [tilespmem:s30+$0x6720]  }
0xd1: {  	v59 =	vld [tilespmem:s30+$0x6730];
	_ =	sdelay $0x3  }
0xd2: {  	v16 =	vmul.f32 v16, v16;
	v17 =	vmul.f32 v17, v17  }
0xd3: {  	v18 =	vmul.f32 v58, v58;
	v19 =	vmul.f32 v59, v59;
	_ =	sdelay $0x1  }
0xd4: {  	v16 =	vadd.f32 v17, v16;
	v17 =	vadd.f32 v19, v18;
	_ =	sdelay $0x1  }
0xd5: {  	v16 =	vadd.f32 v17, v16;
	_ =	sdelay $0x1  }
0xd6: {  	[tilespmem:$0x164C0] =	vst v16  }
0xd7: {  	v16 =	vld [tilespmem:s30+$0x6740]  }
0xd8: {  	v17 =	vld [tilespmem:s30+$0x6750]  }
0xd9: {  	v60 =	vld [tilespmem:s30+$0x6760]  }
0xda: {  	v61 =	vld [tilespmem:s30+$0x6770];
	_ =	sdelay $0x3  }
0xdb: {  	v16 =	vmul.f32 v16, v16;
	v17 =	vmul.f32 v17, v17  }
0xdc: {  	v18 =	vmul.f32 v60, v60;
	v19 =	vmul.f32 v61, v61;
	_ =	sdelay $0x1  }
0xdd: {  	v16 =	vadd.f32 v17, v16;
	v17 =	vadd.f32 v19, v18;
	_ =	sdelay $0x1  }
0xde: {  	v16 =	vadd.f32 v17, v16;
	_ =	sdelay $0x1  }
0xdf: {  	[tilespmem:$0x164D0] =	vst v16  }
0xe0: {  	v16 =	vld [tilespmem:s30+$0x6780]  }
0xe1: {  	v17 =	vld [tilespmem:s30+$0x6790]  }
0xe2: {  	v62 =	vld [tilespmem:s30+$0x67A0]  }
0xe3: {  	v63 =	vld [tilespmem:s30+$0x67B0];
	_ =	sdelay $0x3  }
0xe4: {  	v16 =	vmul.f32 v16, v16;
	v17 =	vmul.f32 v17, v17  }
0xe5: {  	v18 =	vmul.f32 v62, v62;
	v19 =	vmul.f32 v63, v63;
	_ =	sdelay $0x1  }
0xe6: {  	v16 =	vadd.f32 v17, v16;
	v17 =	vadd.f32 v19, v18;
	_ =	sdelay $0x1  }
0xe7: {  	v16 =	vadd.f32 v17, v16;
	_ =	sdelay $0x1  }
0xe8: {  	[tilespmem:$0x164E0] =	vst v16  }
0xe9: {  	v16 =	vld [tilespmem:s30+$0x67C0]  }
0xea: {  	v17 =	vld [tilespmem:s30+$0x67D0]  }
0xeb: {  	v21 =	vld [tilespmem:s30+$0x67E0]  }
0xec: {  	v22 =	vld [tilespmem:s30+$0x67F0];
	_ =	sdelay $0x3  }
0xed: {  	v16 =	vmul.f32 v16, v16;
	v17 =	vmul.f32 v17, v17  }
0xee: {  	v18 =	vmul.f32 v21, v21;
	v19 =	vmul.f32 v22, v22;
	_ =	sdelay $0x1  }
0xef: {  	v16 =	vadd.f32 v17, v16;
	v17 =	vadd.f32 v19, v18;
	_ =	sdelay $0x1  }
0xf0: {  	v16 =	vadd.f32 v17, v16;
	_ =	sdelay $0x1  }
0xf1: {  	[tilespmem:$0x164F0] =	vst v16  }
0xf2: {  	v16 =	vld.idx.msk [tilespmem:v0+s21+$0x0], $0xffff;
	_ =	sdelay $0x1  }
0xf3: {  	v17 =	vld.idx.msk [tilespmem:v1+s21+$0x0], $0xffff;
	_ =	sdelay $0x1  }
0xf4: {  	v23 =	vld.idx.msk [tilespmem:v2+s21+$0x0], $0xffff  }
0xf5: {  	v16 =	vadd.f32 $0.0e+00, v16  }
0xf6: {  	v24 =	vld.idx.msk [tilespmem:v3+s21+$0x0], $0xffff  }
0xf7: {  	v16 =	vadd.f32 v17, v16  }
0xf8: {  	v17 =	vld.idx.msk [tilespmem:v4+s21+$0x0], $0xffff  }
0xf9: {  	v16 =	vadd.f32 v23, v16  }
0xfa: {  	v25 =	vld.idx.msk [tilespmem:v5+s21+$0x0], $0xffff  }
0xfb: {  	v16 =	vadd.f32 v24, v16  }
0xfc: {  	v26 =	vld.idx.msk [tilespmem:v6+s21+$0x0], $0xffff  }
0xfd: {  	v16 =	vadd.f32 v17, v16  }
0xfe: {  	v17 =	vld.idx.msk [tilespmem:v7+s21+$0x0], $0xffff  }
0xff: {  	v16 =	vadd.f32 v25, v16  }
0x100: {  	v27 =	vld.idx.msk [tilespmem:v8+s21+$0x0], $0xffff  }
0x101: {  	v16 =	vadd.f32 v26, v16  }
0x102: {  	v28 =	vld.idx.msk [tilespmem:v9+s21+$0x0], $0xffff  }
0x103: {  	v16 =	vadd.f32 v17, v16  }
0x104: {  	v17 =	vld.idx.msk [tilespmem:v10+s21+$0x0], $0xffff  }
0x105: {  	v16 =	vadd.f32 v27, v16  }
0x106: {  	v29 =	vld.idx.msk [tilespmem:v11+s21+$0x0], $0xffff  }
0x107: {  	v16 =	vadd.f32 v28, v16  }
0x108: {  	v30 =	vld.idx.msk [tilespmem:v12+s21+$0x0], $0xffff  }
0x109: {  	v16 =	vadd.f32 v17, v16  }
0x10a: {  	v17 =	vld.idx.msk [tilespmem:v13+s21+$0x0], $0xffff  }
0x10b: {  	v16 =	vadd.f32 v29, v16  }
0x10c: {  	v31 =	vld.idx.msk [tilespmem:v14+s21+$0x0], $0xffff  }
0x10d: {  	v16 =	vadd.f32 v30, v16  }
0x10e: {  	v32 =	vld.idx.msk [tilespmem:v15+s21+$0x0], $0xffff  }
0x10f: {  	v16 =	vadd.f32 v17, v16;
	_ =	sdelay $0x1  }
0x110: {  	v16 =	vadd.f32 v31, v16;
	_ =	sdelay $0x1  }
0x111: {  	v16 =	vadd.f32 v32, v16;
	_ =	sdelay $0x1  }
0x112: {  	v17 =	vshrl.u32 v16, $0x1;
	v16 =	vmul.f32 $5.000000000e-01, v16  }
0x113: {  	v17 =	vsub.s32 $0x5F3759DF, v17  }
0x114: {  	v33 =	vmul.f32 v17, v16;
	_ =	sdelay $0x1  }
0x115: {  	v18 =	vmul.f32 v17, v33;
	_ =	sdelay $0x1  }
0x116: {  	v18 =	vsub.f32 $1.500000000e+00, v18;
	_ =	sdelay $0x1  }
0x117: {  	v17 =	vmul.f32 v17, v18;
	_ =	sdelay $0x1  }
0x118: {  	v18 =	vmul.f32 v17, v16;
	_ =	sdelay $0x1  }
0x119: {  	v18 =	vmul.f32 v18, v17;
	_ =	sdelay $0x1  }
0x11a: {  	v18 =	vsub.f32 $1.500000000e+00, v18;
	_ =	sdelay $0x1  }
0x11b: {  	v17 =	vmul.f32 v18, v17;
	_ =	sdelay $0x1  }
0x11c: {  	v16 =	vmul.f32 v17, v16;
	_ =	sdelay $0x1  }
0x11d: {  	v16 =	vmul.f32 v16, v17;
	_ =	sdelay $0x1  }
0x11e: {  	v16 =	vsub.f32 $1.500000000e+00, v16;
	_ =	sdelay $0x1  }
0x11f: {  	v16 =	vmul.f32 v16, v17;
	v17 =	vld [tilespmem:s30+$0x6400]  }
0x120: {  	v34 =	vld [tilespmem:s30+$0x6410]  }
0x121: {  	v35 =	vld [tilespmem:s30+$0x6420];
	v16 =	vmin.f32 v16, $9.999999950e+11  }
0x122: {  	v21 =	vld [tilespmem:s30+$0x6430];
	v20 =	vbroadcast v16, $0x0  }
0x123: {  	v22 =	vld [tilespmem:s30+$0x6440]  }
0x124: {  	v23 =	vld [tilespmem:s30+$0x6450];
	v17 =	vmul.f32 v20, v17  }
0x125: {  	v24 =	vld [tilespmem:s30+$0x6460];
	v18 =	vmul.f32 v20, v34  }
0x126: {  	v25 =	vld [tilespmem:s30+$0x6470];
	v36 =	vbroadcast v16, $0x1;
	[tilespmem:s30+$0x6400] =	vst v17;
	v17 =	vmul.f32 v20, v35  }
0x127: {  	v38 =	vld [tilespmem:s30+$0x6480];
	v37 =	vmul.f32 v20, v21;
	[tilespmem:s30+$0x6410] =	vst v18  }
0x128: {  	v39 =	vld [tilespmem:s30+$0x6490];
	[tilespmem:s30+$0x6420] =	vst v17;
	v17 =	vmul.f32 v36, v22  }
0x129: {  	v41 =	vld [tilespmem:s30+$0x64A0];
	v40 =	vmul.f32 v36, v23;
	[tilespmem:s30+$0x6430] =	vst v37  }
0x12a: {  	v43 =	vld [tilespmem:s30+$0x64B0];
	v42 =	vbroadcast v16, $0x2;
	[tilespmem:s30+$0x6440] =	vst v17;
	v17 =	vmul.f32 v36, v24  }
0x12b: {  	v45 =	vld [tilespmem:s30+$0x64C0];
	v44 =	vmul.f32 v36, v25;
	[tilespmem:s30+$0x6450] =	vst v40  }
0x12c: {  	v46 =	vld [tilespmem:s30+$0x64D0];
	[tilespmem:s30+$0x6460] =	vst v17;
	v17 =	vmul.f32 v42, v38  }
0x12d: {  	v48 =	vld [tilespmem:s30+$0x64E0];
	v47 =	vmul.f32 v42, v39;
	[tilespmem:s30+$0x6470] =	vst v44  }
0x12e: {  	v50 =	vld [tilespmem:s30+$0x64F0];
	v49 =	vbroadcast v16, $0x3;
	[tilespmem:s30+$0x6480] =	vst v17;
	v17 =	vmul.f32 v41, v42  }
0x12f: {  	v52 =	vld [tilespmem:s30+$0x6500];
	v51 =	vmul.f32 v43, v42;
	[tilespmem:s30+$0x6490] =	vst v47  }
0x130: {  	v53 =	vld [tilespmem:s30+$0x6510];
	[tilespmem:s30+$0x64A0] =	vst v17;
	v17 =	vmul.f32 v45, v49  }
0x131: {  	v55 =	vld [tilespmem:s30+$0x6520];
	v54 =	vmul.f32 v46, v49;
	[tilespmem:s30+$0x64B0] =	vst v51  }
0x132: {  	v57 =	vld [tilespmem:s30+$0x6530];
	v56 =	vbroadcast v16, $0x4;
	[tilespmem:s30+$0x64C0] =	vst v17;
	v17 =	vmul.f32 v48, v49  }
0x133: {  	v59 =	vld [tilespmem:s30+$0x6540];
	v58 =	vmul.f32 v50, v49;
	[tilespmem:s30+$0x64D0] =	vst v54  }
0x134: {  	v60 =	vld [tilespmem:s30+$0x6550];
	[tilespmem:s30+$0x64E0] =	vst v17;
	v17 =	vmul.f32 v52, v56  }
0x135: {  	v62 =	vld [tilespmem:s30+$0x6560];
	v61 =	vmul.f32 v53, v56;
	[tilespmem:s30+$0x64F0] =	vst v58  }
0x136: {  	v31 =	vld [tilespmem:s30+$0x6590];
	v63 =	vbroadcast v16, $0x5;
	[tilespmem:s30+$0x6500] =	vst v17;
	v17 =	vmul.f32 v55, v56  }
0x137: {  	v30 =	vld [tilespmem:s30+$0x6580];
	v29 =	vmul.f32 v57, v56;
	[tilespmem:s30+$0x6510] =	vst v61  }
0x138: {  	v28 =	vld [tilespmem:s30+$0x6570];
	[tilespmem:s30+$0x6520] =	vst v17;
	v17 =	vmul.f32 v59, v63  }
0x139: {  	v33 =	vld [tilespmem:s30+$0x65A0];
	v32 =	vmul.f32 v60, v63;
	v34 =	vbroadcast v16, $0x6;
	[tilespmem:s30+$0x6530] =	vst v29  }
0x13a: {  	v35 =	vld [tilespmem:s30+$0x65B0];
	[tilespmem:s30+$0x6540] =	vst v17;
	v17 =	vmul.f32 v62, v63  }
0x13b: {  	[tilespmem:s30+$0x6550] =	vst v32;
	v37 =	vld [tilespmem:s30+$0x65C0];
	v39 =	vmul.f32 v31, v34  }
0x13c: {  	v38 =	vld [tilespmem:s30+$0x65D0];
	[tilespmem:s30+$0x6560] =	vst v17;
	v17 =	vmul.f32 v30, v34  }
0x13d: {  	v40 =	vld [tilespmem:s30+$0x65E0];
	[tilespmem:s30+$0x6590] =	vst v39;
	v36 =	vmul.f32 v28, v63  }
0x13e: {  	v41 =	vbroadcast v16, $0x7;
	v42 =	vld [tilespmem:s30+$0x65F0];
	[tilespmem:s30+$0x6580] =	vst v17;
	v17 =	vmul.f32 v33, v34  }
0x13f: {  	v44 =	vld [tilespmem:s30+$0x6600];
	v43 =	vmul.f32 v35, v34;
	[tilespmem:s30+$0x6570] =	vst v36  }
0x140: {  	v45 =	vld [tilespmem:s30+$0x6610];
	[tilespmem:s30+$0x65A0] =	vst v17;
	v17 =	vmul.f32 v37, v41  }
0x141: {  	v47 =	vld [tilespmem:s30+$0x6620];
	[tilespmem:s30+$0x65B0] =	vst v43;
	v46 =	vmul.f32 v38, v41  }
0x142: {  	v48 =	vbroadcast v16, $0x8;
	v49 =	vld [tilespmem:s30+$0x6630];
	[tilespmem:s30+$0x65C0] =	vst v17;
	v17 =	vmul.f32 v40, v41  }
0x143: {  	v51 =	vld [tilespmem:s30+$0x6640];
	[tilespmem:s30+$0x65D0] =	vst v46;
	v50 =	vmul.f32 v42, v41  }
0x144: {  	v52 =	vld [tilespmem:s30+$0x6650];
	[tilespmem:s30+$0x65E0] =	vst v17;
	v17 =	vmul.f32 v44, v48  }
0x145: {  	v54 =	vld [tilespmem:s30+$0x6660];
	[tilespmem:s30+$0x65F0] =	vst v50;
	v53 =	vmul.f32 v45, v48  }
0x146: {  	v55 =	vbroadcast v16, $0x9;
	v56 =	vld [tilespmem:s30+$0x6670];
	[tilespmem:s30+$0x6600] =	vst v17;
	v17 =	vmul.f32 v47, v48  }
0x147: {  	v58 =	vld [tilespmem:s30+$0x6680];
	[tilespmem:s30+$0x6610] =	vst v53;
	v57 =	vmul.f32 v49, v48  }
0x148: {  	v59 =	vld [tilespmem:s30+$0x6690];
	[tilespmem:s30+$0x6620] =	vst v17;
	v17 =	vmul.f32 v51, v55  }
0x149: {  	v61 =	vld [tilespmem:s30+$0x66A0];
	[tilespmem:s30+$0x6630] =	vst v57;
	v60 =	vmul.f32 v52, v55  }
0x14a: {  	v62 =	vbroadcast v16, $0xA;
	v63 =	vld [tilespmem:s30+$0x66B0];
	[tilespmem:s30+$0x6640] =	vst v17;
	v17 =	vmul.f32 v54, v55  }
0x14b: {  	v29 =	vld [tilespmem:s30+$0x66C0];
	[tilespmem:s30+$0x6650] =	vst v60;
	v28 =	vmul.f32 v56, v55  }
0x14c: {  	v30 =	vld [tilespmem:s30+$0x66D0];
	[tilespmem:s30+$0x6660] =	vst v17;
	v17 =	vmul.f32 v58, v62  }
0x14d: {  	v32 =	vld [tilespmem:s30+$0x66E0];
	[tilespmem:s30+$0x6670] =	vst v28;
	v31 =	vmul.f32 v59, v62  }
0x14e: {  	v33 =	vbroadcast v16, $0xB;
	v34 =	vld [tilespmem:s30+$0x66F0];
	[tilespmem:s30+$0x6680] =	vst v17;
	v17 =	vmul.f32 v61, v62  }
0x14f: {  	v36 =	vld [tilespmem:s30+$0x6700];
	[tilespmem:s30+$0x6690] =	vst v31;
	v35 =	vmul.f32 v63, v62  }
0x150: {  	v37 =	vld [tilespmem:s30+$0x6710];
	[tilespmem:s30+$0x66A0] =	vst v17;
	v17 =	vmul.f32 v29, v33  }
0x151: {  	v39 =	vld [tilespmem:s30+$0x6720];
	[tilespmem:s30+$0x66B0] =	vst v35;
	v38 =	vmul.f32 v30, v33  }
0x152: {  	v40 =	vbroadcast v16, $0xC;
	v41 =	vld [tilespmem:s30+$0x6730];
	[tilespmem:s30+$0x66C0] =	vst v17;
	v17 =	vmul.f32 v32, v33  }
0x153: {  	v43 =	vld [tilespmem:s30+$0x6740];
	[tilespmem:s30+$0x66D0] =	vst v38;
	v42 =	vmul.f32 v34, v33  }
0x154: {  	v44 =	vld [tilespmem:s30+$0x6750];
	[tilespmem:s30+$0x66E0] =	vst v17;
	v17 =	vmul.f32 v36, v40  }
0x155: {  	v46 =	vld [tilespmem:s30+$0x6760];
	[tilespmem:s30+$0x66F0] =	vst v42;
	v45 =	vmul.f32 v37, v40  }
0x156: {  	v47 =	vbroadcast v16, $0xD;
	v48 =	vld [tilespmem:s30+$0x6770];
	[tilespmem:s30+$0x6700] =	vst v17;
	v17 =	vmul.f32 v39, v40  }
0x157: {  	v50 =	vld [tilespmem:s30+$0x6780];
	[tilespmem:s30+$0x6710] =	vst v45;
	v49 =	vmul.f32 v41, v40  }
0x158: {  	v51 =	vld [tilespmem:s30+$0x6790];
	[tilespmem:s30+$0x6720] =	vst v17;
	v17 =	vmul.f32 v43, v47  }
0x159: {  	v53 =	vld [tilespmem:s30+$0x67A0];
	[tilespmem:s30+$0x6730] =	vst v49;
	v52 =	vmul.f32 v44, v47  }
0x15a: {  	v54 =	vbroadcast v16, $0xE;
	v55 =	vld [tilespmem:s30+$0x67B0];
	[tilespmem:s30+$0x6740] =	vst v17;
	v17 =	vmul.f32 v46, v47  }
0x15b: {  	v57 =	vld [tilespmem:s30+$0x67C0];
	[tilespmem:s30+$0x6750] =	vst v52;
	v56 =	vmul.f32 v48, v47  }
0x15c: {  	v58 =	vld [tilespmem:s30+$0x67D0];
	[tilespmem:s30+$0x6760] =	vst v17;
	v17 =	vmul.f32 v50, v54  }
0x15d: {  	v60 =	vld [tilespmem:s30+$0x67E0];
	[tilespmem:s30+$0x6770] =	vst v56;
	v59 =	vmul.f32 v51, v54  }
0x15e: {  	v16 =	vbroadcast v16, $0xF;
	v61 =	vld [tilespmem:s30+$0x67F0];
	[tilespmem:s30+$0x6780] =	vst v17;
	v17 =	vmul.f32 v53, v54  }
0x15f: {  	[tilespmem:s30+$0x6790] =	vst v59;
	v62 =	vmul.f32 v55, v54  }
0x160: {  	p0 =	sne.s32 s29, $0x1F000;
	[tilespmem:s30+$0x67A0] =	vst v17;
	v17 =	vmul.f32 v57, v16  }
.Ltmp0:
0x161: {  	[tilespmem:s30+$0x67B0] =	vst v62;
	v63 =	vmul.f32 v58, v16;
	(pc) =	sbr.rel @p0 .LBB2_3-.Ltmp0, $4  }
0x162: {  	[tilespmem:s30+$0x67C0] =	vst v17;
	v17 =	vmul.f32 v60, v16  }
0x163: {  	[tilespmem:s30+$0x67D0] =	vst v63;
	v16 =	vmul.f32 v61, v16  }
0x164: {  	[tilespmem:s30+$0x67E0] =	vst v17  }
0x165: {  	s29 =	sadd.s32 $0x1000, s29;
	[tilespmem:s30+$0x67F0] =	vst v16  }
0x166: {  	s29 =	sshll.u32 s26, $0x10  }
0x167: {  	s29 =	sadd.s32 s6, s29  }
0x168: {  	s29 =	sshrl.u32 s29, $0x3  }
0x169: {  	p0 =	seq.s32 s26, $0x18;
	s29 =	sadd.s32 s1, s29  }
0x16a: {  	[hbm4b:s29+s2] =	stream.linear.scatter [tilespmem:s10], [sflag:$0x3], $0x8000, $0x38;
	[tilespmem:$0x16500] =	vst v63  }
0x16b: {  	s29 =	simm.s32 @!p0 $0x3  }
0x16c: {  	_ =	swait.ge @!p0 [sflag:s29], $0x8000  }
0x16d: {  	s30 =	sshll.u32 @!p0 s26, $0xA;
	[sflag:s29] =	ssyncset.done @!p0 $0x0  }
0x16e: {  	[sflag:s29] =	ssyncadd.s32 @!p0 $0xFFFF8000;
	s29 =	sand.u32 @!p0 $0x3FFFFC00, s30  }
0x16f: {  	s31 =	simm.s32 @!p0 $0x80;
	s3 =	simm.s32 @!p0 $0x6400;
	s30 =	sadd.s32 @!p0 $0x400, s29  }
0x170: {  	[tilespmem:s3], [sflag:$0x1] =	stream.indirect.gather @!p0 [hbm4b:s4+s31], $0x40, s30, s31, $0xb8;
	[tilespmem:$0x16500] =	vst v63  }
0x171: {  	s3 =	sadd.s32 @!p0 $0x480, s29;
	s30 =	simm.s32 @!p0 $0x8400  }
0x172: {  	[tilespmem:s30], [sflag:$0x1] =	stream.indirect.gather @!p0 [hbm4b:s4+s31], $0x40, s3, s31, $0xb8;
	[tilespmem:$0x16500] =	vst v63  }
0x173: {  	s3 =	sadd.s32 @!p0 $0x500, s29;
	s30 =	simm.s32 @!p0 $0xA400  }
0x174: {  	[tilespmem:s30], [sflag:$0x1] =	stream.indirect.gather @!p0 [hbm4b:s4+s31], $0x40, s3, s31, $0xb8;
	[tilespmem:$0x16500] =	vst v63  }
0x175: {  	s3 =	sadd.s32 @!p0 $0x580, s29;
	s29 =	simm.s32 @!p0 $0xC400  }
0x176: {  	[tilespmem:s29], [sflag:$0x1] =	stream.indirect.gather @!p0 [hbm4b:s4+s31], $0x40, s3, s31, $0xb8;
	[tilespmem:$0x16500] =	vst v63  }
0x177: {  	_ =	swait.ge [sflag:s22], $0x2000  }
0x178: {  	[sflag:s22] =	ssyncset.done $0x0  }
0x179: {  	[sflag:s22] =	ssyncadd.s32 $0xFFFFE000  }
0x17a: {  	_ =	swait.ge [sflag:s22], $0x2000  }
0x17b: {  	[sflag:s22] =	ssyncset.done $0x0  }
0x17c: {  	[sflag:s22] =	ssyncadd.s32 $0xFFFFE000  }
0x17d: {  	_ =	swait.ge [sflag:s22], $0x2000  }
0x17e: {  	[sflag:s22] =	ssyncset.done $0x0  }
0x17f: {  	[sflag:s22] =	ssyncadd.s32 $0xFFFFE000  }
0x180: {  	_ =	swait.ge [sflag:s22], $0x2000  }
0x181: {  	[sflag:s22] =	ssyncset.done $0x0  }
0x182: {  	s29 =	simm.s32 $0x0;
	[sflag:s22] =	ssyncadd.s32 $0xFFFFE000  }
.LBB2_5:
0x183: {  	s30 =	sshra.s32 s29, $0x2  }
0x184: {  	v16 =	vld [tilespmem:s30+$0xE400]  }
0x185: {  	v17 =	vld [tilespmem:s30+$0xE410]  }
0x186: {  	v18 =	vld [tilespmem:s30+$0xE420]  }
0x187: {  	v19 =	vld [tilespmem:s30+$0xE430];
	_ =	sdelay $0x3  }
0x188: {  	v16 =	vmul.f32 v16, v16;
	v17 =	vmul.f32 v17, v17  }
0x189: {  	v18 =	vmul.f32 v18, v18;
	v19 =	vmul.f32 v19, v19;
	_ =	sdelay $0x1  }
0x18a: {  	v16 =	vadd.f32 v17, v16;
	v17 =	vadd.f32 v19, v18;
	_ =	sdelay $0x1  }
0x18b: {  	v16 =	vadd.f32 v17, v16;
	_ =	sdelay $0x1  }
0x18c: {  	[tilespmem:$0x16400] =	vst v16  }
0x18d: {  	v16 =	vld [tilespmem:s30+$0xE440]  }
0x18e: {  	v17 =	vld [tilespmem:s30+$0xE450]  }
0x18f: {  	v36 =	vld [tilespmem:s30+$0xE460]  }
0x190: {  	v37 =	vld [tilespmem:s30+$0xE470];
	_ =	sdelay $0x3  }
0x191: {  	v16 =	vmul.f32 v16, v16;
	v17 =	vmul.f32 v17, v17  }
0x192: {  	v18 =	vmul.f32 v36, v36;
	v19 =	vmul.f32 v37, v37;
	_ =	sdelay $0x1  }
0x193: {  	v16 =	vadd.f32 v17, v16;
	v17 =	vadd.f32 v19, v18;
	_ =	sdelay $0x1  }
0x194: {  	v16 =	vadd.f32 v17, v16;
	_ =	sdelay $0x1  }
0x195: {  	[tilespmem:$0x16410] =	vst v16  }
0x196: {  	v16 =	vld [tilespmem:s30+$0xE480]  }
0x197: {  	v17 =	vld [tilespmem:s30+$0xE490]  }
0x198: {  	v38 =	vld [tilespmem:s30+$0xE4A0]  }
0x199: {  	v39 =	vld [tilespmem:s30+$0xE4B0];
	_ =	sdelay $0x3  }
0x19a: {  	v16 =	vmul.f32 v16, v16;
	v17 =	vmul.f32 v17, v17  }
0x19b: {  	v18 =	vmul.f32 v38, v38;
	v19 =	vmul.f32 v39, v39;
	_ =	sdelay $0x1  }
0x19c: {  	v16 =	vadd.f32 v17, v16;
	v17 =	vadd.f32 v19, v18;
	_ =	sdelay $0x1  }
0x19d: {  	v16 =	vadd.f32 v17, v16;
	_ =	sdelay $0x1  }
0x19e: {  	[tilespmem:$0x16420] =	vst v16  }
0x19f: {  	v16 =	vld [tilespmem:s30+$0xE4C0]  }
0x1a0: {  	v17 =	vld [tilespmem:s30+$0xE4D0]  }
0x1a1: {  	v40 =	vld [tilespmem:s30+$0xE4E0]  }
0x1a2: {  	v41 =	vld [tilespmem:s30+$0xE4F0];
	_ =	sdelay $0x3  }
0x1a3: {  	v16 =	vmul.f32 v16, v16;
	v17 =	vmul.f32 v17, v17  }
0x1a4: {  	v18 =	vmul.f32 v40, v40;
	v19 =	vmul.f32 v41, v41;
	_ =	sdelay $0x1  }
0x1a5: {  	v16 =	vadd.f32 v17, v16;
	v17 =	vadd.f32 v19, v18;
	_ =	sdelay $0x1  }
0x1a6: {  	v16 =	vadd.f32 v17, v16;
	_ =	sdelay $0x1  }
0x1a7: {  	[tilespmem:$0x16430] =	vst v16  }
0x1a8: {  	v16 =	vld [tilespmem:s30+$0xE500]  }
0x1a9: {  	v17 =	vld [tilespmem:s30+$0xE510]  }
0x1aa: {  	v42 =	vld [tilespmem:s30+$0xE520]  }
0x1ab: {  	v43 =	vld [tilespmem:s30+$0xE530];
	_ =	sdelay $0x3  }
0x1ac: {  	v16 =	vmul.f32 v16, v16;
	v17 =	vmul.f32 v17, v17  }
0x1ad: {  	v18 =	vmul.f32 v42, v42;
	v19 =	vmul.f32 v43, v43;
	_ =	sdelay $0x1  }
0x1ae: {  	v16 =	vadd.f32 v17, v16;
	v17 =	vadd.f32 v19, v18;
	_ =	sdelay $0x1  }
0x1af: {  	v16 =	vadd.f32 v17, v16;
	_ =	sdelay $0x1  }
0x1b0: {  	[tilespmem:$0x16440] =	vst v16  }
0x1b1: {  	v16 =	vld [tilespmem:s30+$0xE540]  }
0x1b2: {  	v17 =	vld [tilespmem:s30+$0xE550]  }
0x1b3: {  	v44 =	vld [tilespmem:s30+$0xE560]  }
0x1b4: {  	v45 =	vld [tilespmem:s30+$0xE570];
	_ =	sdelay $0x3  }
0x1b5: {  	v16 =	vmul.f32 v16, v16;
	v17 =	vmul.f32 v17, v17  }
0x1b6: {  	v18 =	vmul.f32 v44, v44;
	v19 =	vmul.f32 v45, v45;
	_ =	sdelay $0x1  }
0x1b7: {  	v16 =	vadd.f32 v17, v16;
	v17 =	vadd.f32 v19, v18;
	_ =	sdelay $0x1  }
0x1b8: {  	v16 =	vadd.f32 v17, v16;
	_ =	sdelay $0x1  }
0x1b9: {  	[tilespmem:$0x16450] =	vst v16  }
0x1ba: {  	v16 =	vld [tilespmem:s30+$0xE580]  }
0x1bb: {  	v17 =	vld [tilespmem:s30+$0xE590]  }
0x1bc: {  	v46 =	vld [tilespmem:s30+$0xE5A0]  }
0x1bd: {  	v47 =	vld [tilespmem:s30+$0xE5B0];
	_ =	sdelay $0x3  }
0x1be: {  	v16 =	vmul.f32 v16, v16;
	v17 =	vmul.f32 v17, v17  }
0x1bf: {  	v18 =	vmul.f32 v46, v46;
	v19 =	vmul.f32 v47, v47;
	_ =	sdelay $0x1  }
0x1c0: {  	v16 =	vadd.f32 v17, v16;
	v17 =	vadd.f32 v19, v18;
	_ =	sdelay $0x1  }
0x1c1: {  	v16 =	vadd.f32 v17, v16;
	_ =	sdelay $0x1  }
0x1c2: {  	[tilespmem:$0x16460] =	vst v16  }
0x1c3: {  	v16 =	vld [tilespmem:s30+$0xE5C0]  }
0x1c4: {  	v17 =	vld [tilespmem:s30+$0xE5D0]  }
0x1c5: {  	v48 =	vld [tilespmem:s30+$0xE5E0]  }
0x1c6: {  	v49 =	vld [tilespmem:s30+$0xE5F0];
	_ =	sdelay $0x3  }
0x1c7: {  	v16 =	vmul.f32 v16, v16;
	v17 =	vmul.f32 v17, v17  }
0x1c8: {  	v18 =	vmul.f32 v48, v48;
	v19 =	vmul.f32 v49, v49;
	_ =	sdelay $0x1  }
0x1c9: {  	v16 =	vadd.f32 v17, v16;
	v17 =	vadd.f32 v19, v18;
	_ =	sdelay $0x1  }
0x1ca: {  	v16 =	vadd.f32 v17, v16;
	_ =	sdelay $0x1  }
0x1cb: {  	[tilespmem:$0x16470] =	vst v16  }
0x1cc: {  	v16 =	vld [tilespmem:s30+$0xE600]  }
0x1cd: {  	v17 =	vld [tilespmem:s30+$0xE610]  }
0x1ce: {  	v50 =	vld [tilespmem:s30+$0xE620]  }
0x1cf: {  	v51 =	vld [tilespmem:s30+$0xE630];
	_ =	sdelay $0x3  }
0x1d0: {  	v16 =	vmul.f32 v16, v16;
	v17 =	vmul.f32 v17, v17  }
0x1d1: {  	v18 =	vmul.f32 v50, v50;
	v19 =	vmul.f32 v51, v51;
	_ =	sdelay $0x1  }
0x1d2: {  	v16 =	vadd.f32 v17, v16;
	v17 =	vadd.f32 v19, v18;
	_ =	sdelay $0x1  }
0x1d3: {  	v16 =	vadd.f32 v17, v16;
	_ =	sdelay $0x1  }
0x1d4: {  	[tilespmem:$0x16480] =	vst v16  }
0x1d5: {  	v16 =	vld [tilespmem:s30+$0xE640]  }
0x1d6: {  	v17 =	vld [tilespmem:s30+$0xE650]  }
0x1d7: {  	v52 =	vld [tilespmem:s30+$0xE660]  }
0x1d8: {  	v53 =	vld [tilespmem:s30+$0xE670];
	_ =	sdelay $0x3  }
0x1d9: {  	v16 =	vmul.f32 v16, v16;
	v17 =	vmul.f32 v17, v17  }
0x1da: {  	v18 =	vmul.f32 v52, v52;
	v19 =	vmul.f32 v53, v53;
	_ =	sdelay $0x1  }
0x1db: {  	v16 =	vadd.f32 v17, v16;
	v17 =	vadd.f32 v19, v18;
	_ =	sdelay $0x1  }
0x1dc: {  	v16 =	vadd.f32 v17, v16;
	_ =	sdelay $0x1  }
0x1dd: {  	[tilespmem:$0x16490] =	vst v16  }
0x1de: {  	v16 =	vld [tilespmem:s30+$0xE680]  }
0x1df: {  	v17 =	vld [tilespmem:s30+$0xE690]  }
0x1e0: {  	v54 =	vld [tilespmem:s30+$0xE6A0]  }
0x1e1: {  	v55 =	vld [tilespmem:s30+$0xE6B0];
	_ =	sdelay $0x3  }
0x1e2: {  	v16 =	vmul.f32 v16, v16;
	v17 =	vmul.f32 v17, v17  }
0x1e3: {  	v18 =	vmul.f32 v54, v54;
	v19 =	vmul.f32 v55, v55;
	_ =	sdelay $0x1  }
0x1e4: {  	v16 =	vadd.f32 v17, v16;
	v17 =	vadd.f32 v19, v18;
	_ =	sdelay $0x1  }
0x1e5: {  	v16 =	vadd.f32 v17, v16;
	_ =	sdelay $0x1  }
0x1e6: {  	[tilespmem:$0x164A0] =	vst v16  }
0x1e7: {  	v16 =	vld [tilespmem:s30+$0xE6C0]  }
0x1e8: {  	v17 =	vld [tilespmem:s30+$0xE6D0]  }
0x1e9: {  	v56 =	vld [tilespmem:s30+$0xE6E0]  }
0x1ea: {  	v57 =	vld [tilespmem:s30+$0xE6F0];
	_ =	sdelay $0x3  }
0x1eb: {  	v16 =	vmul.f32 v16, v16;
	v17 =	vmul.f32 v17, v17  }
0x1ec: {  	v18 =	vmul.f32 v56, v56;
	v19 =	vmul.f32 v57, v57;
	_ =	sdelay $0x1  }
0x1ed: {  	v16 =	vadd.f32 v17, v16;
	v17 =	vadd.f32 v19, v18;
	_ =	sdelay $0x1  }
0x1ee: {  	v16 =	vadd.f32 v17, v16;
	_ =	sdelay $0x1  }
0x1ef: {  	[tilespmem:$0x164B0] =	vst v16  }
0x1f0: {  	v16 =	vld [tilespmem:s30+$0xE700]  }
0x1f1: {  	v17 =	vld [tilespmem:s30+$0xE710]  }
0x1f2: {  	v58 =	vld [tilespmem:s30+$0xE720]  }
0x1f3: {  	v59 =	vld [tilespmem:s30+$0xE730];
	_ =	sdelay $0x3  }
0x1f4: {  	v16 =	vmul.f32 v16, v16;
	v17 =	vmul.f32 v17, v17  }
0x1f5: {  	v18 =	vmul.f32 v58, v58;
	v19 =	vmul.f32 v59, v59;
	_ =	sdelay $0x1  }
0x1f6: {  	v16 =	vadd.f32 v17, v16;
	v17 =	vadd.f32 v19, v18;
	_ =	sdelay $0x1  }
0x1f7: {  	v16 =	vadd.f32 v17, v16;
	_ =	sdelay $0x1  }
0x1f8: {  	[tilespmem:$0x164C0] =	vst v16  }
0x1f9: {  	v16 =	vld [tilespmem:s30+$0xE740]  }
0x1fa: {  	v17 =	vld [tilespmem:s30+$0xE750]  }
0x1fb: {  	v60 =	vld [tilespmem:s30+$0xE760]  }
0x1fc: {  	v61 =	vld [tilespmem:s30+$0xE770];
	_ =	sdelay $0x3  }
0x1fd: {  	v16 =	vmul.f32 v16, v16;
	v17 =	vmul.f32 v17, v17  }
0x1fe: {  	v18 =	vmul.f32 v60, v60;
	v19 =	vmul.f32 v61, v61;
	_ =	sdelay $0x1  }
0x1ff: {  	v16 =	vadd.f32 v17, v16;
	v17 =	vadd.f32 v19, v18;
	_ =	sdelay $0x1  }
0x200: {  	v16 =	vadd.f32 v17, v16;
	_ =	sdelay $0x1  }
0x201: {  	[tilespmem:$0x164D0] =	vst v16  }
0x202: {  	v16 =	vld [tilespmem:s30+$0xE780]  }
0x203: {  	v17 =	vld [tilespmem:s30+$0xE790]  }
0x204: {  	v62 =	vld [tilespmem:s30+$0xE7A0]  }
0x205: {  	v63 =	vld [tilespmem:s30+$0xE7B0];
	_ =	sdelay $0x3  }
0x206: {  	v16 =	vmul.f32 v16, v16;
	v17 =	vmul.f32 v17, v17  }
0x207: {  	v18 =	vmul.f32 v62, v62;
	v19 =	vmul.f32 v63, v63;
	_ =	sdelay $0x1  }
0x208: {  	v16 =	vadd.f32 v17, v16;
	v17 =	vadd.f32 v19, v18;
	_ =	sdelay $0x1  }
0x209: {  	v16 =	vadd.f32 v17, v16;
	_ =	sdelay $0x1  }
0x20a: {  	[tilespmem:$0x164E0] =	vst v16  }
0x20b: {  	v16 =	vld [tilespmem:s30+$0xE7C0]  }
0x20c: {  	v17 =	vld [tilespmem:s30+$0xE7D0]  }
0x20d: {  	v21 =	vld [tilespmem:s30+$0xE7E0]  }
0x20e: {  	v22 =	vld [tilespmem:s30+$0xE7F0];
	_ =	sdelay $0x3  }
0x20f: {  	v16 =	vmul.f32 v16, v16;
	v17 =	vmul.f32 v17, v17  }
0x210: {  	v18 =	vmul.f32 v21, v21;
	v19 =	vmul.f32 v22, v22;
	_ =	sdelay $0x1  }
0x211: {  	v16 =	vadd.f32 v17, v16;
	v17 =	vadd.f32 v19, v18;
	_ =	sdelay $0x1  }
0x212: {  	v16 =	vadd.f32 v17, v16;
	_ =	sdelay $0x1  }
0x213: {  	[tilespmem:$0x164F0] =	vst v16  }
0x214: {  	v16 =	vld.idx.msk [tilespmem:v0+s21+$0x0], $0xffff;
	_ =	sdelay $0x1  }
0x215: {  	v17 =	vld.idx.msk [tilespmem:v1+s21+$0x0], $0xffff;
	_ =	sdelay $0x1  }
0x216: {  	v23 =	vld.idx.msk [tilespmem:v2+s21+$0x0], $0xffff  }
0x217: {  	v16 =	vadd.f32 $0.0e+00, v16  }
0x218: {  	v24 =	vld.idx.msk [tilespmem:v3+s21+$0x0], $0xffff  }
0x219: {  	v16 =	vadd.f32 v17, v16  }
0x21a: {  	v17 =	vld.idx.msk [tilespmem:v4+s21+$0x0], $0xffff  }
0x21b: {  	v16 =	vadd.f32 v23, v16  }
0x21c: {  	v25 =	vld.idx.msk [tilespmem:v5+s21+$0x0], $0xffff  }
0x21d: {  	v16 =	vadd.f32 v24, v16  }
0x21e: {  	v26 =	vld.idx.msk [tilespmem:v6+s21+$0x0], $0xffff  }
0x21f: {  	v16 =	vadd.f32 v17, v16  }
0x220: {  	v17 =	vld.idx.msk [tilespmem:v7+s21+$0x0], $0xffff  }
0x221: {  	v16 =	vadd.f32 v25, v16  }
0x222: {  	v27 =	vld.idx.msk [tilespmem:v8+s21+$0x0], $0xffff  }
0x223: {  	v16 =	vadd.f32 v26, v16  }
0x224: {  	v28 =	vld.idx.msk [tilespmem:v9+s21+$0x0], $0xffff  }
0x225: {  	v16 =	vadd.f32 v17, v16  }
0x226: {  	v17 =	vld.idx.msk [tilespmem:v10+s21+$0x0], $0xffff  }
0x227: {  	v16 =	vadd.f32 v27, v16  }
0x228: {  	v29 =	vld.idx.msk [tilespmem:v11+s21+$0x0], $0xffff  }
0x229: {  	v16 =	vadd.f32 v28, v16  }
0x22a: {  	v30 =	vld.idx.msk [tilespmem:v12+s21+$0x0], $0xffff  }
0x22b: {  	v16 =	vadd.f32 v17, v16  }
0x22c: {  	v17 =	vld.idx.msk [tilespmem:v13+s21+$0x0], $0xffff  }
0x22d: {  	v16 =	vadd.f32 v29, v16  }
0x22e: {  	v31 =	vld.idx.msk [tilespmem:v14+s21+$0x0], $0xffff  }
0x22f: {  	v16 =	vadd.f32 v30, v16  }
0x230: {  	v32 =	vld.idx.msk [tilespmem:v15+s21+$0x0], $0xffff  }
0x231: {  	v16 =	vadd.f32 v17, v16;
	_ =	sdelay $0x1  }
0x232: {  	v16 =	vadd.f32 v31, v16;
	_ =	sdelay $0x1  }
0x233: {  	v16 =	vadd.f32 v32, v16;
	_ =	sdelay $0x1  }
0x234: {  	v17 =	vshrl.u32 v16, $0x1;
	v16 =	vmul.f32 $5.000000000e-01, v16  }
0x235: {  	v17 =	vsub.s32 $0x5F3759DF, v17  }
0x236: {  	v33 =	vmul.f32 v17, v16;
	_ =	sdelay $0x1  }
0x237: {  	v18 =	vmul.f32 v17, v33;
	_ =	sdelay $0x1  }
0x238: {  	v18 =	vsub.f32 $1.500000000e+00, v18;
	_ =	sdelay $0x1  }
0x239: {  	v17 =	vmul.f32 v17, v18;
	_ =	sdelay $0x1  }
0x23a: {  	v18 =	vmul.f32 v17, v16;
	_ =	sdelay $0x1  }
0x23b: {  	v18 =	vmul.f32 v18, v17;
	_ =	sdelay $0x1  }
0x23c: {  	v18 =	vsub.f32 $1.500000000e+00, v18;
	_ =	sdelay $0x1  }
0x23d: {  	v17 =	vmul.f32 v18, v17;
	_ =	sdelay $0x1  }
0x23e: {  	v16 =	vmul.f32 v17, v16;
	_ =	sdelay $0x1  }
0x23f: {  	v16 =	vmul.f32 v16, v17;
	_ =	sdelay $0x1  }
0x240: {  	v16 =	vsub.f32 $1.500000000e+00, v16;
	_ =	sdelay $0x1  }
0x241: {  	v16 =	vmul.f32 v16, v17;
	v17 =	vld [tilespmem:s30+$0xE400]  }
0x242: {  	v34 =	vld [tilespmem:s30+$0xE410]  }
0x243: {  	v35 =	vld [tilespmem:s30+$0xE420];
	v16 =	vmin.f32 v16, $9.999999950e+11  }
0x244: {  	v21 =	vld [tilespmem:s30+$0xE430];
	v20 =	vbroadcast v16, $0x0  }
0x245: {  	v22 =	vld [tilespmem:s30+$0xE440]  }
0x246: {  	v23 =	vld [tilespmem:s30+$0xE450];
	v17 =	vmul.f32 v20, v17  }
0x247: {  	v24 =	vld [tilespmem:s30+$0xE460];
	v18 =	vmul.f32 v20, v34  }
0x248: {  	v25 =	vld [tilespmem:s30+$0xE470];
	v36 =	vbroadcast v16, $0x1;
	[tilespmem:s30+$0xE400] =	vst v17;
	v17 =	vmul.f32 v20, v35  }
0x249: {  	v38 =	vld [tilespmem:s30+$0xE480];
	v37 =	vmul.f32 v20, v21;
	[tilespmem:s30+$0xE410] =	vst v18  }
0x24a: {  	v39 =	vld [tilespmem:s30+$0xE490];
	[tilespmem:s30+$0xE420] =	vst v17;
	v17 =	vmul.f32 v36, v22  }
0x24b: {  	v41 =	vld [tilespmem:s30+$0xE4A0];
	v40 =	vmul.f32 v36, v23;
	[tilespmem:s30+$0xE430] =	vst v37  }
0x24c: {  	v43 =	vld [tilespmem:s30+$0xE4B0];
	v42 =	vbroadcast v16, $0x2;
	[tilespmem:s30+$0xE440] =	vst v17;
	v17 =	vmul.f32 v36, v24  }
0x24d: {  	v45 =	vld [tilespmem:s30+$0xE4C0];
	v44 =	vmul.f32 v36, v25;
	[tilespmem:s30+$0xE450] =	vst v40  }
0x24e: {  	v46 =	vld [tilespmem:s30+$0xE4D0];
	[tilespmem:s30+$0xE460] =	vst v17;
	v17 =	vmul.f32 v42, v38  }
0x24f: {  	v48 =	vld [tilespmem:s30+$0xE4E0];
	v47 =	vmul.f32 v42, v39;
	[tilespmem:s30+$0xE470] =	vst v44  }
0x250: {  	v50 =	vld [tilespmem:s30+$0xE4F0];
	v49 =	vbroadcast v16, $0x3;
	[tilespmem:s30+$0xE480] =	vst v17;
	v17 =	vmul.f32 v41, v42  }
0x251: {  	v52 =	vld [tilespmem:s30+$0xE500];
	v51 =	vmul.f32 v43, v42;
	[tilespmem:s30+$0xE490] =	vst v47  }
0x252: {  	v53 =	vld [tilespmem:s30+$0xE510];
	[tilespmem:s30+$0xE4A0] =	vst v17;
	v17 =	vmul.f32 v45, v49  }
0x253: {  	v55 =	vld [tilespmem:s30+$0xE520];
	v54 =	vmul.f32 v46, v49;
	[tilespmem:s30+$0xE4B0] =	vst v51  }
0x254: {  	v57 =	vld [tilespmem:s30+$0xE530];
	v56 =	vbroadcast v16, $0x4;
	[tilespmem:s30+$0xE4C0] =	vst v17;
	v17 =	vmul.f32 v48, v49  }
0x255: {  	v59 =	vld [tilespmem:s30+$0xE540];
	v58 =	vmul.f32 v50, v49;
	[tilespmem:s30+$0xE4D0] =	vst v54  }
0x256: {  	v60 =	vld [tilespmem:s30+$0xE550];
	[tilespmem:s30+$0xE4E0] =	vst v17;
	v17 =	vmul.f32 v52, v56  }
0x257: {  	v62 =	vld [tilespmem:s30+$0xE560];
	v61 =	vmul.f32 v53, v56;
	[tilespmem:s30+$0xE4F0] =	vst v58  }
0x258: {  	v31 =	vld [tilespmem:s30+$0xE590];
	v63 =	vbroadcast v16, $0x5;
	[tilespmem:s30+$0xE500] =	vst v17;
	v17 =	vmul.f32 v55, v56  }
0x259: {  	v30 =	vld [tilespmem:s30+$0xE580];
	v29 =	vmul.f32 v57, v56;
	[tilespmem:s30+$0xE510] =	vst v61  }
0x25a: {  	v28 =	vld [tilespmem:s30+$0xE570];
	[tilespmem:s30+$0xE520] =	vst v17;
	v17 =	vmul.f32 v59, v63  }
0x25b: {  	v33 =	vld [tilespmem:s30+$0xE5A0];
	v32 =	vmul.f32 v60, v63;
	v34 =	vbroadcast v16, $0x6;
	[tilespmem:s30+$0xE530] =	vst v29  }
0x25c: {  	v35 =	vld [tilespmem:s30+$0xE5B0];
	[tilespmem:s30+$0xE540] =	vst v17;
	v17 =	vmul.f32 v62, v63  }
0x25d: {  	[tilespmem:s30+$0xE550] =	vst v32;
	v37 =	vld [tilespmem:s30+$0xE5C0];
	v39 =	vmul.f32 v31, v34  }
0x25e: {  	v38 =	vld [tilespmem:s30+$0xE5D0];
	[tilespmem:s30+$0xE560] =	vst v17;
	v17 =	vmul.f32 v30, v34  }
0x25f: {  	v40 =	vld [tilespmem:s30+$0xE5E0];
	[tilespmem:s30+$0xE590] =	vst v39;
	v36 =	vmul.f32 v28, v63  }
0x260: {  	v41 =	vbroadcast v16, $0x7;
	v42 =	vld [tilespmem:s30+$0xE5F0];
	[tilespmem:s30+$0xE580] =	vst v17;
	v17 =	vmul.f32 v33, v34  }
0x261: {  	v44 =	vld [tilespmem:s30+$0xE600];
	v43 =	vmul.f32 v35, v34;
	[tilespmem:s30+$0xE570] =	vst v36  }
0x262: {  	v45 =	vld [tilespmem:s30+$0xE610];
	[tilespmem:s30+$0xE5A0] =	vst v17;
	v17 =	vmul.f32 v37, v41  }
0x263: {  	v47 =	vld [tilespmem:s30+$0xE620];
	[tilespmem:s30+$0xE5B0] =	vst v43;
	v46 =	vmul.f32 v38, v41  }
0x264: {  	v48 =	vbroadcast v16, $0x8;
	v49 =	vld [tilespmem:s30+$0xE630];
	[tilespmem:s30+$0xE5C0] =	vst v17;
	v17 =	vmul.f32 v40, v41  }
0x265: {  	v51 =	vld [tilespmem:s30+$0xE640];
	[tilespmem:s30+$0xE5D0] =	vst v46;
	v50 =	vmul.f32 v42, v41  }
0x266: {  	v52 =	vld [tilespmem:s30+$0xE650];
	[tilespmem:s30+$0xE5E0] =	vst v17;
	v17 =	vmul.f32 v44, v48  }
0x267: {  	v54 =	vld [tilespmem:s30+$0xE660];
	[tilespmem:s30+$0xE5F0] =	vst v50;
	v53 =	vmul.f32 v45, v48  }
0x268: {  	v55 =	vbroadcast v16, $0x9;
	v56 =	vld [tilespmem:s30+$0xE670];
	[tilespmem:s30+$0xE600] =	vst v17;
	v17 =	vmul.f32 v47, v48  }
0x269: {  	v58 =	vld [tilespmem:s30+$0xE680];
	[tilespmem:s30+$0xE610] =	vst v53;
	v57 =	vmul.f32 v49, v48  }
0x26a: {  	v59 =	vld [tilespmem:s30+$0xE690];
	[tilespmem:s30+$0xE620] =	vst v17;
	v17 =	vmul.f32 v51, v55  }
0x26b: {  	v61 =	vld [tilespmem:s30+$0xE6A0];
	[tilespmem:s30+$0xE630] =	vst v57;
	v60 =	vmul.f32 v52, v55  }
0x26c: {  	v62 =	vbroadcast v16, $0xA;
	v63 =	vld [tilespmem:s30+$0xE6B0];
	[tilespmem:s30+$0xE640] =	vst v17;
	v17 =	vmul.f32 v54, v55  }
0x26d: {  	v29 =	vld [tilespmem:s30+$0xE6C0];
	[tilespmem:s30+$0xE650] =	vst v60;
	v28 =	vmul.f32 v56, v55  }
0x26e: {  	v30 =	vld [tilespmem:s30+$0xE6D0];
	[tilespmem:s30+$0xE660] =	vst v17;
	v17 =	vmul.f32 v58, v62  }
0x26f: {  	v32 =	vld [tilespmem:s30+$0xE6E0];
	[tilespmem:s30+$0xE670] =	vst v28;
	v31 =	vmul.f32 v59, v62  }
0x270: {  	v33 =	vbroadcast v16, $0xB;
	v34 =	vld [tilespmem:s30+$0xE6F0];
	[tilespmem:s30+$0xE680] =	vst v17;
	v17 =	vmul.f32 v61, v62  }
0x271: {  	v36 =	vld [tilespmem:s30+$0xE700];
	[tilespmem:s30+$0xE690] =	vst v31;
	v35 =	vmul.f32 v63, v62  }
0x272: {  	v37 =	vld [tilespmem:s30+$0xE710];
	[tilespmem:s30+$0xE6A0] =	vst v17;
	v17 =	vmul.f32 v29, v33  }
0x273: {  	v39 =	vld [tilespmem:s30+$0xE720];
	[tilespmem:s30+$0xE6B0] =	vst v35;
	v38 =	vmul.f32 v30, v33  }
0x274: {  	v40 =	vbroadcast v16, $0xC;
	v41 =	vld [tilespmem:s30+$0xE730];
	[tilespmem:s30+$0xE6C0] =	vst v17;
	v17 =	vmul.f32 v32, v33  }
0x275: {  	v43 =	vld [tilespmem:s30+$0xE740];
	[tilespmem:s30+$0xE6D0] =	vst v38;
	v42 =	vmul.f32 v34, v33  }
0x276: {  	v44 =	vld [tilespmem:s30+$0xE750];
	[tilespmem:s30+$0xE6E0] =	vst v17;
	v17 =	vmul.f32 v36, v40  }
0x277: {  	v46 =	vld [tilespmem:s30+$0xE760];
	[tilespmem:s30+$0xE6F0] =	vst v42;
	v45 =	vmul.f32 v37, v40  }
0x278: {  	v47 =	vbroadcast v16, $0xD;
	v48 =	vld [tilespmem:s30+$0xE770];
	[tilespmem:s30+$0xE700] =	vst v17;
	v17 =	vmul.f32 v39, v40  }
0x279: {  	v50 =	vld [tilespmem:s30+$0xE780];
	[tilespmem:s30+$0xE710] =	vst v45;
	v49 =	vmul.f32 v41, v40  }
0x27a: {  	v51 =	vld [tilespmem:s30+$0xE790];
	[tilespmem:s30+$0xE720] =	vst v17;
	v17 =	vmul.f32 v43, v47  }
0x27b: {  	v53 =	vld [tilespmem:s30+$0xE7A0];
	[tilespmem:s30+$0xE730] =	vst v49;
	v52 =	vmul.f32 v44, v47  }
0x27c: {  	v54 =	vbroadcast v16, $0xE;
	v55 =	vld [tilespmem:s30+$0xE7B0];
	[tilespmem:s30+$0xE740] =	vst v17;
	v17 =	vmul.f32 v46, v47  }
0x27d: {  	v57 =	vld [tilespmem:s30+$0xE7C0];
	[tilespmem:s30+$0xE750] =	vst v52;
	v56 =	vmul.f32 v48, v47  }
0x27e: {  	v58 =	vld [tilespmem:s30+$0xE7D0];
	[tilespmem:s30+$0xE760] =	vst v17;
	v17 =	vmul.f32 v50, v54  }
0x27f: {  	v60 =	vld [tilespmem:s30+$0xE7E0];
	[tilespmem:s30+$0xE770] =	vst v56;
	v59 =	vmul.f32 v51, v54  }
0x280: {  	v16 =	vbroadcast v16, $0xF;
	v61 =	vld [tilespmem:s30+$0xE7F0];
	[tilespmem:s30+$0xE780] =	vst v17;
	v17 =	vmul.f32 v53, v54  }
0x281: {  	[tilespmem:s30+$0xE790] =	vst v59;
	v62 =	vmul.f32 v55, v54  }
0x282: {  	p0 =	sne.s32 s29, $0x1F000;
	[tilespmem:s30+$0xE7A0] =	vst v17;
	v17 =	vmul.f32 v57, v16  }
.Ltmp1:
0x283: {  	[tilespmem:s30+$0xE7B0] =	vst v62;
	v63 =	vmul.f32 v58, v16;
	(pc) =	sbr.rel @p0 .LBB2_5-.Ltmp1, $4  }
0x284: {  	[tilespmem:s30+$0xE7C0] =	vst v17;
	v17 =	vmul.f32 v60, v16  }
0x285: {  	[tilespmem:s30+$0xE7D0] =	vst v63;
	v16 =	vmul.f32 v61, v16  }
0x286: {  	[tilespmem:s30+$0xE7E0] =	vst v17  }
0x287: {  	s29 =	sadd.s32 $0x1000, s29;
	[tilespmem:s30+$0xE7F0] =	vst v16  }
0x288: {  	s26 =	sadd.s32 $0x1, s26  }
0x289: {  	p0 =	sne.s32 s26, $0x19  }
.Ltmp2:
0x28a: {  	s3 =	sshll.u32 s28, $0xF;
	(pc) =	sbr.rel @p0 .LBB2_2-.Ltmp2, $4  }
0x28b: {  	s3 =	sadd.s32 s6, s3  }
0x28c: {  	s3 =	sshrl.u32 s3, $0x3  }
0x28d: {  	s3 =	sadd.s32 s1, s3  }
0x28e: {  	[hbm4b:s3+s2] =	stream.linear.scatter [tilespmem:s16], [sflag:$0x4], $0x8000, $0x38;
	[tilespmem:$0x16500] =	vst v63  }
0x28f: {  	s25 =	sadd.s32 $0x1, s25  }
0x290: {  	_ =	swait.ge [sflag:s23], $0x8000;
	p0 =	sne.s32 s25, s7  }
.Ltmp3:
0x291: {  	[sflag:s23] =	ssyncset.done $0x0;
	(pc) =	sbr.rel @p0 .LBB2_1-.Ltmp3, $4  }
0x292: {  	[sflag:s23] =	ssyncadd.s32 $0xFFFF8000  }
0x293: {  	_ =	swait.ge [sflag:s24], $0x8000  }
0x294: {  	[sflag:s24] =	ssyncset.done $0x0  }
0x295: {  	[sflag:s24] =	ssyncadd.s32 $0xFFFF8000  }
0x296: {  	_ =	sfence.sel $0x180000  }
0x297: {  	[bflag:$0x0] =	sbarrier.arrive $0xFFFF  }
0x298: {  	_ =	strace $0x90000047  }
0x299: {  	[bflag:$0x2] =	sbarrier.arrive $0xFFFF  }
0x29a: {  	p0 =	sne.s32 s0, $0x0;
	s0 =	rddreg [dreg:$0x2]  }
0x29b: {  	s0 =	sadd.s32 @!p0 $0x100000, s0  }
0x29c: {  	[sflag:s0] =	ssyncadd.tile.s32 @!p0 $0x1;
	_ =	shalt  }
.Lfunc_end2:
_tile_overlayer_lowered:
.L_overlay_start_2:
0x29d: {  	(tag) =	ssettag $0x2  }
0x29e: {  	s0 =	rddreg [dreg:$0x0];
	s2 =	stileid.u32  }
0x29f: {  	s1 =	rddreg [dreg:$0x1];
	p0 =	sne.s32 s2, $0x0  }
0x2a0: {  	s3 =	rddreg [dreg:$0x2];
	[bflag:$0x3] =	sbarrier.arrive $0xFFFF;
	s2 =	simm.s32 @!p0 $0x1C05  }
0x2a1: {  	[timem:s3], [sflag:s2] =	dma.local @!p0 [hbm:s0], s1  }
0x2a2: {  	s0 =	simm.s32 @!p0 $0x5  }
0x2a3: {  	_ =	swait.ge @!p0 [sflag:s0], s1  }
0x2a4: {  	s1 =	ssub.s32 @!p0 $0x0, s1;
	[sflag:s0] =	ssyncset.done @!p0 $0x0  }
0x2a5: {  	[sflag:s0] =	ssyncadd.s32 @!p0 s1  }
0x2a6: {  	[bflag:$0x3] =	sbarrier.arrive $0xFFFF  }
0x2a7: {  	_ =	shalt  }

// kernel: sparse-core-data-format-call.cloned.1.call-start
scs
called_computation_lowered:
.L_overlay_start_0:
0x0: {  	s2 =	sld [smem:$0x3FD9]  }
0x1: {  	s3 =	sld [smem:$0x3FFE];
	_ =	sdelay $0x1  }
0x2: {  	s1 =	srdreg.scid  }
0x3: {  	s0 =	sand.u32 $0x1, s1  }
0x4: {  	s18 =	sshll.u32 s0, $0xA;
	s2 =	sadd.s32 s3, s2  }
0x5: {  	s2 =	sadd.s32 s2, s18  }
0x6: {  	[smem:$0x3FC6] =	sst s2  }
0x7: {  	_ = 	snop  }
0x8: {  	s2 =	sld [smem:$0x3FD0];
	(tm) =	ssettm $0x1  }
0x9: {  	s19 =	sld [smem:$0x3FFB];
	_ =	sdelay $0x3  }
0xa: {  	_ =	strace s19  }
0xb: {  	s3 =	sld [smem:$0x3FFC];
	_ =	sdelay $0x3  }
0xc: {  	_ =	strace s3  }
0xd: {  	s3 =	sld [smem:$0x3FFD];
	_ =	sdelay $0x3  }
0xe: {  	_ =	strace s3  }
0xf: {  	_ =	strace $0x8FFFFFFF  }
0x10: {  	s20 =	sld [smem:$0x3FDB];
	_ =	sdelay $0x1  }
0x11: {  	s4 =	simm.s32 $_scs_section_size  }
0x12: {  	s5 =	simm.s32 $_size__tile_overlayer_lowered;
	s6 =	simm.s32 $_tile_overlayer_lowered  }
0x13: {  	s23 =	simm.s32 $0x1BFF;
	s22 =	sshll.u32 s6, $0x1;
	s3 =	sadd.s32 s4, s20  }
0x14: {  	s7 =	simm.s32 $0x0;
	s21 =	sshll.u32 s5, $0x1;
	s5 =	sadd.s32 s22, s3  }
0x15: {  	[timem:s7], [sflag:s23] =	dma.local [hbm:s5], s21  }
0x16: {  	_ =	swait.ge [sflag:s23], s21  }
0x17: {  	s4 =	ssub.s32 $0x0, s21;
	[sflag:s23] =	ssyncset.done $0x0  }
0x18: {  	[sflag:s23] =	ssyncadd.s32 s4;
	_ =	sdelay $0x1  }
0x19: {  	s24 =	simm.s32 $0x1B8B  }
0x1a: {  	_ =	swait.ge [sflag:s24], $0x1  }
0x1b: {  	[sflag:s24] =	ssyncset.done $0x0  }
0x1c: {  	s26 =	simm.s32 $0x1B8E;
	s25 =	sld [smem:$0x3FFE];
	[sflag:s24] =	ssyncadd.s32 $0xFFFFFFFF  }
0x1d: {  	s27 =	simm.s32 $execute0_lowered;
	[smem:$0x3FD2] =	sst s26  }
0x1e: {  	s5 =	sshll.u32 s27, $0x1;
	_ =	strace $0x80000049;
	[dreg:$0x1] =	wrdreg $0xFFFFFFFF  }
0x1f: {  	s28 =	simm.s32 $_size_execute0_lowered;
	s3 =	sadd.s32 s3, s5;
	[dreg:$0x0] =	wrdreg $0x0  }
0x20: {  	s5 =	sshll.u32 s28, $0x1;
	[dreg:$0x2] =	wrdreg s3  }
0x21: {  	[dreg:$0x3] =	wrdreg s5  }
0x22: {  	[dreg:$0x4] =	wrdreg $0xC0  }
0x23: {  	_ =	task [dreg:s7], $0x5FFFF  }
0x24: {  	[dreg:$0x1] =	wrdreg $0xFFFFFFFF  }
0x25: {  	[dreg:$0x0] =	wrdreg $0x60  }
0x26: {  	[dreg:$0x2] =	wrdreg s25  }
0x27: {  	[dreg:$0x3] =	wrdreg s2  }
0x28: {  	[dreg:$0x4] =	wrdreg $0x9  }
0x29: {  	_ =	task.clear_ibuf [dreg:s7], $0x5FFFF;
	_ =	strace $0x90000049  }
0x2a: {  	s29 =	simm.s32 $0x9;
	_ =	strace $0x8000004B  }
0x2b: {  	_ =	swait.ge [sflag:s29], $0x1  }
0x2c: {  	[sflag:s29] =	ssyncadd.s32 $0xFFFFFFFF  }
0x2d: {  	_ =	strace $0x9000004B  }
0x2e: {  	_ =	sfence  }
0x2f: {  	s30 =	sld [smem:$0x0];
	_ =	sdelay $0x2  }
0x30: {  	s31 =	sshll.u32 s1, $0xD;
	s1 =	sshrl.u32 s1, $0x2  }
0x31: {  	s3 =	sand.u32 $0x4000, s31;
	s1 =	sadd.s32 s1, s30  }
0x32: {  	s0 =	sor.u32 s3, s0;
	s1 =	sshll.u32 s1, $0x11  }
0x33: {  	s0 =	sor.u32 s1, s0  }
0x34: {  	s0 =	sadd.s32 $0x8F2B, s0  }
0x35: {  	[sflag:s0] =	ssyncadd.remote.s32 $0x1  }
0x36: {  	_ =	sfence.sel $0xFFFF  }
0x37: {  	[dreg:$0x0] =	wrdreg $0xFFFFFFFF;
	(pc) =	sbr.abs _section_cstart, $3  }
0x38: {  	[dreg:$0x1] =	wrdreg $0xFFFFFFFF  }
0x39: {  	_ =	task.clear_ibuf [dreg:s7], $0x2FFFF;
	_ =	strace $0x9FFFFFFF  }
0x3a: {  	(tm) =	ssettm $0x7FFFFFFF  }
0x3b: {  	_ =	shalt  }
tec
execute0_lowered:
.L_overlay_start_1:
0x0: {  	(tag) =	ssettag $0x1  }
0x1: {  	s0 =	srdreg.scid  }
0x2: {  	s1 =	sshll.u32 s0, $0x4  }
0x3: {  	s0 =	stileid.u32;
	s1 =	sand.u32 $0x10, s1  }
0x4: {  	s1 =	sor.u32 s0, s1  }
0x5: {  	s6 =	rddreg [dreg:$0x0];
	s4 =	simm.s32 $0x1;
	s2 =	sshll.u32 s1, $0x7  }
0x6: {  	s7 =	simm.s32 $0x2;
	s12 =	simm.s32 $0x0;
	s1 =	ssub.s32 $0x4000, s2  }
0x7: {  	s8 =	simm.s32 $0x20000;
	s13 =	simm.s32 $0x0;
	s3 =	sand.u32 $0xF80, s1  }
0x8: {  	s9 =	simm.s32 $0x0;
	s5 =	sshrl.u32 s1, $0xC;
	p0 =	sne.s32 s3, $0x0  }
.Ltmp0:
0x9: {  	s1 =	rddreg [dreg:$0x2];
	s4 =	simm.s32 @!p0 $0x0;
	(pc) =	sbr.rel .LBB1_1-.Ltmp0, $4  }
0xa: {  	s11 =	simm.s32 $0x0;
	s3 =	rddreg [dreg:$0x1];
	s5 =	sadd.s32 s4, s5  }
0xb: {  	_ =	strace $0x8000004A;
	s4 =	simm.s32 $0x1;
	s5 =	smul.u32 $0x32, s5  }
0xc: {  	s6 =	sadd.s32 $0xA00, s6;
	s10 =	smov.u32 s2;
	[sflag:s4] =	ssyncpa.u1 $0x0  }
0xd: {  	p0 =	por $0x0, $0x0;
	[sflag:s7] =	ssyncpa.u1 $0x0;
	s7 =	sor.u32 $0x1, s5  }
.LBB1_4:
0xe: {  	s16 =	sshll.u32 s13, $0x3;
	s17 =	sand.u32 $0x78, s13  }
0xf: {  	s30 =	sand.u32 $0x1F800, s13;
	s12 =	sshll.u32 s12, $0x11;
	s16 =	sand.u32 $0x3C00, s16  }
0x10: {  	[tilespmem:s15+$0x810 ss:$0x81] =	vst.msk $0xffff, v2;
	s31 =	sand.u32 $0x7, s13;
	s16 =	sor.u32 s17, s16;
	s17 =	sadd.s32 s3, s30  }
0x11: {  	[tilespmem:s15+$0x1020 ss:$0x81] =	vst.msk $0xffff, v0;
	s13 =	sshll.u32 s31, $0x12;
	s12 =	sadd.s32 s12, s17;
	s16 =	sshrl.u32 s16, $0x3  }
0x12: {  	[tilespmem:s15+$0x0 ss:$0x81] =	vst.msk $0xffff, v1;
	s13 =	sor.u32 $0x400, s13;
	s12 =	sadd.s32 s16, s12  }
0x13: {  	[hbm4b:s12+s13] =	stream.strided.scatter [tilespmem:s14], [sflag:$0x2], $0x2000, s8, s13, $0x20;
	[tilespmem:$0x8080] =	vst v63  }
.LBB1_5:
0x14: {  	s14 =	sadd.s32 $0x1, s9  }
0x15: {  	s12 =	sadd.s32 $0x1000, s10;
	s16 =	smov.u32 s10;
	p2 =	sgt.s32 s14, $0x31  }
0x16: {  	s16 =	smov.u32 @p2 s12  }
0x17: {  	s14 =	simm.s32 @p2 $0x0;
	p2 =	sgt.s32 s16, $0x3FFF  }
0x18: {  	s16 =	smov.u32 @p2 s2;
	p2 =	sne.s32 s11, s7  }
.Ltmp1:
0x19: {  	p1 =	slt.u32 s11, $0x2;
	(pc) =	sbr.rel @!p2 .LBB1_6-.Ltmp1, $4  }
0x1a: {  	s15 =	simm.s32 @!p1 $0x2  }
0x1b: {  	s13 =	smov.u32 s10;
	p0 =	por !p0, !p0;
	_ =	swait.ge @!p1 [sflag:s15], $0x2000  }
0x1c: {  	s12 =	smov.u32 s9;
	[sflag:s15] =	ssyncset.done @!p1 $0x0;
	s9 =	smov.u32 s14  }
0x1d: {  	s11 =	sadd.s32 $0x1, s11;
	[sflag:s15] =	ssyncadd.s32 @!p1 $0xFFFFE000;
	s10 =	smov.u32 s16  }
.LBB1_1:
0x1e: {  	p1 =	sge.u32 s11, s5  }
0x1f: {  	s14 =	sand.u32 @!p1 $0x1FFFFFF, s9  }
0x20: {  	s15 =	smulhi.u32 @!p1 $0x4924925, s14;
	_ =	sdelay $0x1  }
0x21: {  	s15 =	smul.u32 @!p1 $0x38, s15  }
0x22: {  	s16 =	sxor.u32 @!p1 $0xFFFFFFFF, s11;
	s17 =	smul.u32 @!p1 $0x380, s10  }
0x23: {  	s31 =	sadd.s32 $0xFFFFFFFF, s11;
	s16 =	sshll.u32 @!p1 s16, $0xD;
	s14 =	ssub.s32 @!p1 s14, s15  }
0x24: {  	s15 =	sand.u32 @!p1 $0x2000, s16;
	s16 =	sadd.s32 @!p1 s6, s17;
	s14 =	sshll.u32 @!p1 s14, $0x4  }
0x25: {  	s17 =	simm.s32 @!p1 $0x1C00;
	s14 =	sadd.s32 @!p1 s14, s16;
	s16 =	simm.s32 @!p1 $0x40  }
0x26: {  	[tilespmem:s15], [sflag:$0x1] =	stream.strided.gather @!p1 [hbm4b:s14+s16], $0x2000, s17, s16, $0x38;
	[tilespmem:$0x8080] =	vst v63  }
0x27: {  	p1 =	sge.u32 s31, s5  }
.Ltmp2:
0x28: {  	_ = 	snop;
	(pc) =	sbr.rel @p1 .LBB1_5-.Ltmp2, $1  }
0x29: {  	_ =	sdelay $0x3  }
0x2a: {  	s14 =	simm.s32 $0x1  }
0x2b: {  	_ =	swait.ge [sflag:s4], $0x2000;
	s14 =	simm.s32 @!p0 $0x0  }
0x2c: {  	[sflag:s4] =	ssyncset.done $0x0;
	s15 =	sshll.u32 s14, $0xD  }
0x2d: {  	[sflag:s4] =	ssyncadd.s32 $0xFFFFE000;
	s18 =	sor.u32 $0x20, s15  }
0x2e: {  	s14 =	smul.u32 $0x8100, s14;
	v3 =	vld [tilespmem:s18+$0x10]  }
0x2f: {  	s30 =	sand.u32 $0x1, s11;
	v2 =	vld [tilespmem:s18+$0xFFFFFFF0]  }
0x30: {  	s15 =	smul.u32 $0x8100, s30;
	s14 =	sshrl.u32 s14, $0x2;
	v0 =	vld [tilespmem:s18+$0x0]  }
0x31: {  	v1 =	vld [tilespmem:s18+$0xFFFFFFE0];
	s16 =	sor.u32 $0x4000, s14  }
0x32: {  	s31 =	sshrl.u32 s15, $0x2;
	s15 =	sadd.s32 $0x0, s16  }
0x33: {  	s17 =	simm.s32 $0x4;
	s18 =	sadd.s32 $0x40, s18;
	s14 =	sor.u32 $0x4000, s31;
	[tilespmem:s15+$0x1830 ss:$0x81] =	vst.msk $0xffff, v3  }
.LBB1_3:
0x34: {  	v3 =	vld [tilespmem:s18+$0x10];
	p1 =	sne.s32 s17, $0x1FC;
	[tilespmem:s15+$0x810 ss:$0x81] =	vst.msk $0xffff, v2;
	s19 =	smov.u32 s17;
	s17 =	sadd.s32 $0x4, s17  }
.Ltmp3:
0x35: {  	v2 =	vld [tilespmem:s18+$0xFFFFFFF0];
	[tilespmem:s15+$0x1020 ss:$0x81] =	vst.msk $0xffff, v0;
	(pc) =	sbr.rel @p1 .LBB1_3-.Ltmp3, $4  }
0x36: {  	v0 =	vld [tilespmem:s18+$0x0];
	[tilespmem:s15+$0x0 ss:$0x81] =	vst.msk $0xffff, v1  }
0x37: {  	s15 =	sshra.s32 s19, $0x2;
	v1 =	vld [tilespmem:s18+$0xFFFFFFE0]  }
0x38: {  	s15 =	sadd.s32 s15, s16  }
0x39: {  	s18 =	sadd.s32 $0x40, s18;
	[tilespmem:s15+$0x1830 ss:$0x81] =	vst.msk $0xffff, v3  }
.Ltmp4:
0x3a: {  	_ = 	snop;
	(pc) =	sbr.rel .LBB1_4-.Ltmp4, $1  }
0x3b: {  	_ =	sdelay $0x3  }
.LBB1_6:
0x3c: {  	_ =	sfence.sel $0x180000  }
0x3d: {  	s2 =	simm.s32 $0x1;
	[bflag:$0x0] =	sbarrier.arrive $0xFFFF  }
0x3e: {  	s31 =	simm.s32 $0x2;
	[sflag:s2] =	ssyncpa.u1 $0x1  }
0x3f: {  	[sflag:s31] =	ssyncpa.u1 $0x1  }
0x40: {  	p0 =	sne.s32 s0, $0x0;
	_ =	strace $0x9000004A  }
0x41: {  	s0 =	sadd.s32 @!p0 $0x100000, s1;
	[bflag:$0x2] =	sbarrier.arrive $0xFFFF  }
0x42: {  	[sflag:s0] =	ssyncadd.tile.s32 @!p0 $0x1;
	_ =	shalt  }
.Lfunc_end1:
_tile_overlayer_lowered:
.L_overlay_start_2:
0x43: {  	(tag) =	ssettag $0x2  }
0x44: {  	s0 =	rddreg [dreg:$0x0];
	s2 =	stileid.u32  }
0x45: {  	s1 =	rddreg [dreg:$0x1];
	p0 =	sne.s32 s2, $0x0  }
0x46: {  	s3 =	rddreg [dreg:$0x2];
	[bflag:$0x3] =	sbarrier.arrive $0xFFFF;
	s2 =	simm.s32 @!p0 $0x1C01  }
0x47: {  	[timem:s3], [sflag:s2] =	dma.local @!p0 [hbm:s0], s1  }
0x48: {  	s0 =	simm.s32 @!p0 $0x1  }
0x49: {  	_ =	swait.ge @!p0 [sflag:s0], s1  }
0x4a: {  	s1 =	ssub.s32 @!p0 $0x0, s1;
	[sflag:s0] =	ssyncset.done @!p0 $0x0  }
0x4b: {  	[sflag:s0] =	ssyncadd.s32 @!p0 s1  }
0x4c: {  	[bflag:$0x3] =	sbarrier.arrive $0xFFFF  }
0x4d: {  	_ =	shalt  }

</sc_bundles>
